<compile_context>
chip_gen: v7x
topology: tpu7x:2x2x1
jax: 0.10.2.dev20260603
libtpu: 0.0.44.dev20260713+nightly
codegen_flags: <defaults>
</compile_context>

<pallas_src>
import functools

import jax
import jax.numpy as jnp
from jax import lax
from jax.experimental import pallas as pl
from jax.experimental.pallas import tpu as pltpu
from jax.experimental.pallas import tpu_sc as plsc

_B, _N, _D = 4, 4096, 128
_K = 16
_H, _DH = 4, 32
_PEH = 32
_FFN = 512
_EPS = 1e-5

_QKV_BLK = 512
_KNN_BLK = 1024
_ATT_BLK = 512
_GCHUNK = 512

_IMAX = 0x7F7FFFFF
_SCALE = 1.0 / (_DH ** 0.5)


def _layer_norm(x, g, b):
    m = jnp.mean(x, axis=-1, keepdims=True)
    v = jnp.mean((x - m) ** 2, axis=-1, keepdims=True)
    return (x - m) / jnp.sqrt(v + _EPS) * g + b


def _gelu(x):
    return 0.5 * x * (1.0 + lax.erf(x * (2.0 ** -0.5)))


def _qkv_body(x_ref, g_ref, b_ref, wq_ref, q_ref, h_ref):
    h = _layer_norm(x_ref[...], g_ref[...], b_ref[...])
    q_ref[...] = jnp.dot(h, wq_ref[...], preferred_element_type=jnp.float32)
    h_ref[...] = h


def _qkv(x2d, g1, b1, wq_t):
    n_blocks = (_B * _N) // _QKV_BLK
    full = pl.BlockSpec((_D, _D), lambda i: (0, 0))
    vec = pl.BlockSpec((1, _D), lambda i: (0, 0))
    row = pl.BlockSpec((_QKV_BLK, _D), lambda i: (i, 0))
    return pl.pallas_call(
        _qkv_body,
        grid=(n_blocks,),
        in_specs=[row, vec, vec, full],
        out_specs=[row, row],
        out_shape=[jax.ShapeDtypeStruct((_B * _N, _D), jnp.float32)] * 2,
    )(x2d, g1, b1, wq_t)


_CW = 128
_NSL = _N // _CW
_R = 4


def _knn_body(xq_ref, xt_ref, idx_ref, *, b0):
    b = pl.program_id(0) + b0
    i = pl.program_id(1)
    xq = xq_ref[0]
    xt = xt_ref[0]
    sqq = jnp.sum(xq * xq, axis=-1, keepdims=True)
    sqk = jnp.sum(xt * xt, axis=0, keepdims=True)
    qk = jnp.dot(xq, xt, preferred_element_type=jnp.float32)
    d2 = jnp.maximum(sqq + sqk - 2.0 * qk, 0.0)
    col = lax.broadcasted_iota(jnp.int32, d2.shape, 1)
    rowg = i * _KNN_BLK + lax.broadcasted_iota(jnp.int32, d2.shape, 0)
    keys = jnp.where(col == rowg, _IMAX,
                     (lax.bitcast_convert_type(d2, jnp.int32) & ~0xFFF)
                     | col)
    rounds = []
    prev = None
    for r in range(_R):
        m = None
        for s in range(_NSL):
            ks = keys[:, s * _CW:(s + 1) * _CW]
            if prev is not None:
                ks = jnp.where(ks <= prev, _IMAX, ks)
            m = ks if m is None else jnp.minimum(m, ks)
        rounds.append(m)
        prev = m
    cand = jnp.concatenate(rounds, axis=1)
    picks = []
    mprev = None
    for _ in range(_K):
        cj = cand if mprev is None else jnp.where(cand <= mprev, _IMAX, cand)
        mprev = jnp.min(cj, axis=1, keepdims=True)
        picks.append(mprev & 0xFFF)
    idx_ref[0] = jnp.concatenate(picks, axis=1) + b * _N


def _knn(xyz_q, xyz_t, b0, nb):
    return pl.pallas_call(
        functools.partial(_knn_body, b0=b0),
        grid=(nb, _N // _KNN_BLK),
        in_specs=[
            pl.BlockSpec((1, _KNN_BLK, 8), lambda b, i: (b, i, 0)),
            pl.BlockSpec((1, 8, _N), lambda b, i: (b, 0, 0)),
        ],
        out_specs=pl.BlockSpec((1, _KNN_BLK, _K), lambda b, i: (b, i, 0)),
        out_shape=jax.ShapeDtypeStruct((nb, _N, _K), jnp.int32),
    )(xyz_q, xyz_t)


def _sc_gather(tbl, idx_flat):
    n_idx = idx_flat.shape[0]
    info = plsc.get_sparse_core_info()
    nw = info.num_cores * info.num_subcores
    per_w = n_idx // nw
    n_chunks = per_w // _GCHUNK
    mesh = plsc.VectorSubcoreMesh(core_axis_name="c", subcore_axis_name="s")

    @functools.partial(
        pl.kernel, mesh=mesh,
        out_type=jax.ShapeDtypeStruct((n_idx, _D), jnp.int32),
        scratch_types=[
            pltpu.VMEM((_GCHUNK,), jnp.int32),
            pltpu.VMEM((_GCHUNK, _D), jnp.int32),
            pltpu.SemaphoreType.DMA,
        ],
    )
    def gather_kernel(tbl_hbm, idx_hbm, gn_hbm, idx_v, buf, sem):
        wid = lax.axis_index("s") * info.num_cores + lax.axis_index("c")
        base = wid * per_w

        def body(c, carry):
            off = base + c * _GCHUNK
            pltpu.sync_copy(idx_hbm.at[pl.ds(off, _GCHUNK)], idx_v)
            pltpu.async_copy(tbl_hbm.at[idx_v], buf, sem).wait()
            pltpu.sync_copy(buf, gn_hbm.at[pl.ds(off, _GCHUNK)])
            return carry

        lax.fori_loop(0, n_chunks, body, 0)

    return gather_kernel(tbl, idx_flat)


def _attn_body(x_ref, q_ref, xq_ref, gn_ref,
               wk_ref, wv_ref,
               wpe1_ref, bpe1_ref, wpe2_ref, bpe2_ref,
               gmat_ref, hmat_ref,
               wproj_ref, bproj_ref, g2_ref, b2_ref,
               wf1_ref, bf1_ref, wf2_ref, bf2_ref,
               y_ref):
    blk = _ATT_BLK
    gn = gn_ref[...]
    lo = lax.bitcast_convert_type(gn << 16, jnp.float32)
    hi = lax.bitcast_convert_type(
        gn & jnp.int32(-65536), jnp.float32)
    xq = xq_ref[...]
    xn = jnp.concatenate([lo[:, 64:68], hi[:, 64:68]], axis=1)
    rel = (jnp.broadcast_to(xq[:, None, :], (blk, _K, 8))
           .reshape(blk * _K, 8)) - xn
    ph = jnp.dot(rel, wpe1_ref[...], preferred_element_type=jnp.float32)
    ph = _gelu(ph + bpe1_ref[...])
    pe = jnp.dot(ph.astype(jnp.bfloat16), wpe2_ref[...],
                 preferred_element_type=jnp.float32)
    pe = pe + bpe2_ref[...]

    hn = jnp.concatenate([lo[:, :64], hi[:, :64]], axis=1)
    hnb = hn.astype(jnp.bfloat16)
    kn = jnp.dot(hnb, wk_ref[...], preferred_element_type=jnp.float32)
    vn = jnp.dot(hnb, wv_ref[...], preferred_element_type=jnp.float32)
    q = q_ref[...]
    qb = jnp.broadcast_to(q[:, None, :], (blk, _K, _D)).reshape(blk * _K, _D)
    t = (kn + pe) * qb
    logits = jnp.dot(t, gmat_ref[...], preferred_element_type=jnp.float32)
    l3 = logits[:, :_H].reshape(blk, _K, _H)
    m = jnp.max(l3, axis=1, keepdims=True)
    e = jnp.exp(l3 - m)
    s = jnp.sum(e, axis=1, keepdims=True)
    attn = (e / s).reshape(blk * _K, _H)
    ab = jnp.dot(attn, hmat_ref[...], preferred_element_type=jnp.float32)
    w = ab * (vn + pe)
    out = jnp.sum(w.reshape(blk, _K, _D), axis=1)

    o = jnp.dot(out.astype(jnp.bfloat16), wproj_ref[...],
                preferred_element_type=jnp.float32)
    x2 = x_ref[...] + o + bproj_ref[...]
    h2 = _layer_norm(x2, g2_ref[...], b2_ref[...])
    f = _gelu(jnp.dot(h2.astype(jnp.bfloat16), wf1_ref[...],
                      preferred_element_type=jnp.float32) + bf1_ref[...])
    f = jnp.dot(f.astype(jnp.bfloat16), wf2_ref[...],
                preferred_element_type=jnp.float32)
    y_ref[...] = x2 + f + bf2_ref[...]


def _attention(off, nrows, x2d, q2d, xyzq2d, gn, wk_t, wv_t,
               wpe1_t8, bpe1, wpe2_t, bpe2,
               gmat, hmat, wproj_t, bproj, g2, b2, wf1_t, bf1, wf2_t, bf2):
    n_blocks = nrows // _ATT_BLK
    ob = off // _ATT_BLK
    row = pl.BlockSpec((_ATT_BLK, _D), lambda i: (i + ob, 0))
    rowx = pl.BlockSpec((_ATT_BLK, 8), lambda i: (i + ob, 0))
    nbr3 = pl.BlockSpec((_ATT_BLK * _K, _D), lambda i: (i, 0))

    def full(a, b):
        return pl.BlockSpec((a, b), lambda i: (0, 0))

    return pl.pallas_call(
        _attn_body,
        grid=(n_blocks,),
        in_specs=[row, row, rowx, nbr3,
                  full(_D, _D), full(_D, _D),
                  full(8, _PEH), full(1, _PEH), full(_PEH, _D), full(1, _D),
                  full(_D, _H), full(_H, _D),
                  full(_D, _D), full(1, _D), full(1, _D), full(1, _D),
                  full(_D, _FFN), full(1, _FFN), full(_FFN, _D), full(1, _D)],
        out_specs=pl.BlockSpec((_ATT_BLK, _D), lambda i: (i, 0)),
        out_shape=jax.ShapeDtypeStruct((nrows, _D), jnp.float32),
    )(x2d, q2d, xyzq2d, gn, wk_t, wv_t, wpe1_t8, bpe1, wpe2_t, bpe2,
      gmat, hmat, wproj_t, bproj, g2, b2, wf1_t, bf1, wf2_t, bf2)


def kernel(x, xyz, Wq, Wk, Wv, Wpe1, bpe1, Wpe2, bpe2, Wproj, bproj,
           Wf1, bf1, Wf2, bf2, g1, b1, g2, b2):
    x2d = x.reshape(_B * _N, _D)
    xyz8 = jnp.pad(xyz, ((0, 0), (0, 0), (0, 5)))
    xyz_t = jnp.swapaxes(xyz8, 1, 2)
    xyz128 = jnp.pad(xyz, ((0, 0), (0, 0), (0, _D - 3)))

    q2d, hf = _qkv(x2d, g1.reshape(1, _D), b1.reshape(1, _D), Wq.T)

    hb = hf.astype(jnp.bfloat16)
    xb = xyz8.reshape(_B * _N, 8).astype(jnp.bfloat16)
    zpad = jnp.zeros((_B * _N, 60), jnp.bfloat16)
    lo_plane = jnp.concatenate([hb[:, :64], xb[:, :4], zpad], axis=1)
    hi_plane = jnp.concatenate([hb[:, 64:], xb[:, 4:], zpad], axis=1)
    tbl_i32 = lax.bitcast_convert_type(
        jnp.stack([lo_plane, hi_plane], axis=-1), jnp.int32)

    hB = _B // 2
    hRows = hB * _N
    idx0 = _knn(xyz8[:hB], xyz_t[:hB], 0, hB).reshape(hRows * _K)
    idx1 = _knn(xyz8[hB:], xyz_t[hB:], hB, hB).reshape(hRows * _K)
    gn0 = _sc_gather(tbl_i32, idx0)
    gn1 = _sc_gather(tbl_i32, idx1)

    lane = jnp.arange(_D, dtype=jnp.int32)
    head = jnp.arange(_H, dtype=jnp.int32)
    gmat = jnp.asarray((lane[:, None] // _DH) == head[None, :],
                       jnp.float32) * _SCALE
    hmat = jnp.asarray(head[:, None] == (lane[None, :] // _DH), jnp.float32)

    wpe1_t8 = jnp.zeros((8, _PEH), jnp.float32).at[:3].set(Wpe1.T)

    bf = jnp.bfloat16
    xyzq2d = xyz8.reshape(_B * _N, 8)
    wargs = (Wk.T.astype(bf), Wv.T.astype(bf), wpe1_t8,
             bpe1.reshape(1, _PEH), Wpe2.T.astype(bf),
             bpe2.reshape(1, _D), gmat, hmat, Wproj.T.astype(bf),
             bproj.reshape(1, _D), g2.reshape(1, _D), b2.reshape(1, _D),
             Wf1.T.astype(bf), bf1.reshape(1, _FFN), Wf2.T.astype(bf),
             bf2.reshape(1, _D))
    y0 = _attention(0, hRows, x2d, q2d, xyzq2d, gn0, *wargs)
    y1 = _attention(hRows, hRows, x2d, q2d, xyzq2d, gn1, *wargs)
    return jnp.concatenate([y0, y1], axis=0).reshape(_B, _N, _D)

# --- scband reference (transcript-rebuilt; emitter-appended) ---
"""Pipeline reference for scband-point-transformer-block-5609227289187 (READ-ONLY COPY).

The authoritative reference and input builder live on the scoring server;
editing this copy changes nothing except your own understanding.
"""

import jax, jax.numpy as jnp
import numpy as np

DIM = 128
KNN = 16
HEADS = 4
DH = DIM // HEADS
PE_HID = 32
FFN_HID = DIM * 4
EPS = 1e-5
B, N = 4, 4096


def setup_inputs(seed: int = 0):
    key = jax.random.key(seed)
    ks = jax.random.split(key, 20)
    s = 0.05
    inp = {}
    inp['x'] = jax.random.normal(ks[0], (B, N, DIM), dtype=jnp.float32)
    inp['xyz'] = jax.random.normal(ks[1], (B, N, 3), dtype=jnp.float32)
    inp['Wq'] = jax.random.normal(ks[2], (DIM, DIM), dtype=jnp.float32) * s
    inp['Wk'] = jax.random.normal(ks[3], (DIM, DIM), dtype=jnp.float32) * s
    inp['Wv'] = jax.random.normal(ks[4], (DIM, DIM), dtype=jnp.float32) * s
    inp['Wpe1'] = jax.random.normal(ks[5], (PE_HID, 3), dtype=jnp.float32) * s
    inp['bpe1'] = jnp.zeros((PE_HID,), dtype=jnp.float32)
    inp['Wpe2'] = jax.random.normal(ks[6], (DIM, PE_HID), dtype=jnp.float32) * s
    inp['bpe2'] = jnp.zeros((DIM,), dtype=jnp.float32)
    inp['Wproj'] = jax.random.normal(ks[7], (DIM, DIM), dtype=jnp.float32) * s
    inp['bproj'] = jnp.zeros((DIM,), dtype=jnp.float32)
    inp['Wf1'] = jax.random.normal(ks[8], (FFN_HID, DIM), dtype=jnp.float32) * s
    inp['bf1'] = jnp.zeros((FFN_HID,), dtype=jnp.float32)
    inp['Wf2'] = jax.random.normal(ks[9], (DIM, FFN_HID), dtype=jnp.float32) * s
    inp['bf2'] = jnp.zeros((DIM,), dtype=jnp.float32)
    inp['g1'] = jnp.ones((DIM,), dtype=jnp.float32)
    inp['b1'] = jnp.zeros((DIM,), dtype=jnp.float32)
    inp['g2'] = jnp.ones((DIM,), dtype=jnp.float32)
    inp['b2'] = jnp.zeros((DIM,), dtype=jnp.float32)
    return inp


def layer_norm(x, g, b):
    m = jnp.mean(x, axis=-1, keepdims=True)
    v = jnp.mean((x - m) ** 2, axis=-1, keepdims=True)
    return (x - m) / jnp.sqrt(v + EPS) * g + b


def knn_indices(xyz, k):
    sq = jnp.sum(xyz * xyz, axis=-1)
    d2 = sq[:, :, None] + sq[:, None, :] - 2.0 * jnp.einsum('bnd,bmd->bnm', xyz, xyz)
    n = xyz.shape[1]
    d2 = d2 + jnp.eye(n, dtype=d2.dtype) * 1e12
    _, idx = jax.lax.top_k(-d2, k)
    return idx


def gather_points(points, idx):
    return jax.vmap(lambda p, i: p[i])(points, idx)


def reference(x, xyz, Wq, Wk, Wv, Wpe1, bpe1, Wpe2, bpe2, Wproj, bproj, Wf1, bf1, Wf2, bf2, g1, b1, g2, b2):
    Bx, Nx, C = x.shape
    idx = knn_indices(xyz, KNN)
    nbr_xyz = gather_points(xyz, idx)
    rel = xyz[:, :, None, :] - nbr_xyz
    h = layer_norm(x, g1, b1)
    q = (h @ Wq.T).reshape(Bx, Nx, HEADS, DH)
    kf = h @ Wk.T
    vf = h @ Wv.T
    k_n = gather_points(kf, idx).reshape(Bx, Nx, KNN, HEADS, DH)
    v_n = gather_points(vf, idx).reshape(Bx, Nx, KNN, HEADS, DH)
    pe = jax.nn.gelu(rel @ Wpe1.T + bpe1, approximate=False) @ Wpe2.T + bpe2
    pe = pe.reshape(Bx, Nx, KNN, HEADS, DH)
    logits = jnp.sum(q[:, :, None] * (k_n + pe), axis=-1) / (DH ** 0.5)
    attn = jax.nn.softmax(logits, axis=2)
    out = jnp.sum(attn[..., None] * (v_n + pe), axis=2).reshape(Bx, Nx, C)
    out = out @ Wproj.T + bproj
    x = x + out
    h2 = layer_norm(x, g2, b2)
    f = jax.nn.gelu(h2 @ Wf1.T + bf1, approximate=False) @ Wf2.T + bf2
    return x + f

if __name__ == "__main__":
    import jax
    _d = setup_inputs()
    print(jax.jit(kernel)(*tuple(_d.values())))

</pallas_src>

<mosaic_0001>
#map = affine_map<(d0, d1) -> (0, 0)>
#map1 = affine_map<(d0, d1) -> (0)>
module attributes {stable_mosaic.version = 14 : i64} {
  func.func @gather_kernel(%arg0: i32, %arg1: i32, %arg2: memref<16384x128xi32, #tpu.memory_space<hbm>>, %arg3: memref<131072xi32, #tpu.memory_space<hbm>>, %arg4: memref<131072x128xi32, #tpu.memory_space<hbm>>, %arg5: memref<512xi32, #tpu.memory_space<vmem>>, %arg6: memref<512x128xi32, #tpu.memory_space<vmem>>, %arg7: memref<!tpu.dma_semaphore, #tpu.memory_space<semaphore_mem>>) attributes {dimension_semantics = [#tpu.dimension_semantics<core_parallel>, #tpu.dimension_semantics<subcore_parallel>], iteration_bounds = array<i64: 2, 16>, scalar_prefetch = 0 : i64, scratch_operands = 3 : i64, tpu.core_type = #tpu.core_type<sc_vector_subcore>, window_params = [{transform_indices = #map}, {transform_indices = #map1}, {transform_indices = #map}]} {
    %mul3A = arith.constant 2 : i32
    %mul3A_0 = arith.muli %arg1, %mul3A : i32
    %add3A = arith.addi %mul3A_0, %arg0 : i32
    %mul3A_1 = arith.constant 4096 : i32
    %mul3A_2 = arith.muli %add3A, %mul3A_1 : i32
    %scan3A = arith.constant 0 : i32
    %scan3A_3 = arith.constant 0 : i32
    %scan3A_4 = arith.constant 8 : i32
    %scan3A_5 = arith.addi %scan3A_3, %scan3A_4 : i32
    %scan3A_6 = arith.constant 1 : i32
    scf.for %scan3A_8 = %scan3A_3 to %scan3A_5 step %scan3A_6  : i32 {
      %mul3A_9 = arith.constant 512 : i32
      %mul3A_10 = arith.muli %scan3A_8, %mul3A_9 : i32
      %add3A_11 = arith.addi %mul3A_2, %mul3A_10 : i32
      "tpu.region"() ({
        %run_scoped3A = tpu.sem_alloc : memref<!tpu.dma_semaphore, #tpu.memory_space<semaphore_mem>>
        %dma_start3A_16 = tpu.memref_slice %arg3[%add3A_11] : memref<131072xi32, #tpu.memory_space<hbm>> -> memref<512xi32, #tpu.memory_space<hbm>>
        %dma_start3A_17 = tpu.memref_slice %arg3[%add3A_11] : memref<131072xi32, #tpu.memory_space<hbm>> -> memref<512xi32, #tpu.memory_space<hbm>>
        tpu.enqueue_dma source(%dma_start3A_17 : memref<512xi32, #tpu.memory_space<hbm>>) target(%arg5 : memref<512xi32, #tpu.memory_space<vmem>>) target_semaphore(%run_scoped3A : memref<!tpu.dma_semaphore, #tpu.memory_space<semaphore_mem>>)
        %dma_wait3A_18 = tpu.memref_slice %arg3[%add3A_11] : memref<131072xi32, #tpu.memory_space<hbm>> -> memref<512xi32, #tpu.memory_space<hbm>>
        %dma_wait3A_19 = tpu.memref_slice %arg3[%add3A_11] : memref<131072xi32, #tpu.memory_space<hbm>> -> memref<512xi32, #tpu.memory_space<hbm>>
        tpu.wait_dma2 semaphore(%run_scoped3A : memref<!tpu.dma_semaphore, #tpu.memory_space<semaphore_mem>>) src(%dma_wait3A_19 : memref<512xi32, #tpu.memory_space<hbm>>) dst(%arg5 : memref<512xi32, #tpu.memory_space<vmem>>)
        tpu.yield
      }) : () -> ()
      %dma_start3A = arith.constant 0 : i32
      %dma_start3A_12 = arith.constant 0 : i32
      %dma_start3A_13 = tpu.memref_slice %arg2[%dma_start3A, %dma_start3A_12] : memref<16384x128xi32, #tpu.memory_space<hbm>> -> memref<16384x128xi32, #tpu.memory_space<hbm>>
      tpu.enqueue_indirect_dma source(%dma_start3A_13 : memref<16384x128xi32, #tpu.memory_space<hbm>>) target(%arg6 : memref<512x128xi32, #tpu.memory_space<vmem>>) offsets(%arg5 : memref<512xi32, #tpu.memory_space<vmem>>) semaphore(%arg7 : memref<!tpu.dma_semaphore, #tpu.memory_space<semaphore_mem>>)
      %dma_wait3A = arith.constant 0 : i32
      %dma_wait3A_14 = arith.constant 0 : i32
      %dma_wait3A_15 = tpu.memref_slice %arg2[%dma_wait3A, %dma_wait3A_14] : memref<16384x128xi32, #tpu.memory_space<hbm>> -> memref<16384x128xi32, #tpu.memory_space<hbm>>
      tpu.wait_indirect_dma semaphore(%arg7 : memref<!tpu.dma_semaphore, #tpu.memory_space<semaphore_mem>>) src(%dma_wait3A_15 : memref<16384x128xi32, #tpu.memory_space<hbm>>) dst(%arg6 : memref<512x128xi32, #tpu.memory_space<vmem>>)
      "tpu.region"() ({
        %run_scoped3A = tpu.sem_alloc : memref<!tpu.dma_semaphore, #tpu.memory_space<semaphore_mem>>
        %dma_start3A_16 = arith.constant 0 : i32
        %dma_start3A_17 = tpu.memref_slice %arg4[%add3A_11, %dma_start3A_16] : memref<131072x128xi32, #tpu.memory_space<hbm>> -> memref<512x128xi32, #tpu.memory_space<hbm>>
        %dma_start3A_18 = arith.constant 0 : i32
        %dma_start3A_19 = tpu.memref_slice %arg4[%add3A_11, %dma_start3A_18] : memref<131072x128xi32, #tpu.memory_space<hbm>> -> memref<512x128xi32, #tpu.memory_space<hbm>>
        tpu.enqueue_dma source(%arg6 : memref<512x128xi32, #tpu.memory_space<vmem>>) target(%dma_start3A_19 : memref<512x128xi32, #tpu.memory_space<hbm>>) target_semaphore(%run_scoped3A : memref<!tpu.dma_semaphore, #tpu.memory_space<semaphore_mem>>)
        %dma_wait3A_20 = arith.constant 0 : i32
        %dma_wait3A_21 = tpu.memref_slice %arg4[%add3A_11, %dma_wait3A_20] : memref<131072x128xi32, #tpu.memory_space<hbm>> -> memref<512x128xi32, #tpu.memory_space<hbm>>
        %dma_wait3A_22 = arith.constant 0 : i32
        %dma_wait3A_23 = tpu.memref_slice %arg4[%add3A_11, %dma_wait3A_22] : memref<131072x128xi32, #tpu.memory_space<hbm>> -> memref<512x128xi32, #tpu.memory_space<hbm>>
        tpu.wait_dma2 semaphore(%run_scoped3A : memref<!tpu.dma_semaphore, #tpu.memory_space<semaphore_mem>>) src(%arg6 : memref<512x128xi32, #tpu.memory_space<vmem>>) dst(%dma_wait3A_23 : memref<512x128xi32, #tpu.memory_space<hbm>>)
        tpu.yield
      }) : () -> ()
    }
    %scan3A_7 = arith.constant 8 : i32
    return
  }
}

#map = affine_map<(d0, d1) -> (0, 0)>
#map1 = affine_map<(d0, d1) -> (0)>
module attributes {stable_mosaic.version = 14 : i64} {
  func.func @gather_kernel(%arg0: i32, %arg1: i32, %arg2: memref<16384x128xi32, #tpu.memory_space<hbm>>, %arg3: memref<131072xi32, #tpu.memory_space<hbm>>, %arg4: memref<131072x128xi32, #tpu.memory_space<hbm>>, %arg5: memref<512xi32, #tpu.memory_space<vmem>>, %arg6: memref<512x128xi32, #tpu.memory_space<vmem>>, %arg7: memref<!tpu.dma_semaphore, #tpu.memory_space<semaphore_mem>>) attributes {dimension_semantics = [#tpu.dimension_semantics<core_parallel>, #tpu.dimension_semantics<subcore_parallel>], iteration_bounds = array<i64: 2, 16>, scalar_prefetch = 0 : i64, scratch_operands = 3 : i64, tpu.core_type = #tpu.core_type<sc_vector_subcore>, window_params = [{transform_indices = #map}, {transform_indices = #map1}, {transform_indices = #map}]} {
    %mul3A = arith.constant 2 : i32
    %mul3A_0 = arith.muli %arg1, %mul3A : i32
    %add3A = arith.addi %mul3A_0, %arg0 : i32
    %mul3A_1 = arith.constant 4096 : i32
    %mul3A_2 = arith.muli %add3A, %mul3A_1 : i32
    %scan3A = arith.constant 0 : i32
    %scan3A_3 = arith.constant 0 : i32
    %scan3A_4 = arith.constant 8 : i32
    %scan3A_5 = arith.addi %scan3A_3, %scan3A_4 : i32
    %scan3A_6 = arith.constant 1 : i32
    scf.for %scan3A_8 = %scan3A_3 to %scan3A_5 step %scan3A_6  : i32 {
      %mul3A_9 = arith.constant 512 : i32
      %mul3A_10 = arith.muli %scan3A_8, %mul3A_9 : i32
      %add3A_11 = arith.addi %mul3A_2, %mul3A_10 : i32
      "tpu.region"() ({
        %run_scoped3A = tpu.sem_alloc : memref<!tpu.dma_semaphore, #tpu.memory_space<semaphore_mem>>
        %dma_start3A_16 = tpu.memref_slice %arg3[%add3A_11] : memref<131072xi32, #tpu.memory_space<hbm>> -> memref<512xi32, #tpu.memory_space<hbm>>
        %dma_start3A_17 = tpu.memref_slice %arg3[%add3A_11] : memref<131072xi32, #tpu.memory_space<hbm>> -> memref<512xi32, #tpu.memory_space<hbm>>
        tpu.enqueue_dma source(%dma_start3A_17 : memref<512xi32, #tpu.memory_space<hbm>>) target(%arg5 : memref<512xi32, #tpu.memory_space<vmem>>) target_semaphore(%run_scoped3A : memref<!tpu.dma_semaphore, #tpu.memory_space<semaphore_mem>>)
        %dma_wait3A_18 = tpu.memref_slice %arg3[%add3A_11] : memref<131072xi32, #tpu.memory_space<hbm>> -> memref<512xi32, #tpu.memory_space<hbm>>
        %dma_wait3A_19 = tpu.memref_slice %arg3[%add3A_11] : memref<131072xi32, #tpu.memory_space<hbm>> -> memref<512xi32, #tpu.memory_space<hbm>>
        tpu.wait_dma2 semaphore(%run_scoped3A : memref<!tpu.dma_semaphore, #tpu.memory_space<semaphore_mem>>) src(%dma_wait3A_19 : memref<512xi32, #tpu.memory_space<hbm>>) dst(%arg5 : memref<512xi32, #tpu.memory_space<vmem>>)
        tpu.yield
      }) : () -> ()
      %dma_start3A = arith.constant 0 : i32
      %dma_start3A_12 = arith.constant 0 : i32
      %dma_start3A_13 = tpu.memref_slice %arg2[%dma_start3A, %dma_start3A_12] : memref<16384x128xi32, #tpu.memory_space<hbm>> -> memref<16384x128xi32, #tpu.memory_space<hbm>>
      tpu.enqueue_indirect_dma source(%dma_start3A_13 : memref<16384x128xi32, #tpu.memory_space<hbm>>) target(%arg6 : memref<512x128xi32, #tpu.memory_space<vmem>>) offsets(%arg5 : memref<512xi32, #tpu.memory_space<vmem>>) semaphore(%arg7 : memref<!tpu.dma_semaphore, #tpu.memory_space<semaphore_mem>>)
      %dma_wait3A = arith.constant 0 : i32
      %dma_wait3A_14 = arith.constant 0 : i32
      %dma_wait3A_15 = tpu.memref_slice %arg2[%dma_wait3A, %dma_wait3A_14] : memref<16384x128xi32, #tpu.memory_space<hbm>> -> memref<16384x128xi32, #tpu.memory_space<hbm>>
      tpu.wait_indirect_dma semaphore(%arg7 : memref<!tpu.dma_semaphore, #tpu.memory_space<semaphore_mem>>) src(%dma_wait3A_15 : memref<16384x128xi32, #tpu.memory_space<hbm>>) dst(%arg6 : memref<512x128xi32, #tpu.memory_space<vmem>>)
      "tpu.region"() ({
        %run_scoped3A = tpu.sem_alloc : memref<!tpu.dma_semaphore, #tpu.memory_space<semaphore_mem>>
        %dma_start3A_16 = arith.constant 0 : i32
        %dma_start3A_17 = tpu.memref_slice %arg4[%add3A_11, %dma_start3A_16] : memref<131072x128xi32, #tpu.memory_space<hbm>> -> memref<512x128xi32, #tpu.memory_space<hbm>>
        %dma_start3A_18 = arith.constant 0 : i32
        %dma_start3A_19 = tpu.memref_slice %arg4[%add3A_11, %dma_start3A_18] : memref<131072x128xi32, #tpu.memory_space<hbm>> -> memref<512x128xi32, #tpu.memory_space<hbm>>
        tpu.enqueue_dma source(%arg6 : memref<512x128xi32, #tpu.memory_space<vmem>>) target(%dma_start3A_19 : memref<512x128xi32, #tpu.memory_space<hbm>>) target_semaphore(%run_scoped3A : memref<!tpu.dma_semaphore, #tpu.memory_space<semaphore_mem>>)
        %dma_wait3A_20 = arith.constant 0 : i32
        %dma_wait3A_21 = tpu.memref_slice %arg4[%add3A_11, %dma_wait3A_20] : memref<131072x128xi32, #tpu.memory_space<hbm>> -> memref<512x128xi32, #tpu.memory_space<hbm>>
        %dma_wait3A_22 = arith.constant 0 : i32
        %dma_wait3A_23 = tpu.memref_slice %arg4[%add3A_11, %dma_wait3A_22] : memref<131072x128xi32, #tpu.memory_space<hbm>> -> memref<512x128xi32, #tpu.memory_space<hbm>>
        tpu.wait_dma2 semaphore(%run_scoped3A : memref<!tpu.dma_semaphore, #tpu.memory_space<semaphore_mem>>) src(%arg6 : memref<512x128xi32, #tpu.memory_space<vmem>>) dst(%dma_wait3A_23 : memref<512x128xi32, #tpu.memory_space<hbm>>)
        tpu.yield
      }) : () -> ()
    }
    %scan3A_7 = arith.constant 8 : i32
    return
  }
}

module attributes {stable_mosaic.version = 14 : i64} {
  func.func @_knn_body(%arg0: i32, %arg1: i32, %arg2: memref<1x1024x8xf32, #tpu.memory_space<vmem>>, %arg3: memref<1x8x4096xf32, #tpu.memory_space<vmem>>, %arg4: memref<1x1024x16xi32, #tpu.memory_space<vmem>>) attributes {dimension_semantics = [#tpu.dimension_semantics<arbitrary>, #tpu.dimension_semantics<arbitrary>], iteration_bounds = array<i64: 2, 4>, scalar_prefetch = 0 : i64, scratch_operands = 0 : i64, tpu.core_type = #tpu.core_type<tc>, window_params = [{transform_indices = @transform_0, window_bounds = array<i64: 1, 1024, 8>}, {transform_indices = @transform_1, window_bounds = array<i64: 1, 8, 4096>}, {transform_indices = @transform_2, window_bounds = array<i64: 1, 1024, 16>}]} {
    %add3A = arith.constant 2 : i32
    %add3A_0 = arith.addi %arg0, %add3A : i32
    %get3A = arith.constant 0 : index
    %get3A_1 = arith.constant 0 : index
    %get3A_2 = arith.constant 0 : index
    %get3A_3 = vector.load %arg2[%get3A, %get3A_1, %get3A_2] : memref<1x1024x8xf32, #tpu.memory_space<vmem>>, vector<1x1024x8xf32>
    %get3A_4 = vector.shape_cast %get3A_3 : vector<1x1024x8xf32> to vector<1024x8xf32>
    %get3A_5 = arith.constant 0 : index
    %get3A_6 = arith.constant 0 : index
    %get3A_7 = arith.constant 0 : index
    %get3A_8 = vector.load %arg3[%get3A_5, %get3A_6, %get3A_7] : memref<1x8x4096xf32, #tpu.memory_space<vmem>>, vector<1x8x4096xf32>
    %get3A_9 = vector.shape_cast %get3A_8 : vector<1x8x4096xf32> to vector<8x4096xf32>
    %mul3A = arith.mulf %get3A_4, %get3A_4 : vector<1024x8xf32>
    %reduce_sum3A = arith.constant dense<0.000000e+00> : vector<1024xf32>
    %reduce_sum3A_10 = vector.multi_reduction <add>, %mul3A, %reduce_sum3A [1] : vector<1024x8xf32> to vector<1024xf32>
    %broadcast_in_dim3A = vector.shape_cast %reduce_sum3A_10 : vector<1024xf32> to vector<1024x1xf32>
    %mul3A_11 = arith.mulf %get3A_9, %get3A_9 : vector<8x4096xf32>
    %reduce_sum3A_12 = arith.constant dense<0.000000e+00> : vector<4096xf32>
    %reduce_sum3A_13 = vector.multi_reduction <add>, %mul3A_11, %reduce_sum3A_12 [0] : vector<8x4096xf32> to vector<4096xf32>
    %broadcast_in_dim3A_14 = vector.shape_cast %reduce_sum3A_13 : vector<4096xf32> to vector<1x4096xf32>
    %dot_general3A = arith.constant dense<0.000000e+00> : vector<1024x4096xf32>
    %dot_general3A_15 = tpu.matmul %get3A_4, %get3A_9, %dot_general3A {dimension_numbers = #tpu.dot_dimension_numbers<[1], [0], [0], [1], [0, 0, 1, 1], [], []>, transpose_lhs_hint = false} : vector<1024x8xf32>, vector<8x4096xf32>, vector<1024x4096xf32> -> vector<1024x4096xf32>
    %add3A_16 = vector.broadcast %broadcast_in_dim3A : vector<1024x1xf32> to vector<1024x4096xf32>
    %add3A_17 = vector.broadcast %broadcast_in_dim3A_14 : vector<1x4096xf32> to vector<1024x4096xf32>
    %add3A_18 = arith.addf %add3A_16, %add3A_17 : vector<1024x4096xf32>
    %mul3A_19 = arith.constant 2.000000e+00 : f32
    %mul3A_20 = vector.broadcast %mul3A_19 : f32 to vector<1024x4096xf32>
    %mul3A_21 = arith.mulf %mul3A_20, %dot_general3A_15 : vector<1024x4096xf32>
    %sub3A = arith.subf %add3A_18, %mul3A_21 : vector<1024x4096xf32>
    %max3A = arith.constant 0.000000e+00 : f32
    %max3A_22 = vector.broadcast %max3A : f32 to vector<1024x4096xf32>
    %max3A_23 = arith.maximumf %sub3A, %max3A_22 : vector<1024x4096xf32>
    %iota3A = tpu.iota {dimensions = array<i32: 1>} : vector<1024x4096xi32>
    %mul3A_24 = arith.constant 1024 : i32
    %mul3A_25 = arith.muli %arg1, %mul3A_24 : i32
    %iota3A_26 = tpu.iota {dimensions = array<i32: 0>} : vector<1024x4096xi32>
    %add3A_27 = vector.broadcast %mul3A_25 : i32 to vector<1024x4096xi32>
    %add3A_28 = arith.addi %add3A_27, %iota3A_26 : vector<1024x4096xi32>
    %eq3A = arith.cmpi eq, %iota3A, %add3A_28 : vector<1024x4096xi32>
    %bitcast_convert_type3A = tpu.bitcast %max3A_23 : vector<1024x4096xf32> -> vector<1024x4096xi32>
    %and3A = arith.constant -4096 : i32
    %and3A_29 = vector.broadcast %and3A : i32 to vector<1024x4096xi32>
    %and3A_30 = arith.andi %bitcast_convert_type3A, %and3A_29 : vector<1024x4096xi32>
    %or3A = arith.ori %and3A_30, %iota3A : vector<1024x4096xi32>
    %jit3A = arith.constant 2139095039 : i32
    %broadcast_in_dim3A_31 = vector.broadcast %jit3A : i32 to vector<1024x4096xi32>
    %select_n3A = arith.select %eq3A, %broadcast_in_dim3A_31, %or3A : vector<1024x4096xi1>, vector<1024x4096xi32>
    %slice3A = vector.extract_strided_slice %select_n3A {offsets = [0, 0], sizes = [1024, 128], strides = [1, 1]} : vector<1024x4096xi32> to vector<1024x128xi32>
    %slice3A_32 = vector.extract_strided_slice %select_n3A {offsets = [0, 128], sizes = [1024, 128], strides = [1, 1]} : vector<1024x4096xi32> to vector<1024x128xi32>
    %min3A = arith.minsi %slice3A, %slice3A_32 : vector<1024x128xi32>
    %slice3A_33 = vector.extract_strided_slice %select_n3A {offsets = [0, 256], sizes = [1024, 128], strides = [1, 1]} : vector<1024x4096xi32> to vector<1024x128xi32>
    %min3A_34 = arith.minsi %min3A, %slice3A_33 : vector<1024x128xi32>
    %slice3A_35 = vector.extract_strided_slice %select_n3A {offsets = [0, 384], sizes = [1024, 128], strides = [1, 1]} : vector<1024x4096xi32> to vector<1024x128xi32>
    %min3A_36 = arith.minsi %min3A_34, %slice3A_35 : vector<1024x128xi32>
    %slice3A_37 = vector.extract_strided_slice %select_n3A {offsets = [0, 512], sizes = [1024, 128], strides = [1, 1]} : vector<1024x4096xi32> to vector<1024x128xi32>
    %min3A_38 = arith.minsi %min3A_36, %slice3A_37 : vector<1024x128xi32>
    %slice3A_39 = vector.extract_strided_slice %select_n3A {offsets = [0, 640], sizes = [1024, 128], strides = [1, 1]} : vector<1024x4096xi32> to vector<1024x128xi32>
    %min3A_40 = arith.minsi %min3A_38, %slice3A_39 : vector<1024x128xi32>
    %slice3A_41 = vector.extract_strided_slice %select_n3A {offsets = [0, 768], sizes = [1024, 128], strides = [1, 1]} : vector<1024x4096xi32> to vector<1024x128xi32>
    %min3A_42 = arith.minsi %min3A_40, %slice3A_41 : vector<1024x128xi32>
    %slice3A_43 = vector.extract_strided_slice %select_n3A {offsets = [0, 896], sizes = [1024, 128], strides = [1, 1]} : vector<1024x4096xi32> to vector<1024x128xi32>
    %min3A_44 = arith.minsi %min3A_42, %slice3A_43 : vector<1024x128xi32>
    %slice3A_45 = vector.extract_strided_slice %select_n3A {offsets = [0, 1024], sizes = [1024, 128], strides = [1, 1]} : vector<1024x4096xi32> to vector<1024x128xi32>
    %min3A_46 = arith.minsi %min3A_44, %slice3A_45 : vector<1024x128xi32>
    %slice3A_47 = vector.extract_strided_slice %select_n3A {offsets = [0, 1152], sizes = [1024, 128], strides = [1, 1]} : vector<1024x4096xi32> to vector<1024x128xi32>
    %min3A_48 = arith.minsi %min3A_46, %slice3A_47 : vector<1024x128xi32>
    %slice3A_49 = vector.extract_strided_slice %select_n3A {offsets = [0, 1280], sizes = [1024, 128], strides = [1, 1]} : vector<1024x4096xi32> to vector<1024x128xi32>
    %min3A_50 = arith.minsi %min3A_48, %slice3A_49 : vector<1024x128xi32>
    %slice3A_51 = vector.extract_strided_slice %select_n3A {offsets = [0, 1408], sizes = [1024, 128], strides = [1, 1]} : vector<1024x4096xi32> to vector<1024x128xi32>
    %min3A_52 = arith.minsi %min3A_50, %slice3A_51 : vector<1024x128xi32>
    %slice3A_53 = vector.extract_strided_slice %select_n3A {offsets = [0, 1536], sizes = [1024, 128], strides = [1, 1]} : vector<1024x4096xi32> to vector<1024x128xi32>
    %min3A_54 = arith.minsi %min3A_52, %slice3A_53 : vector<1024x128xi32>
    %slice3A_55 = vector.extract_strided_slice %select_n3A {offsets = [0, 1664], sizes = [1024, 128], strides = [1, 1]} : vector<1024x4096xi32> to vector<1024x128xi32>
    %min3A_56 = arith.minsi %min3A_54, %slice3A_55 : vector<1024x128xi32>
    %slice3A_57 = vector.extract_strided_slice %select_n3A {offsets = [0, 1792], sizes = [1024, 128], strides = [1, 1]} : vector<1024x4096xi32> to vector<1024x128xi32>
    %min3A_58 = arith.minsi %min3A_56, %slice3A_57 : vector<1024x128xi32>
    %slice3A_59 = vector.extract_strided_slice %select_n3A {offsets = [0, 1920], sizes = [1024, 128], strides = [1, 1]} : vector<1024x4096xi32> to vector<1024x128xi32>
    %min3A_60 = arith.minsi %min3A_58, %slice3A_59 : vector<1024x128xi32>
    %slice3A_61 = vector.extract_strided_slice %select_n3A {offsets = [0, 2048], sizes = [1024, 128], strides = [1, 1]} : vector<1024x4096xi32> to vector<1024x128xi32>
    %min3A_62 = arith.minsi %min3A_60, %slice3A_61 : vector<1024x128xi32>
    %slice3A_63 = vector.extract_strided_slice %select_n3A {offsets = [0, 2176], sizes = [1024, 128], strides = [1, 1]} : vector<1024x4096xi32> to vector<1024x128xi32>
    %min3A_64 = arith.minsi %min3A_62, %slice3A_63 : vector<1024x128xi32>
    %slice3A_65 = vector.extract_strided_slice %select_n3A {offsets = [0, 2304], sizes = [1024, 128], strides = [1, 1]} : vector<1024x4096xi32> to vector<1024x128xi32>
    %min3A_66 = arith.minsi %min3A_64, %slice3A_65 : vector<1024x128xi32>
    %slice3A_67 = vector.extract_strided_slice %select_n3A {offsets = [0, 2432], sizes = [1024, 128], strides = [1, 1]} : vector<1024x4096xi32> to vector<1024x128xi32>
    %min3A_68 = arith.minsi %min3A_66, %slice3A_67 : vector<1024x128xi32>
    %slice3A_69 = vector.extract_strided_slice %select_n3A {offsets = [0, 2560], sizes = [1024, 128], strides = [1, 1]} : vector<1024x4096xi32> to vector<1024x128xi32>
    %min3A_70 = arith.minsi %min3A_68, %slice3A_69 : vector<1024x128xi32>
    %slice3A_71 = vector.extract_strided_slice %select_n3A {offsets = [0, 2688], sizes = [1024, 128], strides = [1, 1]} : vector<1024x4096xi32> to vector<1024x128xi32>
    %min3A_72 = arith.minsi %min3A_70, %slice3A_71 : vector<1024x128xi32>
    %slice3A_73 = vector.extract_strided_slice %select_n3A {offsets = [0, 2816], sizes = [1024, 128], strides = [1, 1]} : vector<1024x4096xi32> to vector<1024x128xi32>
    %min3A_74 = arith.minsi %min3A_72, %slice3A_73 : vector<1024x128xi32>
    %slice3A_75 = vector.extract_strided_slice %select_n3A {offsets = [0, 2944], sizes = [1024, 128], strides = [1, 1]} : vector<1024x4096xi32> to vector<1024x128xi32>
    %min3A_76 = arith.minsi %min3A_74, %slice3A_75 : vector<1024x128xi32>
    %slice3A_77 = vector.extract_strided_slice %select_n3A {offsets = [0, 3072], sizes = [1024, 128], strides = [1, 1]} : vector<1024x4096xi32> to vector<1024x128xi32>
    %min3A_78 = arith.minsi %min3A_76, %slice3A_77 : vector<1024x128xi32>
    %slice3A_79 = vector.extract_strided_slice %select_n3A {offsets = [0, 3200], sizes = [1024, 128], strides = [1, 1]} : vector<1024x4096xi32> to vector<1024x128xi32>
    %min3A_80 = arith.minsi %min3A_78, %slice3A_79 : vector<1024x128xi32>
    %slice3A_81 = vector.extract_strided_slice %select_n3A {offsets = [0, 3328], sizes = [1024, 128], strides = [1, 1]} : vector<1024x4096xi32> to vector<1024x128xi32>
    %min3A_82 = arith.minsi %min3A_80, %slice3A_81 : vector<1024x128xi32>
    %slice3A_83 = vector.extract_strided_slice %select_n3A {offsets = [0, 3456], sizes = [1024, 128], strides = [1, 1]} : vector<1024x4096xi32> to vector<1024x128xi32>
    %min3A_84 = arith.minsi %min3A_82, %slice3A_83 : vector<1024x128xi32>
    %slice3A_85 = vector.extract_strided_slice %select_n3A {offsets = [0, 3584], sizes = [1024, 128], strides = [1, 1]} : vector<1024x4096xi32> to vector<1024x128xi32>
    %min3A_86 = arith.minsi %min3A_84, %slice3A_85 : vector<1024x128xi32>
    %slice3A_87 = vector.extract_strided_slice %select_n3A {offsets = [0, 3712], sizes = [1024, 128], strides = [1, 1]} : vector<1024x4096xi32> to vector<1024x128xi32>
    %min3A_88 = arith.minsi %min3A_86, %slice3A_87 : vector<1024x128xi32>
    %slice3A_89 = vector.extract_strided_slice %select_n3A {offsets = [0, 3840], sizes = [1024, 128], strides = [1, 1]} : vector<1024x4096xi32> to vector<1024x128xi32>
    %min3A_90 = arith.minsi %min3A_88, %slice3A_89 : vector<1024x128xi32>
    %slice3A_91 = vector.extract_strided_slice %select_n3A {offsets = [0, 3968], sizes = [1024, 128], strides = [1, 1]} : vector<1024x4096xi32> to vector<1024x128xi32>
    %min3A_92 = arith.minsi %min3A_90, %slice3A_91 : vector<1024x128xi32>
    %slice3A_93 = vector.extract_strided_slice %select_n3A {offsets = [0, 0], sizes = [1024, 128], strides = [1, 1]} : vector<1024x4096xi32> to vector<1024x128xi32>
    %le3A = arith.cmpi sle, %slice3A_93, %min3A_92 : vector<1024x128xi32>
    %jit3A_94 = arith.constant 2139095039 : i32
    %broadcast_in_dim3A_95 = vector.broadcast %jit3A_94 : i32 to vector<1024x128xi32>
    %select_n3A_96 = arith.select %le3A, %broadcast_in_dim3A_95, %slice3A_93 : vector<1024x128xi1>, vector<1024x128xi32>
    %slice3A_97 = vector.extract_strided_slice %select_n3A {offsets = [0, 128], sizes = [1024, 128], strides = [1, 1]} : vector<1024x4096xi32> to vector<1024x128xi32>
    %le3A_98 = arith.cmpi sle, %slice3A_97, %min3A_92 : vector<1024x128xi32>
    %jit3A_99 = arith.constant 2139095039 : i32
    %broadcast_in_dim3A_100 = vector.broadcast %jit3A_99 : i32 to vector<1024x128xi32>
    %select_n3A_101 = arith.select %le3A_98, %broadcast_in_dim3A_100, %slice3A_97 : vector<1024x128xi1>, vector<1024x128xi32>
    %min3A_102 = arith.minsi %select_n3A_96, %select_n3A_101 : vector<1024x128xi32>
    %slice3A_103 = vector.extract_strided_slice %select_n3A {offsets = [0, 256], sizes = [1024, 128], strides = [1, 1]} : vector<1024x4096xi32> to vector<1024x128xi32>
    %le3A_104 = arith.cmpi sle, %slice3A_103, %min3A_92 : vector<1024x128xi32>
    %jit3A_105 = arith.constant 2139095039 : i32
    %broadcast_in_dim3A_106 = vector.broadcast %jit3A_105 : i32 to vector<1024x128xi32>
    %select_n3A_107 = arith.select %le3A_104, %broadcast_in_dim3A_106, %slice3A_103 : vector<1024x128xi1>, vector<1024x128xi32>
    %min3A_108 = arith.minsi %min3A_102, %select_n3A_107 : vector<1024x128xi32>
    %slice3A_109 = vector.extract_strided_slice %select_n3A {offsets = [0, 384], sizes = [1024, 128], strides = [1, 1]} : vector<1024x4096xi32> to vector<1024x128xi32>
    %le3A_110 = arith.cmpi sle, %slice3A_109, %min3A_92 : vector<1024x128xi32>
    %jit3A_111 = arith.constant 2139095039 : i32
    %broadcast_in_dim3A_112 = vector.broadcast %jit3A_111 : i32 to vector<1024x128xi32>
    %select_n3A_113 = arith.select %le3A_110, %broadcast_in_dim3A_112, %slice3A_109 : vector<1024x128xi1>, vector<1024x128xi32>
    %min3A_114 = arith.minsi %min3A_108, %select_n3A_113 : vector<1024x128xi32>
    %slice3A_115 = vector.extract_strided_slice %select_n3A {offsets = [0, 512], sizes = [1024, 128], strides = [1, 1]} : vector<1024x4096xi32> to vector<1024x128xi32>
    %le3A_116 = arith.cmpi sle, %slice3A_115, %min3A_92 : vector<1024x128xi32>
    %jit3A_117 = arith.constant 2139095039 : i32
    %broadcast_in_dim3A_118 = vector.broadcast %jit3A_117 : i32 to vector<1024x128xi32>
    %select_n3A_119 = arith.select %le3A_116, %broadcast_in_dim3A_118, %slice3A_115 : vector<1024x128xi1>, vector<1024x128xi32>
    %min3A_120 = arith.minsi %min3A_114, %select_n3A_119 : vector<1024x128xi32>
    %slice3A_121 = vector.extract_strided_slice %select_n3A {offsets = [0, 640], sizes = [1024, 128], strides = [1, 1]} : vector<1024x4096xi32> to vector<1024x128xi32>
    %le3A_122 = arith.cmpi sle, %slice3A_121, %min3A_92 : vector<1024x128xi32>
    %jit3A_123 = arith.constant 2139095039 : i32
    %broadcast_in_dim3A_124 = vector.broadcast %jit3A_123 : i32 to vector<1024x128xi32>
    %select_n3A_125 = arith.select %le3A_122, %broadcast_in_dim3A_124, %slice3A_121 : vector<1024x128xi1>, vector<1024x128xi32>
    %min3A_126 = arith.minsi %min3A_120, %select_n3A_125 : vector<1024x128xi32>
    %slice3A_127 = vector.extract_strided_slice %select_n3A {offsets = [0, 768], sizes = [1024, 128], strides = [1, 1]} : vector<1024x4096xi32> to vector<1024x128xi32>
    %le3A_128 = arith.cmpi sle, %slice3A_127, %min3A_92 : vector<1024x128xi32>
    %jit3A_129 = arith.constant 2139095039 : i32
    %broadcast_in_dim3A_130 = vector.broadcast %jit3A_129 : i32 to vector<1024x128xi32>
    %select_n3A_131 = arith.select %le3A_128, %broadcast_in_dim3A_130, %slice3A_127 : vector<1024x128xi1>, vector<1024x128xi32>
    %min3A_132 = arith.minsi %min3A_126, %select_n3A_131 : vector<1024x128xi32>
    %slice3A_133 = vector.extract_strided_slice %select_n3A {offsets = [0, 896], sizes = [1024, 128], strides = [1, 1]} : vector<1024x4096xi32> to vector<1024x128xi32>
    %le3A_134 = arith.cmpi sle, %slice3A_133, %min3A_92 : vector<1024x128xi32>
    %jit3A_135 = arith.constant 2139095039 : i32
    %broadcast_in_dim3A_136 = vector.broadcast %jit3A_135 : i32 to vector<1024x128xi32>
    %select_n3A_137 = arith.select %le3A_134, %broadcast_in_dim3A_136, %slice3A_133 : vector<1024x128xi1>, vector<1024x128xi32>
    %min3A_138 = arith.minsi %min3A_132, %select_n3A_137 : vector<1024x128xi32>
    %slice3A_139 = vector.extract_strided_slice %select_n3A {offsets = [0, 1024], sizes = [1024, 128], strides = [1, 1]} : vector<1024x4096xi32> to vector<1024x128xi32>
    %le3A_140 = arith.cmpi sle, %slice3A_139, %min3A_92 : vector<1024x128xi32>
    %jit3A_141 = arith.constant 2139095039 : i32
    %broadcast_in_dim3A_142 = vector.broadcast %jit3A_141 : i32 to vector<1024x128xi32>
    %select_n3A_143 = arith.select %le3A_140, %broadcast_in_dim3A_142, %slice3A_139 : vector<1024x128xi1>, vector<1024x128xi32>
    %min3A_144 = arith.minsi %min3A_138, %select_n3A_143 : vector<1024x128xi32>
    %slice3A_145 = vector.extract_strided_slice %select_n3A {offsets = [0, 1152], sizes = [1024, 128], strides = [1, 1]} : vector<1024x4096xi32> to vector<1024x128xi32>
    %le3A_146 = arith.cmpi sle, %slice3A_145, %min3A_92 : vector<1024x128xi32>
    %jit3A_147 = arith.constant 2139095039 : i32
    %broadcast_in_dim3A_148 = vector.broadcast %jit3A_147 : i32 to vector<1024x128xi32>
    %select_n3A_149 = arith.select %le3A_146, %broadcast_in_dim3A_148, %slice3A_145 : vector<1024x128xi1>, vector<1024x128xi32>
    %min3A_150 = arith.minsi %min3A_144, %select_n3A_149 : vector<1024x128xi32>
    %slice3A_151 = vector.extract_strided_slice %select_n3A {offsets = [0, 1280], sizes = [1024, 128], strides = [1, 1]} : vector<1024x4096xi32> to vector<1024x128xi32>
    %le3A_152 = arith.cmpi sle, %slice3A_151, %min3A_92 : vector<1024x128xi32>
    %jit3A_153 = arith.constant 2139095039 : i32
    %broadcast_in_dim3A_154 = vector.broadcast %jit3A_153 : i32 to vector<1024x128xi32>
    %select_n3A_155 = arith.select %le3A_152, %broadcast_in_dim3A_154, %slice3A_151 : vector<1024x128xi1>, vector<1024x128xi32>
    %min3A_156 = arith.minsi %min3A_150, %select_n3A_155 : vector<1024x128xi32>
    %slice3A_157 = vector.extract_strided_slice %select_n3A {offsets = [0, 1408], sizes = [1024, 128], strides = [1, 1]} : vector<1024x4096xi32> to vector<1024x128xi32>
    %le3A_158 = arith.cmpi sle, %slice3A_157, %min3A_92 : vector<1024x128xi32>
    %jit3A_159 = arith.constant 2139095039 : i32
    %broadcast_in_dim3A_160 = vector.broadcast %jit3A_159 : i32 to vector<1024x128xi32>
    %select_n3A_161 = arith.select %le3A_158, %broadcast_in_dim3A_160, %slice3A_157 : vector<1024x128xi1>, vector<1024x128xi32>
    %min3A_162 = arith.minsi %min3A_156, %select_n3A_161 : vector<1024x128xi32>
    %slice3A_163 = vector.extract_strided_slice %select_n3A {offsets = [0, 1536], sizes = [1024, 128], strides = [1, 1]} : vector<1024x4096xi32> to vector<1024x128xi32>
    %le3A_164 = arith.cmpi sle, %slice3A_163, %min3A_92 : vector<1024x128xi32>
    %jit3A_165 = arith.constant 2139095039 : i32
    %broadcast_in_dim3A_166 = vector.broadcast %jit3A_165 : i32 to vector<1024x128xi32>
    %select_n3A_167 = arith.select %le3A_164, %broadcast_in_dim3A_166, %slice3A_163 : vector<1024x128xi1>, vector<1024x128xi32>
    %min3A_168 = arith.minsi %min3A_162, %select_n3A_167 : vector<1024x128xi32>
    %slice3A_169 = vector.extract_strided_slice %select_n3A {offsets = [0, 1664], sizes = [1024, 128], strides = [1, 1]} : vector<1024x4096xi32> to vector<1024x128xi32>
    %le3A_170 = arith.cmpi sle, %slice3A_169, %min3A_92 : vector<1024x128xi32>
    %jit3A_171 = arith.constant 2139095039 : i32
    %broadcast_in_dim3A_172 = vector.broadcast %jit3A_171 : i32 to vector<1024x128xi32>
    %select_n3A_173 = arith.select %le3A_170, %broadcast_in_dim3A_172, %slice3A_169 : vector<1024x128xi1>, vector<1024x128xi32>
    %min3A_174 = arith.minsi %min3A_168, %select_n3A_173 : vector<1024x128xi32>
    %slice3A_175 = vector.extract_strided_slice %select_n3A {offsets = [0, 1792], sizes = [1024, 128], strides = [1, 1]} : vector<1024x4096xi32> to vector<1024x128xi32>
    %le3A_176 = arith.cmpi sle, %slice3A_175, %min3A_92 : vector<1024x128xi32>
    %jit3A_177 = arith.constant 2139095039 : i32
    %broadcast_in_dim3A_178 = vector.broadcast %jit3A_177 : i32 to vector<1024x128xi32>
    %select_n3A_179 = arith.select %le3A_176, %broadcast_in_dim3A_178, %slice3A_175 : vector<1024x128xi1>, vector<1024x128xi32>
    %min3A_180 = arith.minsi %min3A_174, %select_n3A_179 : vector<1024x128xi32>
    %slice3A_181 = vector.extract_strided_slice %select_n3A {offsets = [0, 1920], sizes = [1024, 128], strides = [1, 1]} : vector<1024x4096xi32> to vector<1024x128xi32>
    %le3A_182 = arith.cmpi sle, %slice3A_181, %min3A_92 : vector<1024x128xi32>
    %jit3A_183 = arith.constant 2139095039 : i32
    %broadcast_in_dim3A_184 = vector.broadcast %jit3A_183 : i32 to vector<1024x128xi32>
    %select_n3A_185 = arith.select %le3A_182, %broadcast_in_dim3A_184, %slice3A_181 : vector<1024x128xi1>, vector<1024x128xi32>
    %min3A_186 = arith.minsi %min3A_180, %select_n3A_185 : vector<1024x128xi32>
    %slice3A_187 = vector.extract_strided_slice %select_n3A {offsets = [0, 2048], sizes = [1024, 128], strides = [1, 1]} : vector<1024x4096xi32> to vector<1024x128xi32>
    %le3A_188 = arith.cmpi sle, %slice3A_187, %min3A_92 : vector<1024x128xi32>
    %jit3A_189 = arith.constant 2139095039 : i32
    %broadcast_in_dim3A_190 = vector.broadcast %jit3A_189 : i32 to vector<1024x128xi32>
    %select_n3A_191 = arith.select %le3A_188, %broadcast_in_dim3A_190, %slice3A_187 : vector<1024x128xi1>, vector<1024x128xi32>
    %min3A_192 = arith.minsi %min3A_186, %select_n3A_191 : vector<1024x128xi32>
    %slice3A_193 = vector.extract_strided_slice %select_n3A {offsets = [0, 2176], sizes = [1024, 128], strides = [1, 1]} : vector<1024x4096xi32> to vector<1024x128xi32>
    %le3A_194 = arith.cmpi sle, %slice3A_193, %min3A_92 : vector<1024x128xi32>
    %jit3A_195 = arith.constant 2139095039 : i32
    %broadcast_in_dim3A_196 = vector.broadcast %jit3A_195 : i32 to vector<1024x128xi32>
    %select_n3A_197 = arith.select %le3A_194, %broadcast_in_dim3A_196, %slice3A_193 : vector<1024x128xi1>, vector<1024x128xi32>
    %min3A_198 = arith.minsi %min3A_192, %select_n3A_197 : vector<1024x128xi32>
    %slice3A_199 = vector.extract_strided_slice %select_n3A {offsets = [0, 2304], sizes = [1024, 128], strides = [1, 1]} : vector<1024x4096xi32> to vector<1024x128xi32>
    %le3A_200 = arith.cmpi sle, %slice3A_199, %min3A_92 : vector<1024x128xi32>
    %jit3A_201 = arith.constant 2139095039 : i32
    %broadcast_in_dim3A_202 = vector.broadcast %jit3A_201 : i32 to vector<1024x128xi32>
    %select_n3A_203 = arith.select %le3A_200, %broadcast_in_dim3A_202, %slice3A_199 : vector<1024x128xi1>, vector<1024x128xi32>
    %min3A_204 = arith.minsi %min3A_198, %select_n3A_203 : vector<1024x128xi32>
    %slice3A_205 = vector.extract_strided_slice %select_n3A {offsets = [0, 2432], sizes = [1024, 128], strides = [1, 1]} : vector<1024x4096xi32> to vector<1024x128xi32>
    %le3A_206 = arith.cmpi sle, %slice3A_205, %min3A_92 : vector<1024x128xi32>
    %jit3A_207 = arith.constant 2139095039 : i32
    %broadcast_in_dim3A_208 = vector.broadcast %jit3A_207 : i32 to vector<1024x128xi32>
    %select_n3A_209 = arith.select %le3A_206, %broadcast_in_dim3A_208, %slice3A_205 : vector<1024x128xi1>, vector<1024x128xi32>
    %min3A_210 = arith.minsi %min3A_204, %select_n3A_209 : vector<1024x128xi32>
    %slice3A_211 = vector.extract_strided_slice %select_n3A {offsets = [0, 2560], sizes = [1024, 128], strides = [1, 1]} : vector<1024x4096xi32> to vector<1024x128xi32>
    %le3A_212 = arith.cmpi sle, %slice3A_211, %min3A_92 : vector<1024x128xi32>
    %jit3A_213 = arith.constant 2139095039 : i32
    %broadcast_in_dim3A_214 = vector.broadcast %jit3A_213 : i32 to vector<1024x128xi32>
    %select_n3A_215 = arith.select %le3A_212, %broadcast_in_dim3A_214, %slice3A_211 : vector<1024x128xi1>, vector<1024x128xi32>
    %min3A_216 = arith.minsi %min3A_210, %select_n3A_215 : vector<1024x128xi32>
    %slice3A_217 = vector.extract_strided_slice %select_n3A {offsets = [0, 2688], sizes = [1024, 128], strides = [1, 1]} : vector<1024x4096xi32> to vector<1024x128xi32>
    %le3A_218 = arith.cmpi sle, %slice3A_217, %min3A_92 : vector<1024x128xi32>
    %jit3A_219 = arith.constant 2139095039 : i32
    %broadcast_in_dim3A_220 = vector.broadcast %jit3A_219 : i32 to vector<1024x128xi32>
    %select_n3A_221 = arith.select %le3A_218, %broadcast_in_dim3A_220, %slice3A_217 : vector<1024x128xi1>, vector<1024x128xi32>
    %min3A_222 = arith.minsi %min3A_216, %select_n3A_221 : vector<1024x128xi32>
    %slice3A_223 = vector.extract_strided_slice %select_n3A {offsets = [0, 2816], sizes = [1024, 128], strides = [1, 1]} : vector<1024x4096xi32> to vector<1024x128xi32>
    %le3A_224 = arith.cmpi sle, %slice3A_223, %min3A_92 : vector<1024x128xi32>
    %jit3A_225 = arith.constant 2139095039 : i32
    %broadcast_in_dim3A_226 = vector.broadcast %jit3A_225 : i32 to vector<1024x128xi32>
    %select_n3A_227 = arith.select %le3A_224, %broadcast_in_dim3A_226, %slice3A_223 : vector<1024x128xi1>, vector<1024x128xi32>
    %min3A_228 = arith.minsi %min3A_222, %select_n3A_227 : vector<1024x128xi32>
    %slice3A_229 = vector.extract_strided_slice %select_n3A {offsets = [0, 2944], sizes = [1024, 128], strides = [1, 1]} : vector<1024x4096xi32> to vector<1024x128xi32>
    %le3A_230 = arith.cmpi sle, %slice3A_229, %min3A_92 : vector<1024x128xi32>
    %jit3A_231 = arith.constant 2139095039 : i32
    %broadcast_in_dim3A_232 = vector.broadcast %jit3A_231 : i32 to vector<1024x128xi32>
    %select_n3A_233 = arith.select %le3A_230, %broadcast_in_dim3A_232, %slice3A_229 : vector<1024x128xi1>, vector<1024x128xi32>
    %min3A_234 = arith.minsi %min3A_228, %select_n3A_233 : vector<1024x128xi32>
    %slice3A_235 = vector.extract_strided_slice %select_n3A {offsets = [0, 3072], sizes = [1024, 128], strides = [1, 1]} : vector<1024x4096xi32> to vector<1024x128xi32>
    %le3A_236 = arith.cmpi sle, %slice3A_235, %min3A_92 : vector<1024x128xi32>
    %jit3A_237 = arith.constant 2139095039 : i32
    %broadcast_in_dim3A_238 = vector.broadcast %jit3A_237 : i32 to vector<1024x128xi32>
    %select_n3A_239 = arith.select %le3A_236, %broadcast_in_dim3A_238, %slice3A_235 : vector<1024x128xi1>, vector<1024x128xi32>
    %min3A_240 = arith.minsi %min3A_234, %select_n3A_239 : vector<1024x128xi32>
    %slice3A_241 = vector.extract_strided_slice %select_n3A {offsets = [0, 3200], sizes = [1024, 128], strides = [1, 1]} : vector<1024x4096xi32> to vector<1024x128xi32>
    %le3A_242 = arith.cmpi sle, %slice3A_241, %min3A_92 : vector<1024x128xi32>
    %jit3A_243 = arith.constant 2139095039 : i32
    %broadcast_in_dim3A_244 = vector.broadcast %jit3A_243 : i32 to vector<1024x128xi32>
    %select_n3A_245 = arith.select %le3A_242, %broadcast_in_dim3A_244, %slice3A_241 : vector<1024x128xi1>, vector<1024x128xi32>
    %min3A_246 = arith.minsi %min3A_240, %select_n3A_245 : vector<1024x128xi32>
    %slice3A_247 = vector.extract_strided_slice %select_n3A {offsets = [0, 3328], sizes = [1024, 128], strides = [1, 1]} : vector<1024x4096xi32> to vector<1024x128xi32>
    %le3A_248 = arith.cmpi sle, %slice3A_247, %min3A_92 : vector<1024x128xi32>
    %jit3A_249 = arith.constant 2139095039 : i32
    %broadcast_in_dim3A_250 = vector.broadcast %jit3A_249 : i32 to vector<1024x128xi32>
    %select_n3A_251 = arith.select %le3A_248, %broadcast_in_dim3A_250, %slice3A_247 : vector<1024x128xi1>, vector<1024x128xi32>
    %min3A_252 = arith.minsi %min3A_246, %select_n3A_251 : vector<1024x128xi32>
    %slice3A_253 = vector.extract_strided_slice %select_n3A {offsets = [0, 3456], sizes = [1024, 128], strides = [1, 1]} : vector<1024x4096xi32> to vector<1024x128xi32>
    %le3A_254 = arith.cmpi sle, %slice3A_253, %min3A_92 : vector<1024x128xi32>
    %jit3A_255 = arith.constant 2139095039 : i32
    %broadcast_in_dim3A_256 = vector.broadcast %jit3A_255 : i32 to vector<1024x128xi32>
    %select_n3A_257 = arith.select %le3A_254, %broadcast_in_dim3A_256, %slice3A_253 : vector<1024x128xi1>, vector<1024x128xi32>
    %min3A_258 = arith.minsi %min3A_252, %select_n3A_257 : vector<1024x128xi32>
    %slice3A_259 = vector.extract_strided_slice %select_n3A {offsets = [0, 3584], sizes = [1024, 128], strides = [1, 1]} : vector<1024x4096xi32> to vector<1024x128xi32>
    %le3A_260 = arith.cmpi sle, %slice3A_259, %min3A_92 : vector<1024x128xi32>
    %jit3A_261 = arith.constant 2139095039 : i32
    %broadcast_in_dim3A_262 = vector.broadcast %jit3A_261 : i32 to vector<1024x128xi32>
    %select_n3A_263 = arith.select %le3A_260, %broadcast_in_dim3A_262, %slice3A_259 : vector<1024x128xi1>, vector<1024x128xi32>
    %min3A_264 = arith.minsi %min3A_258, %select_n3A_263 : vector<1024x128xi32>
    %slice3A_265 = vector.extract_strided_slice %select_n3A {offsets = [0, 3712], sizes = [1024, 128], strides = [1, 1]} : vector<1024x4096xi32> to vector<1024x128xi32>
    %le3A_266 = arith.cmpi sle, %slice3A_265, %min3A_92 : vector<1024x128xi32>
    %jit3A_267 = arith.constant 2139095039 : i32
    %broadcast_in_dim3A_268 = vector.broadcast %jit3A_267 : i32 to vector<1024x128xi32>
    %select_n3A_269 = arith.select %le3A_266, %broadcast_in_dim3A_268, %slice3A_265 : vector<1024x128xi1>, vector<1024x128xi32>
    %min3A_270 = arith.minsi %min3A_264, %select_n3A_269 : vector<1024x128xi32>
    %slice3A_271 = vector.extract_strided_slice %select_n3A {offsets = [0, 3840], sizes = [1024, 128], strides = [1, 1]} : vector<1024x4096xi32> to vector<1024x128xi32>
    %le3A_272 = arith.cmpi sle, %slice3A_271, %min3A_92 : vector<1024x128xi32>
    %jit3A_273 = arith.constant 2139095039 : i32
    %broadcast_in_dim3A_274 = vector.broadcast %jit3A_273 : i32 to vector<1024x128xi32>
    %select_n3A_275 = arith.select %le3A_272, %broadcast_in_dim3A_274, %slice3A_271 : vector<1024x128xi1>, vector<1024x128xi32>
    %min3A_276 = arith.minsi %min3A_270, %select_n3A_275 : vector<1024x128xi32>
    %slice3A_277 = vector.extract_strided_slice %select_n3A {offsets = [0, 3968], sizes = [1024, 128], strides = [1, 1]} : vector<1024x4096xi32> to vector<1024x128xi32>
    %le3A_278 = arith.cmpi sle, %slice3A_277, %min3A_92 : vector<1024x128xi32>
    %jit3A_279 = arith.constant 2139095039 : i32
    %broadcast_in_dim3A_280 = vector.broadcast %jit3A_279 : i32 to vector<1024x128xi32>
    %select_n3A_281 = arith.select %le3A_278, %broadcast_in_dim3A_280, %slice3A_277 : vector<1024x128xi1>, vector<1024x128xi32>
    %min3A_282 = arith.minsi %min3A_276, %select_n3A_281 : vector<1024x128xi32>
    %slice3A_283 = vector.extract_strided_slice %select_n3A {offsets = [0, 0], sizes = [1024, 128], strides = [1, 1]} : vector<1024x4096xi32> to vector<1024x128xi32>
    %le3A_284 = arith.cmpi sle, %slice3A_283, %min3A_282 : vector<1024x128xi32>
    %jit3A_285 = arith.constant 2139095039 : i32
    %broadcast_in_dim3A_286 = vector.broadcast %jit3A_285 : i32 to vector<1024x128xi32>
    %select_n3A_287 = arith.select %le3A_284, %broadcast_in_dim3A_286, %slice3A_283 : vector<1024x128xi1>, vector<1024x128xi32>
    %slice3A_288 = vector.extract_strided_slice %select_n3A {offsets = [0, 128], sizes = [1024, 128], strides = [1, 1]} : vector<1024x4096xi32> to vector<1024x128xi32>
    %le3A_289 = arith.cmpi sle, %slice3A_288, %min3A_282 : vector<1024x128xi32>
    %jit3A_290 = arith.constant 2139095039 : i32
    %broadcast_in_dim3A_291 = vector.broadcast %jit3A_290 : i32 to vector<1024x128xi32>
    %select_n3A_292 = arith.select %le3A_289, %broadcast_in_dim3A_291, %slice3A_288 : vector<1024x128xi1>, vector<1024x128xi32>
    %min3A_293 = arith.minsi %select_n3A_287, %select_n3A_292 : vector<1024x128xi32>
    %slice3A_294 = vector.extract_strided_slice %select_n3A {offsets = [0, 256], sizes = [1024, 128], strides = [1, 1]} : vector<1024x4096xi32> to vector<1024x128xi32>
    %le3A_295 = arith.cmpi sle, %slice3A_294, %min3A_282 : vector<1024x128xi32>
    %jit3A_296 = arith.constant 2139095039 : i32
    %broadcast_in_dim3A_297 = vector.broadcast %jit3A_296 : i32 to vector<1024x128xi32>
    %select_n3A_298 = arith.select %le3A_295, %broadcast_in_dim3A_297, %slice3A_294 : vector<1024x128xi1>, vector<1024x128xi32>
    %min3A_299 = arith.minsi %min3A_293, %select_n3A_298 : vector<1024x128xi32>
    %slice3A_300 = vector.extract_strided_slice %select_n3A {offsets = [0, 384], sizes = [1024, 128], strides = [1, 1]} : vector<1024x4096xi32> to vector<1024x128xi32>
    %le3A_301 = arith.cmpi sle, %slice3A_300, %min3A_282 : vector<1024x128xi32>
    %jit3A_302 = arith.constant 2139095039 : i32
    %broadcast_in_dim3A_303 = vector.broadcast %jit3A_302 : i32 to vector<1024x128xi32>
    %select_n3A_304 = arith.select %le3A_301, %broadcast_in_dim3A_303, %slice3A_300 : vector<1024x128xi1>, vector<1024x128xi32>
    %min3A_305 = arith.minsi %min3A_299, %select_n3A_304 : vector<1024x128xi32>
    %slice3A_306 = vector.extract_strided_slice %select_n3A {offsets = [0, 512], sizes = [1024, 128], strides = [1, 1]} : vector<1024x4096xi32> to vector<1024x128xi32>
    %le3A_307 = arith.cmpi sle, %slice3A_306, %min3A_282 : vector<1024x128xi32>
    %jit3A_308 = arith.constant 2139095039 : i32
    %broadcast_in_dim3A_309 = vector.broadcast %jit3A_308 : i32 to vector<1024x128xi32>
    %select_n3A_310 = arith.select %le3A_307, %broadcast_in_dim3A_309, %slice3A_306 : vector<1024x128xi1>, vector<1024x128xi32>
    %min3A_311 = arith.minsi %min3A_305, %select_n3A_310 : vector<1024x128xi32>
    %slice3A_312 = vector.extract_strided_slice %select_n3A {offsets = [0, 640], sizes = [1024, 128], strides = [1, 1]} : vector<1024x4096xi32> to vector<1024x128xi32>
    %le3A_313 = arith.cmpi sle, %slice3A_312, %min3A_282 : vector<1024x128xi32>
    %jit3A_314 = arith.constant 2139095039 : i32
    %broadcast_in_dim3A_315 = vector.broadcast %jit3A_314 : i32 to vector<1024x128xi32>
    %select_n3A_316 = arith.select %le3A_313, %broadcast_in_dim3A_315, %slice3A_312 : vector<1024x128xi1>, vector<1024x128xi32>
    %min3A_317 = arith.minsi %min3A_311, %select_n3A_316 : vector<1024x128xi32>
    %slice3A_318 = vector.extract_strided_slice %select_n3A {offsets = [0, 768], sizes = [1024, 128], strides = [1, 1]} : vector<1024x4096xi32> to vector<1024x128xi32>
    %le3A_319 = arith.cmpi sle, %slice3A_318, %min3A_282 : vector<1024x128xi32>
    %jit3A_320 = arith.constant 2139095039 : i32
    %broadcast_in_dim3A_321 = vector.broadcast %jit3A_320 : i32 to vector<1024x128xi32>
    %select_n3A_322 = arith.select %le3A_319, %broadcast_in_dim3A_321, %slice3A_318 : vector<1024x128xi1>, vector<1024x128xi32>
    %min3A_323 = arith.minsi %min3A_317, %select_n3A_322 : vector<1024x128xi32>
    %slice3A_324 = vector.extract_strided_slice %select_n3A {offsets = [0, 896], sizes = [1024, 128], strides = [1, 1]} : vector<1024x4096xi32> to vector<1024x128xi32>
    %le3A_325 = arith.cmpi sle, %slice3A_324, %min3A_282 : vector<1024x128xi32>
    %jit3A_326 = arith.constant 2139095039 : i32
    %broadcast_in_dim3A_327 = vector.broadcast %jit3A_326 : i32 to vector<1024x128xi32>
    %select_n3A_328 = arith.select %le3A_325, %broadcast_in_dim3A_327, %slice3A_324 : vector<1024x128xi1>, vector<1024x128xi32>
    %min3A_329 = arith.minsi %min3A_323, %select_n3A_328 : vector<1024x128xi32>
    %slice3A_330 = vector.extract_strided_slice %select_n3A {offsets = [0, 1024], sizes = [1024, 128], strides = [1, 1]} : vector<1024x4096xi32> to vector<1024x128xi32>
    %le3A_331 = arith.cmpi sle, %slice3A_330, %min3A_282 : vector<1024x128xi32>
    %jit3A_332 = arith.constant 2139095039 : i32
    %broadcast_in_dim3A_333 = vector.broadcast %jit3A_332 : i32 to vector<1024x128xi32>
    %select_n3A_334 = arith.select %le3A_331, %broadcast_in_dim3A_333, %slice3A_330 : vector<1024x128xi1>, vector<1024x128xi32>
    %min3A_335 = arith.minsi %min3A_329, %select_n3A_334 : vector<1024x128xi32>
    %slice3A_336 = vector.extract_strided_slice %select_n3A {offsets = [0, 1152], sizes = [1024, 128], strides = [1, 1]} : vector<1024x4096xi32> to vector<1024x128xi32>
    %le3A_337 = arith.cmpi sle, %slice3A_336, %min3A_282 : vector<1024x128xi32>
    %jit3A_338 = arith.constant 2139095039 : i32
    %broadcast_in_dim3A_339 = vector.broadcast %jit3A_338 : i32 to vector<1024x128xi32>
    %select_n3A_340 = arith.select %le3A_337, %broadcast_in_dim3A_339, %slice3A_336 : vector<1024x128xi1>, vector<1024x128xi32>
    %min3A_341 = arith.minsi %min3A_335, %select_n3A_340 : vector<1024x128xi32>
    %slice3A_342 = vector.extract_strided_slice %select_n3A {offsets = [0, 1280], sizes = [1024, 128], strides = [1, 1]} : vector<1024x4096xi32> to vector<1024x128xi32>
    %le3A_343 = arith.cmpi sle, %slice3A_342, %min3A_282 : vector<1024x128xi32>
    %jit3A_344 = arith.constant 2139095039 : i32
    %broadcast_in_dim3A_345 = vector.broadcast %jit3A_344 : i32 to vector<1024x128xi32>
    %select_n3A_346 = arith.select %le3A_343, %broadcast_in_dim3A_345, %slice3A_342 : vector<1024x128xi1>, vector<1024x128xi32>
    %min3A_347 = arith.minsi %min3A_341, %select_n3A_346 : vector<1024x128xi32>
    %slice3A_348 = vector.extract_strided_slice %select_n3A {offsets = [0, 1408], sizes = [1024, 128], strides = [1, 1]} : vector<1024x4096xi32> to vector<1024x128xi32>
    %le3A_349 = arith.cmpi sle, %slice3A_348, %min3A_282 : vector<1024x128xi32>
    %jit3A_350 = arith.constant 2139095039 : i32
    %broadcast_in_dim3A_351 = vector.broadcast %jit3A_350 : i32 to vector<1024x128xi32>
    %select_n3A_352 = arith.select %le3A_349, %broadcast_in_dim3A_351, %slice3A_348 : vector<1024x128xi1>, vector<1024x128xi32>
    %min3A_353 = arith.minsi %min3A_347, %select_n3A_352 : vector<1024x128xi32>
    %slice3A_354 = vector.extract_strided_slice %select_n3A {offsets = [0, 1536], sizes = [1024, 128], strides = [1, 1]} : vector<1024x4096xi32> to vector<1024x128xi32>
    %le3A_355 = arith.cmpi sle, %slice3A_354, %min3A_282 : vector<1024x128xi32>
    %jit3A_356 = arith.constant 2139095039 : i32
    %broadcast_in_dim3A_357 = vector.broadcast %jit3A_356 : i32 to vector<1024x128xi32>
    %select_n3A_358 = arith.select %le3A_355, %broadcast_in_dim3A_357, %slice3A_354 : vector<1024x128xi1>, vector<1024x128xi32>
    %min3A_359 = arith.minsi %min3A_353, %select_n3A_358 : vector<1024x128xi32>
    %slice3A_360 = vector.extract_strided_slice %select_n3A {offsets = [0, 1664], sizes = [1024, 128], strides = [1, 1]} : vector<1024x4096xi32> to vector<1024x128xi32>
    %le3A_361 = arith.cmpi sle, %slice3A_360, %min3A_282 : vector<1024x128xi32>
    %jit3A_362 = arith.constant 2139095039 : i32
    %broadcast_in_dim3A_363 = vector.broadcast %jit3A_362 : i32 to vector<1024x128xi32>
    %select_n3A_364 = arith.select %le3A_361, %broadcast_in_dim3A_363, %slice3A_360 : vector<1024x128xi1>, vector<1024x128xi32>
    %min3A_365 = arith.minsi %min3A_359, %select_n3A_364 : vector<1024x128xi32>
    %slice3A_366 = vector.extract_strided_slice %select_n3A {offsets = [0, 1792], sizes = [1024, 128], strides = [1, 1]} : vector<1024x4096xi32> to vector<1024x128xi32>
    %le3A_367 = arith.cmpi sle, %slice3A_366, %min3A_282 : vector<1024x128xi32>
    %jit3A_368 = arith.constant 2139095039 : i32
    %broadcast_in_dim3A_369 = vector.broadcast %jit3A_368 : i32 to vector<1024x128xi32>
    %select_n3A_370 = arith.select %le3A_367, %broadcast_in_dim3A_369, %slice3A_366 : vector<1024x128xi1>, vector<1024x128xi32>
    %min3A_371 = arith.minsi %min3A_365, %select_n3A_370 : vector<1024x128xi32>
    %slice3A_372 = vector.extract_strided_slice %select_n3A {offsets = [0, 1920], sizes = [1024, 128], strides = [1, 1]} : vector<1024x4096xi32> to vector<1024x128xi32>
    %le3A_373 = arith.cmpi sle, %slice3A_372, %min3A_282 : vector<1024x128xi32>
    %jit3A_374 = arith.constant 2139095039 : i32
    %broadcast_in_dim3A_375 = vector.broadcast %jit3A_374 : i32 to vector<1024x128xi32>
    %select_n3A_376 = arith.select %le3A_373, %broadcast_in_dim3A_375, %slice3A_372 : vector<1024x128xi1>, vector<1024x128xi32>
    %min3A_377 = arith.minsi %min3A_371, %select_n3A_376 : vector<1024x128xi32>
    %slice3A_378 = vector.extract_strided_slice %select_n3A {offsets = [0, 2048], sizes = [1024, 128], strides = [1, 1]} : vector<1024x4096xi32> to vector<1024x128xi32>
    %le3A_379 = arith.cmpi sle, %slice3A_378, %min3A_282 : vector<1024x128xi32>
    %jit3A_380 = arith.constant 2139095039 : i32
    %broadcast_in_dim3A_381 = vector.broadcast %jit3A_380 : i32 to vector<1024x128xi32>
    %select_n3A_382 = arith.select %le3A_379, %broadcast_in_dim3A_381, %slice3A_378 : vector<1024x128xi1>, vector<1024x128xi32>
    %min3A_383 = arith.minsi %min3A_377, %select_n3A_382 : vector<1024x128xi32>
    %slice3A_384 = vector.extract_strided_slice %select_n3A {offsets = [0, 2176], sizes = [1024, 128], strides = [1, 1]} : vector<1024x4096xi32> to vector<1024x128xi32>
    %le3A_385 = arith.cmpi sle, %slice3A_384, %min3A_282 : vector<1024x128xi32>
    %jit3A_386 = arith.constant 2139095039 : i32
    %broadcast_in_dim3A_387 = vector.broadcast %jit3A_386 : i32 to vector<1024x128xi32>
    %select_n3A_388 = arith.select %le3A_385, %broadcast_in_dim3A_387, %slice3A_384 : vector<1024x128xi1>, vector<1024x128xi32>
    %min3A_389 = arith.minsi %min3A_383, %select_n3A_388 : vector<1024x128xi32>
    %slice3A_390 = vector.extract_strided_slice %select_n3A {offsets = [0, 2304], sizes = [1024, 128], strides = [1, 1]} : vector<1024x4096xi32> to vector<1024x128xi32>
    %le3A_391 = arith.cmpi sle, %slice3A_390, %min3A_282 : vector<1024x128xi32>
    %jit3A_392 = arith.constant 2139095039 : i32
    %broadcast_in_dim3A_393 = vector.broadcast %jit3A_392 : i32 to vector<1024x128xi32>
    %select_n3A_394 = arith.select %le3A_391, %broadcast_in_dim3A_393, %slice3A_390 : vector<1024x128xi1>, vector<1024x128xi32>
    %min3A_395 = arith.minsi %min3A_389, %select_n3A_394 : vector<1024x128xi32>
    %slice3A_396 = vector.extract_strided_slice %select_n3A {offsets = [0, 2432], sizes = [1024, 128], strides = [1, 1]} : vector<1024x4096xi32> to vector<1024x128xi32>
    %le3A_397 = arith.cmpi sle, %slice3A_396, %min3A_282 : vector<1024x128xi32>
    %jit3A_398 = arith.constant 2139095039 : i32
    %broadcast_in_dim3A_399 = vector.broadcast %jit3A_398 : i32 to vector<1024x128xi32>
    %select_n3A_400 = arith.select %le3A_397, %broadcast_in_dim3A_399, %slice3A_396 : vector<1024x128xi1>, vector<1024x128xi32>
    %min3A_401 = arith.minsi %min3A_395, %select_n3A_400 : vector<1024x128xi32>
    %slice3A_402 = vector.extract_strided_slice %select_n3A {offsets = [0, 2560], sizes = [1024, 128], strides = [1, 1]} : vector<1024x4096xi32> to vector<1024x128xi32>
    %le3A_403 = arith.cmpi sle, %slice3A_402, %min3A_282 : vector<1024x128xi32>
    %jit3A_404 = arith.constant 2139095039 : i32
    %broadcast_in_dim3A_405 = vector.broadcast %jit3A_404 : i32 to vector<1024x128xi32>
    %select_n3A_406 = arith.select %le3A_403, %broadcast_in_dim3A_405, %slice3A_402 : vector<1024x128xi1>, vector<1024x128xi32>
    %min3A_407 = arith.minsi %min3A_401, %select_n3A_406 : vector<1024x128xi32>
    %slice3A_408 = vector.extract_strided_slice %select_n3A {offsets = [0, 2688], sizes = [1024, 128], strides = [1, 1]} : vector<1024x4096xi32> to vector<1024x128xi32>
    %le3A_409 = arith.cmpi sle, %slice3A_408, %min3A_282 : vector<1024x128xi32>
    %jit3A_410 = arith.constant 2139095039 : i32
    %broadcast_in_dim3A_411 = vector.broadcast %jit3A_410 : i32 to vector<1024x128xi32>
    %select_n3A_412 = arith.select %le3A_409, %broadcast_in_dim3A_411, %slice3A_408 : vector<1024x128xi1>, vector<1024x128xi32>
    %min3A_413 = arith.minsi %min3A_407, %select_n3A_412 : vector<1024x128xi32>
    %slice3A_414 = vector.extract_strided_slice %select_n3A {offsets = [0, 2816], sizes = [1024, 128], strides = [1, 1]} : vector<1024x4096xi32> to vector<1024x128xi32>
    %le3A_415 = arith.cmpi sle, %slice3A_414, %min3A_282 : vector<1024x128xi32>
    %jit3A_416 = arith.constant 2139095039 : i32
    %broadcast_in_dim3A_417 = vector.broadcast %jit3A_416 : i32 to vector<1024x128xi32>
    %select_n3A_418 = arith.select %le3A_415, %broadcast_in_dim3A_417, %slice3A_414 : vector<1024x128xi1>, vector<1024x128xi32>
    %min3A_419 = arith.minsi %min3A_413, %select_n3A_418 : vector<1024x128xi32>
    %slice3A_420 = vector.extract_strided_slice %select_n3A {offsets = [0, 2944], sizes = [1024, 128], strides = [1, 1]} : vector<1024x4096xi32> to vector<1024x128xi32>
    %le3A_421 = arith.cmpi sle, %slice3A_420, %min3A_282 : vector<1024x128xi32>
    %jit3A_422 = arith.constant 2139095039 : i32
    %broadcast_in_dim3A_423 = vector.broadcast %jit3A_422 : i32 to vector<1024x128xi32>
    %select_n3A_424 = arith.select %le3A_421, %broadcast_in_dim3A_423, %slice3A_420 : vector<1024x128xi1>, vector<1024x128xi32>
    %min3A_425 = arith.minsi %min3A_419, %select_n3A_424 : vector<1024x128xi32>
    %slice3A_426 = vector.extract_strided_slice %select_n3A {offsets = [0, 3072], sizes = [1024, 128], strides = [1, 1]} : vector<1024x4096xi32> to vector<1024x128xi32>
    %le3A_427 = arith.cmpi sle, %slice3A_426, %min3A_282 : vector<1024x128xi32>
    %jit3A_428 = arith.constant 2139095039 : i32
    %broadcast_in_dim3A_429 = vector.broadcast %jit3A_428 : i32 to vector<1024x128xi32>
    %select_n3A_430 = arith.select %le3A_427, %broadcast_in_dim3A_429, %slice3A_426 : vector<1024x128xi1>, vector<1024x128xi32>
    %min3A_431 = arith.minsi %min3A_425, %select_n3A_430 : vector<1024x128xi32>
    %slice3A_432 = vector.extract_strided_slice %select_n3A {offsets = [0, 3200], sizes = [1024, 128], strides = [1, 1]} : vector<1024x4096xi32> to vector<1024x128xi32>
    %le3A_433 = arith.cmpi sle, %slice3A_432, %min3A_282 : vector<1024x128xi32>
    %jit3A_434 = arith.constant 2139095039 : i32
    %broadcast_in_dim3A_435 = vector.broadcast %jit3A_434 : i32 to vector<1024x128xi32>
    %select_n3A_436 = arith.select %le3A_433, %broadcast_in_dim3A_435, %slice3A_432 : vector<1024x128xi1>, vector<1024x128xi32>
    %min3A_437 = arith.minsi %min3A_431, %select_n3A_436 : vector<1024x128xi32>
    %slice3A_438 = vector.extract_strided_slice %select_n3A {offsets = [0, 3328], sizes = [1024, 128], strides = [1, 1]} : vector<1024x4096xi32> to vector<1024x128xi32>
    %le3A_439 = arith.cmpi sle, %slice3A_438, %min3A_282 : vector<1024x128xi32>
    %jit3A_440 = arith.constant 2139095039 : i32
    %broadcast_in_dim3A_441 = vector.broadcast %jit3A_440 : i32 to vector<1024x128xi32>
    %select_n3A_442 = arith.select %le3A_439, %broadcast_in_dim3A_441, %slice3A_438 : vector<1024x128xi1>, vector<1024x128xi32>
    %min3A_443 = arith.minsi %min3A_437, %select_n3A_442 : vector<1024x128xi32>
    %slice3A_444 = vector.extract_strided_slice %select_n3A {offsets = [0, 3456], sizes = [1024, 128], strides = [1, 1]} : vector<1024x4096xi32> to vector<1024x128xi32>
    %le3A_445 = arith.cmpi sle, %slice3A_444, %min3A_282 : vector<1024x128xi32>
    %jit3A_446 = arith.constant 2139095039 : i32
    %broadcast_in_dim3A_447 = vector.broadcast %jit3A_446 : i32 to vector<1024x128xi32>
    %select_n3A_448 = arith.select %le3A_445, %broadcast_in_dim3A_447, %slice3A_444 : vector<1024x128xi1>, vector<1024x128xi32>
    %min3A_449 = arith.minsi %min3A_443, %select_n3A_448 : vector<1024x128xi32>
    %slice3A_450 = vector.extract_strided_slice %select_n3A {offsets = [0, 3584], sizes = [1024, 128], strides = [1, 1]} : vector<1024x4096xi32> to vector<1024x128xi32>
    %le3A_451 = arith.cmpi sle, %slice3A_450, %min3A_282 : vector<1024x128xi32>
    %jit3A_452 = arith.constant 2139095039 : i32
    %broadcast_in_dim3A_453 = vector.broadcast %jit3A_452 : i32 to vector<1024x128xi32>
    %select_n3A_454 = arith.select %le3A_451, %broadcast_in_dim3A_453, %slice3A_450 : vector<1024x128xi1>, vector<1024x128xi32>
    %min3A_455 = arith.minsi %min3A_449, %select_n3A_454 : vector<1024x128xi32>
    %slice3A_456 = vector.extract_strided_slice %select_n3A {offsets = [0, 3712], sizes = [1024, 128], strides = [1, 1]} : vector<1024x4096xi32> to vector<1024x128xi32>
    %le3A_457 = arith.cmpi sle, %slice3A_456, %min3A_282 : vector<1024x128xi32>
    %jit3A_458 = arith.constant 2139095039 : i32
    %broadcast_in_dim3A_459 = vector.broadcast %jit3A_458 : i32 to vector<1024x128xi32>
    %select_n3A_460 = arith.select %le3A_457, %broadcast_in_dim3A_459, %slice3A_456 : vector<1024x128xi1>, vector<1024x128xi32>
    %min3A_461 = arith.minsi %min3A_455, %select_n3A_460 : vector<1024x128xi32>
    %slice3A_462 = vector.extract_strided_slice %select_n3A {offsets = [0, 3840], sizes = [1024, 128], strides = [1, 1]} : vector<1024x4096xi32> to vector<1024x128xi32>
    %le3A_463 = arith.cmpi sle, %slice3A_462, %min3A_282 : vector<1024x128xi32>
    %jit3A_464 = arith.constant 2139095039 : i32
    %broadcast_in_dim3A_465 = vector.broadcast %jit3A_464 : i32 to vector<1024x128xi32>
    %select_n3A_466 = arith.select %le3A_463, %broadcast_in_dim3A_465, %slice3A_462 : vector<1024x128xi1>, vector<1024x128xi32>
    %min3A_467 = arith.minsi %min3A_461, %select_n3A_466 : vector<1024x128xi32>
    %slice3A_468 = vector.extract_strided_slice %select_n3A {offsets = [0, 3968], sizes = [1024, 128], strides = [1, 1]} : vector<1024x4096xi32> to vector<1024x128xi32>
    %le3A_469 = arith.cmpi sle, %slice3A_468, %min3A_282 : vector<1024x128xi32>
    %jit3A_470 = arith.constant 2139095039 : i32
    %broadcast_in_dim3A_471 = vector.broadcast %jit3A_470 : i32 to vector<1024x128xi32>
    %select_n3A_472 = arith.select %le3A_469, %broadcast_in_dim3A_471, %slice3A_468 : vector<1024x128xi1>, vector<1024x128xi32>
    %min3A_473 = arith.minsi %min3A_467, %select_n3A_472 : vector<1024x128xi32>
    %slice3A_474 = vector.extract_strided_slice %select_n3A {offsets = [0, 0], sizes = [1024, 128], strides = [1, 1]} : vector<1024x4096xi32> to vector<1024x128xi32>
    %le3A_475 = arith.cmpi sle, %slice3A_474, %min3A_473 : vector<1024x128xi32>
    %jit3A_476 = arith.constant 2139095039 : i32
    %broadcast_in_dim3A_477 = vector.broadcast %jit3A_476 : i32 to vector<1024x128xi32>
    %select_n3A_478 = arith.select %le3A_475, %broadcast_in_dim3A_477, %slice3A_474 : vector<1024x128xi1>, vector<1024x128xi32>
    %slice3A_479 = vector.extract_strided_slice %select_n3A {offsets = [0, 128], sizes = [1024, 128], strides = [1, 1]} : vector<1024x4096xi32> to vector<1024x128xi32>
    %le3A_480 = arith.cmpi sle, %slice3A_479, %min3A_473 : vector<1024x128xi32>
    %jit3A_481 = arith.constant 2139095039 : i32
    %broadcast_in_dim3A_482 = vector.broadcast %jit3A_481 : i32 to vector<1024x128xi32>
    %select_n3A_483 = arith.select %le3A_480, %broadcast_in_dim3A_482, %slice3A_479 : vector<1024x128xi1>, vector<1024x128xi32>
    %min3A_484 = arith.minsi %select_n3A_478, %select_n3A_483 : vector<1024x128xi32>
    %slice3A_485 = vector.extract_strided_slice %select_n3A {offsets = [0, 256], sizes = [1024, 128], strides = [1, 1]} : vector<1024x4096xi32> to vector<1024x128xi32>
    %le3A_486 = arith.cmpi sle, %slice3A_485, %min3A_473 : vector<1024x128xi32>
    %jit3A_487 = arith.constant 2139095039 : i32
    %broadcast_in_dim3A_488 = vector.broadcast %jit3A_487 : i32 to vector<1024x128xi32>
    %select_n3A_489 = arith.select %le3A_486, %broadcast_in_dim3A_488, %slice3A_485 : vector<1024x128xi1>, vector<1024x128xi32>
    %min3A_490 = arith.minsi %min3A_484, %select_n3A_489 : vector<1024x128xi32>
    %slice3A_491 = vector.extract_strided_slice %select_n3A {offsets = [0, 384], sizes = [1024, 128], strides = [1, 1]} : vector<1024x4096xi32> to vector<1024x128xi32>
    %le3A_492 = arith.cmpi sle, %slice3A_491, %min3A_473 : vector<1024x128xi32>
    %jit3A_493 = arith.constant 2139095039 : i32
    %broadcast_in_dim3A_494 = vector.broadcast %jit3A_493 : i32 to vector<1024x128xi32>
    %select_n3A_495 = arith.select %le3A_492, %broadcast_in_dim3A_494, %slice3A_491 : vector<1024x128xi1>, vector<1024x128xi32>
    %min3A_496 = arith.minsi %min3A_490, %select_n3A_495 : vector<1024x128xi32>
    %slice3A_497 = vector.extract_strided_slice %select_n3A {offsets = [0, 512], sizes = [1024, 128], strides = [1, 1]} : vector<1024x4096xi32> to vector<1024x128xi32>
    %le3A_498 = arith.cmpi sle, %slice3A_497, %min3A_473 : vector<1024x128xi32>
    %jit3A_499 = arith.constant 2139095039 : i32
    %broadcast_in_dim3A_500 = vector.broadcast %jit3A_499 : i32 to vector<1024x128xi32>
    %select_n3A_501 = arith.select %le3A_498, %broadcast_in_dim3A_500, %slice3A_497 : vector<1024x128xi1>, vector<1024x128xi32>
    %min3A_502 = arith.minsi %min3A_496, %select_n3A_501 : vector<1024x128xi32>
    %slice3A_503 = vector.extract_strided_slice %select_n3A {offsets = [0, 640], sizes = [1024, 128], strides = [1, 1]} : vector<1024x4096xi32> to vector<1024x128xi32>
    %le3A_504 = arith.cmpi sle, %slice3A_503, %min3A_473 : vector<1024x128xi32>
    %jit3A_505 = arith.constant 2139095039 : i32
    %broadcast_in_dim3A_506 = vector.broadcast %jit3A_505 : i32 to vector<1024x128xi32>
    %select_n3A_507 = arith.select %le3A_504, %broadcast_in_dim3A_506, %slice3A_503 : vector<1024x128xi1>, vector<1024x128xi32>
    %min3A_508 = arith.minsi %min3A_502, %select_n3A_507 : vector<1024x128xi32>
    %slice3A_509 = vector.extract_strided_slice %select_n3A {offsets = [0, 768], sizes = [1024, 128], strides = [1, 1]} : vector<1024x4096xi32> to vector<1024x128xi32>
    %le3A_510 = arith.cmpi sle, %slice3A_509, %min3A_473 : vector<1024x128xi32>
    %jit3A_511 = arith.constant 2139095039 : i32
    %broadcast_in_dim3A_512 = vector.broadcast %jit3A_511 : i32 to vector<1024x128xi32>
    %select_n3A_513 = arith.select %le3A_510, %broadcast_in_dim3A_512, %slice3A_509 : vector<1024x128xi1>, vector<1024x128xi32>
    %min3A_514 = arith.minsi %min3A_508, %select_n3A_513 : vector<1024x128xi32>
    %slice3A_515 = vector.extract_strided_slice %select_n3A {offsets = [0, 896], sizes = [1024, 128], strides = [1, 1]} : vector<1024x4096xi32> to vector<1024x128xi32>
    %le3A_516 = arith.cmpi sle, %slice3A_515, %min3A_473 : vector<1024x128xi32>
    %jit3A_517 = arith.constant 2139095039 : i32
    %broadcast_in_dim3A_518 = vector.broadcast %jit3A_517 : i32 to vector<1024x128xi32>
    %select_n3A_519 = arith.select %le3A_516, %broadcast_in_dim3A_518, %slice3A_515 : vector<1024x128xi1>, vector<1024x128xi32>
    %min3A_520 = arith.minsi %min3A_514, %select_n3A_519 : vector<1024x128xi32>
    %slice3A_521 = vector.extract_strided_slice %select_n3A {offsets = [0, 1024], sizes = [1024, 128], strides = [1, 1]} : vector<1024x4096xi32> to vector<1024x128xi32>
    %le3A_522 = arith.cmpi sle, %slice3A_521, %min3A_473 : vector<1024x128xi32>
    %jit3A_523 = arith.constant 2139095039 : i32
    %broadcast_in_dim3A_524 = vector.broadcast %jit3A_523 : i32 to vector<1024x128xi32>
    %select_n3A_525 = arith.select %le3A_522, %broadcast_in_dim3A_524, %slice3A_521 : vector<1024x128xi1>, vector<1024x128xi32>
    %min3A_526 = arith.minsi %min3A_520, %select_n3A_525 : vector<1024x128xi32>
    %slice3A_527 = vector.extract_strided_slice %select_n3A {offsets = [0, 1152], sizes = [1024, 128], strides = [1, 1]} : vector<1024x4096xi32> to vector<1024x128xi32>
    %le3A_528 = arith.cmpi sle, %slice3A_527, %min3A_473 : vector<1024x128xi32>
    %jit3A_529 = arith.constant 2139095039 : i32
    %broadcast_in_dim3A_530 = vector.broadcast %jit3A_529 : i32 to vector<1024x128xi32>
    %select_n3A_531 = arith.select %le3A_528, %broadcast_in_dim3A_530, %slice3A_527 : vector<1024x128xi1>, vector<1024x128xi32>
    %min3A_532 = arith.minsi %min3A_526, %select_n3A_531 : vector<1024x128xi32>
    %slice3A_533 = vector.extract_strided_slice %select_n3A {offsets = [0, 1280], sizes = [1024, 128], strides = [1, 1]} : vector<1024x4096xi32> to vector<1024x128xi32>
    %le3A_534 = arith.cmpi sle, %slice3A_533, %min3A_473 : vector<1024x128xi32>
    %jit3A_535 = arith.constant 2139095039 : i32
    %broadcast_in_dim3A_536 = vector.broadcast %jit3A_535 : i32 to vector<1024x128xi32>
    %select_n3A_537 = arith.select %le3A_534, %broadcast_in_dim3A_536, %slice3A_533 : vector<1024x128xi1>, vector<1024x128xi32>
    %min3A_538 = arith.minsi %min3A_532, %select_n3A_537 : vector<1024x128xi32>
    %slice3A_539 = vector.extract_strided_slice %select_n3A {offsets = [0, 1408], sizes = [1024, 128], strides = [1, 1]} : vector<1024x4096xi32> to vector<1024x128xi32>
    %le3A_540 = arith.cmpi sle, %slice3A_539, %min3A_473 : vector<1024x128xi32>
    %jit3A_541 = arith.constant 2139095039 : i32
    %broadcast_in_dim3A_542 = vector.broadcast %jit3A_541 : i32 to vector<1024x128xi32>
    %select_n3A_543 = arith.select %le3A_540, %broadcast_in_dim3A_542, %slice3A_539 : vector<1024x128xi1>, vector<1024x128xi32>
    %min3A_544 = arith.minsi %min3A_538, %select_n3A_543 : vector<1024x128xi32>
    %slice3A_545 = vector.extract_strided_slice %select_n3A {offsets = [0, 1536], sizes = [1024, 128], strides = [1, 1]} : vector<1024x4096xi32> to vector<1024x128xi32>
    %le3A_546 = arith.cmpi sle, %slice3A_545, %min3A_473 : vector<1024x128xi32>
    %jit3A_547 = arith.constant 2139095039 : i32
    %broadcast_in_dim3A_548 = vector.broadcast %jit3A_547 : i32 to vector<1024x128xi32>
    %select_n3A_549 = arith.select %le3A_546, %broadcast_in_dim3A_548, %slice3A_545 : vector<1024x128xi1>, vector<1024x128xi32>
    %min3A_550 = arith.minsi %min3A_544, %select_n3A_549 : vector<1024x128xi32>
    %slice3A_551 = vector.extract_strided_slice %select_n3A {offsets = [0, 1664], sizes = [1024, 128], strides = [1, 1]} : vector<1024x4096xi32> to vector<1024x128xi32>
    %le3A_552 = arith.cmpi sle, %slice3A_551, %min3A_473 : vector<1024x128xi32>
    %jit3A_553 = arith.constant 2139095039 : i32
    %broadcast_in_dim3A_554 = vector.broadcast %jit3A_553 : i32 to vector<1024x128xi32>
    %select_n3A_555 = arith.select %le3A_552, %broadcast_in_dim3A_554, %slice3A_551 : vector<1024x128xi1>, vector<1024x128xi32>
    %min3A_556 = arith.minsi %min3A_550, %select_n3A_555 : vector<1024x128xi32>
    %slice3A_557 = vector.extract_strided_slice %select_n3A {offsets = [0, 1792], sizes = [1024, 128], strides = [1, 1]} : vector<1024x4096xi32> to vector<1024x128xi32>
    %le3A_558 = arith.cmpi sle, %slice3A_557, %min3A_473 : vector<1024x128xi32>
    %jit3A_559 = arith.constant 2139095039 : i32
    %broadcast_in_dim3A_560 = vector.broadcast %jit3A_559 : i32 to vector<1024x128xi32>
    %select_n3A_561 = arith.select %le3A_558, %broadcast_in_dim3A_560, %slice3A_557 : vector<1024x128xi1>, vector<1024x128xi32>
    %min3A_562 = arith.minsi %min3A_556, %select_n3A_561 : vector<1024x128xi32>
    %slice3A_563 = vector.extract_strided_slice %select_n3A {offsets = [0, 1920], sizes = [1024, 128], strides = [1, 1]} : vector<1024x4096xi32> to vector<1024x128xi32>
    %le3A_564 = arith.cmpi sle, %slice3A_563, %min3A_473 : vector<1024x128xi32>
    %jit3A_565 = arith.constant 2139095039 : i32
    %broadcast_in_dim3A_566 = vector.broadcast %jit3A_565 : i32 to vector<1024x128xi32>
    %select_n3A_567 = arith.select %le3A_564, %broadcast_in_dim3A_566, %slice3A_563 : vector<1024x128xi1>, vector<1024x128xi32>
    %min3A_568 = arith.minsi %min3A_562, %select_n3A_567 : vector<1024x128xi32>
    %slice3A_569 = vector.extract_strided_slice %select_n3A {offsets = [0, 2048], sizes = [1024, 128], strides = [1, 1]} : vector<1024x4096xi32> to vector<1024x128xi32>
    %le3A_570 = arith.cmpi sle, %slice3A_569, %min3A_473 : vector<1024x128xi32>
    %jit3A_571 = arith.constant 2139095039 : i32
    %broadcast_in_dim3A_572 = vector.broadcast %jit3A_571 : i32 to vector<1024x128xi32>
    %select_n3A_573 = arith.select %le3A_570, %broadcast_in_dim3A_572, %slice3A_569 : vector<1024x128xi1>, vector<1024x128xi32>
    %min3A_574 = arith.minsi %min3A_568, %select_n3A_573 : vector<1024x128xi32>
    %slice3A_575 = vector.extract_strided_slice %select_n3A {offsets = [0, 2176], sizes = [1024, 128], strides = [1, 1]} : vector<1024x4096xi32> to vector<1024x128xi32>
    %le3A_576 = arith.cmpi sle, %slice3A_575, %min3A_473 : vector<1024x128xi32>
    %jit3A_577 = arith.constant 2139095039 : i32
    %broadcast_in_dim3A_578 = vector.broadcast %jit3A_577 : i32 to vector<1024x128xi32>
    %select_n3A_579 = arith.select %le3A_576, %broadcast_in_dim3A_578, %slice3A_575 : vector<1024x128xi1>, vector<1024x128xi32>
    %min3A_580 = arith.minsi %min3A_574, %select_n3A_579 : vector<1024x128xi32>
    %slice3A_581 = vector.extract_strided_slice %select_n3A {offsets = [0, 2304], sizes = [1024, 128], strides = [1, 1]} : vector<1024x4096xi32> to vector<1024x128xi32>
    %le3A_582 = arith.cmpi sle, %slice3A_581, %min3A_473 : vector<1024x128xi32>
    %jit3A_583 = arith.constant 2139095039 : i32
    %broadcast_in_dim3A_584 = vector.broadcast %jit3A_583 : i32 to vector<1024x128xi32>
    %select_n3A_585 = arith.select %le3A_582, %broadcast_in_dim3A_584, %slice3A_581 : vector<1024x128xi1>, vector<1024x128xi32>
    %min3A_586 = arith.minsi %min3A_580, %select_n3A_585 : vector<1024x128xi32>
    %slice3A_587 = vector.extract_strided_slice %select_n3A {offsets = [0, 2432], sizes = [1024, 128], strides = [1, 1]} : vector<1024x4096xi32> to vector<1024x128xi32>
    %le3A_588 = arith.cmpi sle, %slice3A_587, %min3A_473 : vector<1024x128xi32>
    %jit3A_589 = arith.constant 2139095039 : i32
    %broadcast_in_dim3A_590 = vector.broadcast %jit3A_589 : i32 to vector<1024x128xi32>
    %select_n3A_591 = arith.select %le3A_588, %broadcast_in_dim3A_590, %slice3A_587 : vector<1024x128xi1>, vector<1024x128xi32>
    %min3A_592 = arith.minsi %min3A_586, %select_n3A_591 : vector<1024x128xi32>
    %slice3A_593 = vector.extract_strided_slice %select_n3A {offsets = [0, 2560], sizes = [1024, 128], strides = [1, 1]} : vector<1024x4096xi32> to vector<1024x128xi32>
    %le3A_594 = arith.cmpi sle, %slice3A_593, %min3A_473 : vector<1024x128xi32>
    %jit3A_595 = arith.constant 2139095039 : i32
    %broadcast_in_dim3A_596 = vector.broadcast %jit3A_595 : i32 to vector<1024x128xi32>
    %select_n3A_597 = arith.select %le3A_594, %broadcast_in_dim3A_596, %slice3A_593 : vector<1024x128xi1>, vector<1024x128xi32>
    %min3A_598 = arith.minsi %min3A_592, %select_n3A_597 : vector<1024x128xi32>
    %slice3A_599 = vector.extract_strided_slice %select_n3A {offsets = [0, 2688], sizes = [1024, 128], strides = [1, 1]} : vector<1024x4096xi32> to vector<1024x128xi32>
    %le3A_600 = arith.cmpi sle, %slice3A_599, %min3A_473 : vector<1024x128xi32>
    %jit3A_601 = arith.constant 2139095039 : i32
    %broadcast_in_dim3A_602 = vector.broadcast %jit3A_601 : i32 to vector<1024x128xi32>
    %select_n3A_603 = arith.select %le3A_600, %broadcast_in_dim3A_602, %slice3A_599 : vector<1024x128xi1>, vector<1024x128xi32>
    %min3A_604 = arith.minsi %min3A_598, %select_n3A_603 : vector<1024x128xi32>
    %slice3A_605 = vector.extract_strided_slice %select_n3A {offsets = [0, 2816], sizes = [1024, 128], strides = [1, 1]} : vector<1024x4096xi32> to vector<1024x128xi32>
    %le3A_606 = arith.cmpi sle, %slice3A_605, %min3A_473 : vector<1024x128xi32>
    %jit3A_607 = arith.constant 2139095039 : i32
    %broadcast_in_dim3A_608 = vector.broadcast %jit3A_607 : i32 to vector<1024x128xi32>
    %select_n3A_609 = arith.select %le3A_606, %broadcast_in_dim3A_608, %slice3A_605 : vector<1024x128xi1>, vector<1024x128xi32>
    %min3A_610 = arith.minsi %min3A_604, %select_n3A_609 : vector<1024x128xi32>
    %slice3A_611 = vector.extract_strided_slice %select_n3A {offsets = [0, 2944], sizes = [1024, 128], strides = [1, 1]} : vector<1024x4096xi32> to vector<1024x128xi32>
    %le3A_612 = arith.cmpi sle, %slice3A_611, %min3A_473 : vector<1024x128xi32>
    %jit3A_613 = arith.constant 2139095039 : i32
    %broadcast_in_dim3A_614 = vector.broadcast %jit3A_613 : i32 to vector<1024x128xi32>
    %select_n3A_615 = arith.select %le3A_612, %broadcast_in_dim3A_614, %slice3A_611 : vector<1024x128xi1>, vector<1024x128xi32>
    %min3A_616 = arith.minsi %min3A_610, %select_n3A_615 : vector<1024x128xi32>
    %slice3A_617 = vector.extract_strided_slice %select_n3A {offsets = [0, 3072], sizes = [1024, 128], strides = [1, 1]} : vector<1024x4096xi32> to vector<1024x128xi32>
    %le3A_618 = arith.cmpi sle, %slice3A_617, %min3A_473 : vector<1024x128xi32>
    %jit3A_619 = arith.constant 2139095039 : i32
    %broadcast_in_dim3A_620 = vector.broadcast %jit3A_619 : i32 to vector<1024x128xi32>
    %select_n3A_621 = arith.select %le3A_618, %broadcast_in_dim3A_620, %slice3A_617 : vector<1024x128xi1>, vector<1024x128xi32>
    %min3A_622 = arith.minsi %min3A_616, %select_n3A_621 : vector<1024x128xi32>
    %slice3A_623 = vector.extract_strided_slice %select_n3A {offsets = [0, 3200], sizes = [1024, 128], strides = [1, 1]} : vector<1024x4096xi32> to vector<1024x128xi32>
    %le3A_624 = arith.cmpi sle, %slice3A_623, %min3A_473 : vector<1024x128xi32>
    %jit3A_625 = arith.constant 2139095039 : i32
    %broadcast_in_dim3A_626 = vector.broadcast %jit3A_625 : i32 to vector<1024x128xi32>
    %select_n3A_627 = arith.select %le3A_624, %broadcast_in_dim3A_626, %slice3A_623 : vector<1024x128xi1>, vector<1024x128xi32>
    %min3A_628 = arith.minsi %min3A_622, %select_n3A_627 : vector<1024x128xi32>
    %slice3A_629 = vector.extract_strided_slice %select_n3A {offsets = [0, 3328], sizes = [1024, 128], strides = [1, 1]} : vector<1024x4096xi32> to vector<1024x128xi32>
    %le3A_630 = arith.cmpi sle, %slice3A_629, %min3A_473 : vector<1024x128xi32>
    %jit3A_631 = arith.constant 2139095039 : i32
    %broadcast_in_dim3A_632 = vector.broadcast %jit3A_631 : i32 to vector<1024x128xi32>
    %select_n3A_633 = arith.select %le3A_630, %broadcast_in_dim3A_632, %slice3A_629 : vector<1024x128xi1>, vector<1024x128xi32>
    %min3A_634 = arith.minsi %min3A_628, %select_n3A_633 : vector<1024x128xi32>
    %slice3A_635 = vector.extract_strided_slice %select_n3A {offsets = [0, 3456], sizes = [1024, 128], strides = [1, 1]} : vector<1024x4096xi32> to vector<1024x128xi32>
    %le3A_636 = arith.cmpi sle, %slice3A_635, %min3A_473 : vector<1024x128xi32>
    %jit3A_637 = arith.constant 2139095039 : i32
    %broadcast_in_dim3A_638 = vector.broadcast %jit3A_637 : i32 to vector<1024x128xi32>
    %select_n3A_639 = arith.select %le3A_636, %broadcast_in_dim3A_638, %slice3A_635 : vector<1024x128xi1>, vector<1024x128xi32>
    %min3A_640 = arith.minsi %min3A_634, %select_n3A_639 : vector<1024x128xi32>
    %slice3A_641 = vector.extract_strided_slice %select_n3A {offsets = [0, 3584], sizes = [1024, 128], strides = [1, 1]} : vector<1024x4096xi32> to vector<1024x128xi32>
    %le3A_642 = arith.cmpi sle, %slice3A_641, %min3A_473 : vector<1024x128xi32>
    %jit3A_643 = arith.constant 2139095039 : i32
    %broadcast_in_dim3A_644 = vector.broadcast %jit3A_643 : i32 to vector<1024x128xi32>
    %select_n3A_645 = arith.select %le3A_642, %broadcast_in_dim3A_644, %slice3A_641 : vector<1024x128xi1>, vector<1024x128xi32>
    %min3A_646 = arith.minsi %min3A_640, %select_n3A_645 : vector<1024x128xi32>
    %slice3A_647 = vector.extract_strided_slice %select_n3A {offsets = [0, 3712], sizes = [1024, 128], strides = [1, 1]} : vector<1024x4096xi32> to vector<1024x128xi32>
    %le3A_648 = arith.cmpi sle, %slice3A_647, %min3A_473 : vector<1024x128xi32>
    %jit3A_649 = arith.constant 2139095039 : i32
    %broadcast_in_dim3A_650 = vector.broadcast %jit3A_649 : i32 to vector<1024x128xi32>
    %select_n3A_651 = arith.select %le3A_648, %broadcast_in_dim3A_650, %slice3A_647 : vector<1024x128xi1>, vector<1024x128xi32>
    %min3A_652 = arith.minsi %min3A_646, %select_n3A_651 : vector<1024x128xi32>
    %slice3A_653 = vector.extract_strided_slice %select_n3A {offsets = [0, 3840], sizes = [1024, 128], strides = [1, 1]} : vector<1024x4096xi32> to vector<1024x128xi32>
    %le3A_654 = arith.cmpi sle, %slice3A_653, %min3A_473 : vector<1024x128xi32>
    %jit3A_655 = arith.constant 2139095039 : i32
    %broadcast_in_dim3A_656 = vector.broadcast %jit3A_655 : i32 to vector<1024x128xi32>
    %select_n3A_657 = arith.select %le3A_654, %broadcast_in_dim3A_656, %slice3A_653 : vector<1024x128xi1>, vector<1024x128xi32>
    %min3A_658 = arith.minsi %min3A_652, %select_n3A_657 : vector<1024x128xi32>
    %slice3A_659 = vector.extract_strided_slice %select_n3A {offsets = [0, 3968], sizes = [1024, 128], strides = [1, 1]} : vector<1024x4096xi32> to vector<1024x128xi32>
    %le3A_660 = arith.cmpi sle, %slice3A_659, %min3A_473 : vector<1024x128xi32>
    %jit3A_661 = arith.constant 2139095039 : i32
    %broadcast_in_dim3A_662 = vector.broadcast %jit3A_661 : i32 to vector<1024x128xi32>
    %select_n3A_663 = arith.select %le3A_660, %broadcast_in_dim3A_662, %slice3A_659 : vector<1024x128xi1>, vector<1024x128xi32>
    %min3A_664 = arith.minsi %min3A_658, %select_n3A_663 : vector<1024x128xi32>
    %concatenate3A = tpu.concatenate %min3A_92, %min3A_282, %min3A_473, %min3A_664 in 1 : vector<1024x128xi32>, vector<1024x128xi32>, vector<1024x128xi32>, vector<1024x128xi32> -> vector<1024x512xi32>
    %reduce_min3A = arith.constant dense<2147483647> : vector<1024xi32>
    %reduce_min3A_665 = vector.multi_reduction <minsi>, %concatenate3A, %reduce_min3A [1] : vector<1024x512xi32> to vector<1024xi32>
    %broadcast_in_dim3A_666 = vector.shape_cast %reduce_min3A_665 : vector<1024xi32> to vector<1024x1xi32>
    %and3A_667 = arith.constant 4095 : i32
    %and3A_668 = vector.broadcast %and3A_667 : i32 to vector<1024x1xi32>
    %and3A_669 = arith.andi %broadcast_in_dim3A_666, %and3A_668 : vector<1024x1xi32>
    %le3A_670 = vector.broadcast %broadcast_in_dim3A_666 : vector<1024x1xi32> to vector<1024x512xi32>
    %le3A_671 = arith.cmpi sle, %concatenate3A, %le3A_670 : vector<1024x512xi32>
    %jit3A_672 = arith.constant 2139095039 : i32
    %broadcast_in_dim3A_673 = vector.broadcast %jit3A_672 : i32 to vector<1024x512xi32>
    %select_n3A_674 = arith.select %le3A_671, %broadcast_in_dim3A_673, %concatenate3A : vector<1024x512xi1>, vector<1024x512xi32>
    %reduce_min3A_675 = arith.constant dense<2147483647> : vector<1024xi32>
    %reduce_min3A_676 = vector.multi_reduction <minsi>, %select_n3A_674, %reduce_min3A_675 [1] : vector<1024x512xi32> to vector<1024xi32>
    %broadcast_in_dim3A_677 = vector.shape_cast %reduce_min3A_676 : vector<1024xi32> to vector<1024x1xi32>
    %and3A_678 = arith.constant 4095 : i32
    %and3A_679 = vector.broadcast %and3A_678 : i32 to vector<1024x1xi32>
    %and3A_680 = arith.andi %broadcast_in_dim3A_677, %and3A_679 : vector<1024x1xi32>
    %le3A_681 = vector.broadcast %broadcast_in_dim3A_677 : vector<1024x1xi32> to vector<1024x512xi32>
    %le3A_682 = arith.cmpi sle, %concatenate3A, %le3A_681 : vector<1024x512xi32>
    %jit3A_683 = arith.constant 2139095039 : i32
    %broadcast_in_dim3A_684 = vector.broadcast %jit3A_683 : i32 to vector<1024x512xi32>
    %select_n3A_685 = arith.select %le3A_682, %broadcast_in_dim3A_684, %concatenate3A : vector<1024x512xi1>, vector<1024x512xi32>
    %reduce_min3A_686 = arith.constant dense<2147483647> : vector<1024xi32>
    %reduce_min3A_687 = vector.multi_reduction <minsi>, %select_n3A_685, %reduce_min3A_686 [1] : vector<1024x512xi32> to vector<1024xi32>
    %broadcast_in_dim3A_688 = vector.shape_cast %reduce_min3A_687 : vector<1024xi32> to vector<1024x1xi32>
    %and3A_689 = arith.constant 4095 : i32
    %and3A_690 = vector.broadcast %and3A_689 : i32 to vector<1024x1xi32>
    %and3A_691 = arith.andi %broadcast_in_dim3A_688, %and3A_690 : vector<1024x1xi32>
    %le3A_692 = vector.broadcast %broadcast_in_dim3A_688 : vector<1024x1xi32> to vector<1024x512xi32>
    %le3A_693 = arith.cmpi sle, %concatenate3A, %le3A_692 : vector<1024x512xi32>
    %jit3A_694 = arith.constant 2139095039 : i32
    %broadcast_in_dim3A_695 = vector.broadcast %jit3A_694 : i32 to vector<1024x512xi32>
    %select_n3A_696 = arith.select %le3A_693, %broadcast_in_dim3A_695, %concatenate3A : vector<1024x512xi1>, vector<1024x512xi32>
    %reduce_min3A_697 = arith.constant dense<2147483647> : vector<1024xi32>
    %reduce_min3A_698 = vector.multi_reduction <minsi>, %select_n3A_696, %reduce_min3A_697 [1] : vector<1024x512xi32> to vector<1024xi32>
    %broadcast_in_dim3A_699 = vector.shape_cast %reduce_min3A_698 : vector<1024xi32> to vector<1024x1xi32>
    %and3A_700 = arith.constant 4095 : i32
    %and3A_701 = vector.broadcast %and3A_700 : i32 to vector<1024x1xi32>
    %and3A_702 = arith.andi %broadcast_in_dim3A_699, %and3A_701 : vector<1024x1xi32>
    %le3A_703 = vector.broadcast %broadcast_in_dim3A_699 : vector<1024x1xi32> to vector<1024x512xi32>
    %le3A_704 = arith.cmpi sle, %concatenate3A, %le3A_703 : vector<1024x512xi32>
    %jit3A_705 = arith.constant 2139095039 : i32
    %broadcast_in_dim3A_706 = vector.broadcast %jit3A_705 : i32 to vector<1024x512xi32>
    %select_n3A_707 = arith.select %le3A_704, %broadcast_in_dim3A_706, %concatenate3A : vector<1024x512xi1>, vector<1024x512xi32>
    %reduce_min3A_708 = arith.constant dense<2147483647> : vector<1024xi32>
    %reduce_min3A_709 = vector.multi_reduction <minsi>, %select_n3A_707, %reduce_min3A_708 [1] : vector<1024x512xi32> to vector<1024xi32>
    %broadcast_in_dim3A_710 = vector.shape_cast %reduce_min3A_709 : vector<1024xi32> to vector<1024x1xi32>
    %and3A_711 = arith.constant 4095 : i32
    %and3A_712 = vector.broadcast %and3A_711 : i32 to vector<1024x1xi32>
    %and3A_713 = arith.andi %broadcast_in_dim3A_710, %and3A_712 : vector<1024x1xi32>
    %le3A_714 = vector.broadcast %broadcast_in_dim3A_710 : vector<1024x1xi32> to vector<1024x512xi32>
    %le3A_715 = arith.cmpi sle, %concatenate3A, %le3A_714 : vector<1024x512xi32>
    %jit3A_716 = arith.constant 2139095039 : i32
    %broadcast_in_dim3A_717 = vector.broadcast %jit3A_716 : i32 to vector<1024x512xi32>
    %select_n3A_718 = arith.select %le3A_715, %broadcast_in_dim3A_717, %concatenate3A : vector<1024x512xi1>, vector<1024x512xi32>
    %reduce_min3A_719 = arith.constant dense<2147483647> : vector<1024xi32>
    %reduce_min3A_720 = vector.multi_reduction <minsi>, %select_n3A_718, %reduce_min3A_719 [1] : vector<1024x512xi32> to vector<1024xi32>
    %broadcast_in_dim3A_721 = vector.shape_cast %reduce_min3A_720 : vector<1024xi32> to vector<1024x1xi32>
    %and3A_722 = arith.constant 4095 : i32
    %and3A_723 = vector.broadcast %and3A_722 : i32 to vector<1024x1xi32>
    %and3A_724 = arith.andi %broadcast_in_dim3A_721, %and3A_723 : vector<1024x1xi32>
    %le3A_725 = vector.broadcast %broadcast_in_dim3A_721 : vector<1024x1xi32> to vector<1024x512xi32>
    %le3A_726 = arith.cmpi sle, %concatenate3A, %le3A_725 : vector<1024x512xi32>
    %jit3A_727 = arith.constant 2139095039 : i32
    %broadcast_in_dim3A_728 = vector.broadcast %jit3A_727 : i32 to vector<1024x512xi32>
    %select_n3A_729 = arith.select %le3A_726, %broadcast_in_dim3A_728, %concatenate3A : vector<1024x512xi1>, vector<1024x512xi32>
    %reduce_min3A_730 = arith.constant dense<2147483647> : vector<1024xi32>
    %reduce_min3A_731 = vector.multi_reduction <minsi>, %select_n3A_729, %reduce_min3A_730 [1] : vector<1024x512xi32> to vector<1024xi32>
    %broadcast_in_dim3A_732 = vector.shape_cast %reduce_min3A_731 : vector<1024xi32> to vector<1024x1xi32>
    %and3A_733 = arith.constant 4095 : i32
    %and3A_734 = vector.broadcast %and3A_733 : i32 to vector<1024x1xi32>
    %and3A_735 = arith.andi %broadcast_in_dim3A_732, %and3A_734 : vector<1024x1xi32>
    %le3A_736 = vector.broadcast %broadcast_in_dim3A_732 : vector<1024x1xi32> to vector<1024x512xi32>
    %le3A_737 = arith.cmpi sle, %concatenate3A, %le3A_736 : vector<1024x512xi32>
    %jit3A_738 = arith.constant 2139095039 : i32
    %broadcast_in_dim3A_739 = vector.broadcast %jit3A_738 : i32 to vector<1024x512xi32>
    %select_n3A_740 = arith.select %le3A_737, %broadcast_in_dim3A_739, %concatenate3A : vector<1024x512xi1>, vector<1024x512xi32>
    %reduce_min3A_741 = arith.constant dense<2147483647> : vector<1024xi32>
    %reduce_min3A_742 = vector.multi_reduction <minsi>, %select_n3A_740, %reduce_min3A_741 [1] : vector<1024x512xi32> to vector<1024xi32>
    %broadcast_in_dim3A_743 = vector.shape_cast %reduce_min3A_742 : vector<1024xi32> to vector<1024x1xi32>
    %and3A_744 = arith.constant 4095 : i32
    %and3A_745 = vector.broadcast %and3A_744 : i32 to vector<1024x1xi32>
    %and3A_746 = arith.andi %broadcast_in_dim3A_743, %and3A_745 : vector<1024x1xi32>
    %le3A_747 = vector.broadcast %broadcast_in_dim3A_743 : vector<1024x1xi32> to vector<1024x512xi32>
    %le3A_748 = arith.cmpi sle, %concatenate3A, %le3A_747 : vector<1024x512xi32>
    %jit3A_749 = arith.constant 2139095039 : i32
    %broadcast_in_dim3A_750 = vector.broadcast %jit3A_749 : i32 to vector<1024x512xi32>
    %select_n3A_751 = arith.select %le3A_748, %broadcast_in_dim3A_750, %concatenate3A : vector<1024x512xi1>, vector<1024x512xi32>
    %reduce_min3A_752 = arith.constant dense<2147483647> : vector<1024xi32>
    %reduce_min3A_753 = vector.multi_reduction <minsi>, %select_n3A_751, %reduce_min3A_752 [1] : vector<1024x512xi32> to vector<1024xi32>
    %broadcast_in_dim3A_754 = vector.shape_cast %reduce_min3A_753 : vector<1024xi32> to vector<1024x1xi32>
    %and3A_755 = arith.constant 4095 : i32
    %and3A_756 = vector.broadcast %and3A_755 : i32 to vector<1024x1xi32>
    %and3A_757 = arith.andi %broadcast_in_dim3A_754, %and3A_756 : vector<1024x1xi32>
    %le3A_758 = vector.broadcast %broadcast_in_dim3A_754 : vector<1024x1xi32> to vector<1024x512xi32>
    %le3A_759 = arith.cmpi sle, %concatenate3A, %le3A_758 : vector<1024x512xi32>
    %jit3A_760 = arith.constant 2139095039 : i32
    %broadcast_in_dim3A_761 = vector.broadcast %jit3A_760 : i32 to vector<1024x512xi32>
    %select_n3A_762 = arith.select %le3A_759, %broadcast_in_dim3A_761, %concatenate3A : vector<1024x512xi1>, vector<1024x512xi32>
    %reduce_min3A_763 = arith.constant dense<2147483647> : vector<1024xi32>
    %reduce_min3A_764 = vector.multi_reduction <minsi>, %select_n3A_762, %reduce_min3A_763 [1] : vector<1024x512xi32> to vector<1024xi32>
    %broadcast_in_dim3A_765 = vector.shape_cast %reduce_min3A_764 : vector<1024xi32> to vector<1024x1xi32>
    %and3A_766 = arith.constant 4095 : i32
    %and3A_767 = vector.broadcast %and3A_766 : i32 to vector<1024x1xi32>
    %and3A_768 = arith.andi %broadcast_in_dim3A_765, %and3A_767 : vector<1024x1xi32>
    %le3A_769 = vector.broadcast %broadcast_in_dim3A_765 : vector<1024x1xi32> to vector<1024x512xi32>
    %le3A_770 = arith.cmpi sle, %concatenate3A, %le3A_769 : vector<1024x512xi32>
    %jit3A_771 = arith.constant 2139095039 : i32
    %broadcast_in_dim3A_772 = vector.broadcast %jit3A_771 : i32 to vector<1024x512xi32>
    %select_n3A_773 = arith.select %le3A_770, %broadcast_in_dim3A_772, %concatenate3A : vector<1024x512xi1>, vector<1024x512xi32>
    %reduce_min3A_774 = arith.constant dense<2147483647> : vector<1024xi32>
    %reduce_min3A_775 = vector.multi_reduction <minsi>, %select_n3A_773, %reduce_min3A_774 [1] : vector<1024x512xi32> to vector<1024xi32>
    %broadcast_in_dim3A_776 = vector.shape_cast %reduce_min3A_775 : vector<1024xi32> to vector<1024x1xi32>
    %and3A_777 = arith.constant 4095 : i32
    %and3A_778 = vector.broadcast %and3A_777 : i32 to vector<1024x1xi32>
    %and3A_779 = arith.andi %broadcast_in_dim3A_776, %and3A_778 : vector<1024x1xi32>
    %le3A_780 = vector.broadcast %broadcast_in_dim3A_776 : vector<1024x1xi32> to vector<1024x512xi32>
    %le3A_781 = arith.cmpi sle, %concatenate3A, %le3A_780 : vector<1024x512xi32>
    %jit3A_782 = arith.constant 2139095039 : i32
    %broadcast_in_dim3A_783 = vector.broadcast %jit3A_782 : i32 to vector<1024x512xi32>
    %select_n3A_784 = arith.select %le3A_781, %broadcast_in_dim3A_783, %concatenate3A : vector<1024x512xi1>, vector<1024x512xi32>
    %reduce_min3A_785 = arith.constant dense<2147483647> : vector<1024xi32>
    %reduce_min3A_786 = vector.multi_reduction <minsi>, %select_n3A_784, %reduce_min3A_785 [1] : vector<1024x512xi32> to vector<1024xi32>
    %broadcast_in_dim3A_787 = vector.shape_cast %reduce_min3A_786 : vector<1024xi32> to vector<1024x1xi32>
    %and3A_788 = arith.constant 4095 : i32
    %and3A_789 = vector.broadcast %and3A_788 : i32 to vector<1024x1xi32>
    %and3A_790 = arith.andi %broadcast_in_dim3A_787, %and3A_789 : vector<1024x1xi32>
    %le3A_791 = vector.broadcast %broadcast_in_dim3A_787 : vector<1024x1xi32> to vector<1024x512xi32>
    %le3A_792 = arith.cmpi sle, %concatenate3A, %le3A_791 : vector<1024x512xi32>
    %jit3A_793 = arith.constant 2139095039 : i32
    %broadcast_in_dim3A_794 = vector.broadcast %jit3A_793 : i32 to vector<1024x512xi32>
    %select_n3A_795 = arith.select %le3A_792, %broadcast_in_dim3A_794, %concatenate3A : vector<1024x512xi1>, vector<1024x512xi32>
    %reduce_min3A_796 = arith.constant dense<2147483647> : vector<1024xi32>
    %reduce_min3A_797 = vector.multi_reduction <minsi>, %select_n3A_795, %reduce_min3A_796 [1] : vector<1024x512xi32> to vector<1024xi32>
    %broadcast_in_dim3A_798 = vector.shape_cast %reduce_min3A_797 : vector<1024xi32> to vector<1024x1xi32>
    %and3A_799 = arith.constant 4095 : i32
    %and3A_800 = vector.broadcast %and3A_799 : i32 to vector<1024x1xi32>
    %and3A_801 = arith.andi %broadcast_in_dim3A_798, %and3A_800 : vector<1024x1xi32>
    %le3A_802 = vector.broadcast %broadcast_in_dim3A_798 : vector<1024x1xi32> to vector<1024x512xi32>
    %le3A_803 = arith.cmpi sle, %concatenate3A, %le3A_802 : vector<1024x512xi32>
    %jit3A_804 = arith.constant 2139095039 : i32
    %broadcast_in_dim3A_805 = vector.broadcast %jit3A_804 : i32 to vector<1024x512xi32>
    %select_n3A_806 = arith.select %le3A_803, %broadcast_in_dim3A_805, %concatenate3A : vector<1024x512xi1>, vector<1024x512xi32>
    %reduce_min3A_807 = arith.constant dense<2147483647> : vector<1024xi32>
    %reduce_min3A_808 = vector.multi_reduction <minsi>, %select_n3A_806, %reduce_min3A_807 [1] : vector<1024x512xi32> to vector<1024xi32>
    %broadcast_in_dim3A_809 = vector.shape_cast %reduce_min3A_808 : vector<1024xi32> to vector<1024x1xi32>
    %and3A_810 = arith.constant 4095 : i32
    %and3A_811 = vector.broadcast %and3A_810 : i32 to vector<1024x1xi32>
    %and3A_812 = arith.andi %broadcast_in_dim3A_809, %and3A_811 : vector<1024x1xi32>
    %le3A_813 = vector.broadcast %broadcast_in_dim3A_809 : vector<1024x1xi32> to vector<1024x512xi32>
    %le3A_814 = arith.cmpi sle, %concatenate3A, %le3A_813 : vector<1024x512xi32>
    %jit3A_815 = arith.constant 2139095039 : i32
    %broadcast_in_dim3A_816 = vector.broadcast %jit3A_815 : i32 to vector<1024x512xi32>
    %select_n3A_817 = arith.select %le3A_814, %broadcast_in_dim3A_816, %concatenate3A : vector<1024x512xi1>, vector<1024x512xi32>
    %reduce_min3A_818 = arith.constant dense<2147483647> : vector<1024xi32>
    %reduce_min3A_819 = vector.multi_reduction <minsi>, %select_n3A_817, %reduce_min3A_818 [1] : vector<1024x512xi32> to vector<1024xi32>
    %broadcast_in_dim3A_820 = vector.shape_cast %reduce_min3A_819 : vector<1024xi32> to vector<1024x1xi32>
    %and3A_821 = arith.constant 4095 : i32
    %and3A_822 = vector.broadcast %and3A_821 : i32 to vector<1024x1xi32>
    %and3A_823 = arith.andi %broadcast_in_dim3A_820, %and3A_822 : vector<1024x1xi32>
    %le3A_824 = vector.broadcast %broadcast_in_dim3A_820 : vector<1024x1xi32> to vector<1024x512xi32>
    %le3A_825 = arith.cmpi sle, %concatenate3A, %le3A_824 : vector<1024x512xi32>
    %jit3A_826 = arith.constant 2139095039 : i32
    %broadcast_in_dim3A_827 = vector.broadcast %jit3A_826 : i32 to vector<1024x512xi32>
    %select_n3A_828 = arith.select %le3A_825, %broadcast_in_dim3A_827, %concatenate3A : vector<1024x512xi1>, vector<1024x512xi32>
    %reduce_min3A_829 = arith.constant dense<2147483647> : vector<1024xi32>
    %reduce_min3A_830 = vector.multi_reduction <minsi>, %select_n3A_828, %reduce_min3A_829 [1] : vector<1024x512xi32> to vector<1024xi32>
    %broadcast_in_dim3A_831 = vector.shape_cast %reduce_min3A_830 : vector<1024xi32> to vector<1024x1xi32>
    %and3A_832 = arith.constant 4095 : i32
    %and3A_833 = vector.broadcast %and3A_832 : i32 to vector<1024x1xi32>
    %and3A_834 = arith.andi %broadcast_in_dim3A_831, %and3A_833 : vector<1024x1xi32>
    %concatenate3A_835 = tpu.concatenate %and3A_669, %and3A_680, %and3A_691, %and3A_702, %and3A_713, %and3A_724, %and3A_735, %and3A_746, %and3A_757, %and3A_768, %and3A_779, %and3A_790, %and3A_801, %and3A_812, %and3A_823, %and3A_834 in 1 : vector<1024x1xi32>, vector<1024x1xi32>, vector<1024x1xi32>, vector<1024x1xi32>, vector<1024x1xi32>, vector<1024x1xi32>, vector<1024x1xi32>, vector<1024x1xi32>, vector<1024x1xi32>, vector<1024x1xi32>, vector<1024x1xi32>, vector<1024x1xi32>, vector<1024x1xi32>, vector<1024x1xi32>, vector<1024x1xi32>, vector<1024x1xi32> -> vector<1024x16xi32>
    %mul3A_836 = arith.constant 4096 : i32
    %mul3A_837 = arith.muli %add3A_0, %mul3A_836 : i32
    %add3A_838 = vector.broadcast %mul3A_837 : i32 to vector<1024x16xi32>
    %add3A_839 = arith.addi %concatenate3A_835, %add3A_838 : vector<1024x16xi32>
    %swap3A = arith.constant 0 : index
    %swap3A_840 = arith.constant 0 : index
    %swap3A_841 = arith.constant 0 : index
    %swap3A_842 = vector.load %arg4[%swap3A, %swap3A_840, %swap3A_841] : memref<1x1024x16xi32, #tpu.memory_space<vmem>>, vector<1x1024x16xi32>
    %swap3A_843 = vector.shape_cast %swap3A_842 : vector<1x1024x16xi32> to vector<1024x16xi32>
    %swap3A_844 = vector.shape_cast %add3A_839 : vector<1024x16xi32> to vector<1x1024x16xi32>
    tpu.vector_store %arg4[%swap3A, %swap3A_840, %swap3A_841], %swap3A_844 {strides = array<i32>} : memref<1x1024x16xi32, #tpu.memory_space<vmem>>, vector<1x1024x16xi32>,
    return
  }
  func.func @transform_0(%arg0: i32, %arg1: i32) -> (i32, i32, i32) {
    %c0_i32 = arith.constant 0 : i32
    %c0_i32_0 = arith.constant 0 : i32
    return %arg0, %arg1, %c0_i32 : i32, i32, i32
  }
  func.func @transform_1(%arg0: i32, %arg1: i32) -> (i32, i32, i32) {
    %c0_i32 = arith.constant 0 : i32
    %c0_i32_0 = arith.constant 0 : i32
    %c0_i32_1 = arith.constant 0 : i32
    return %arg0, %c0_i32, %c0_i32_0 : i32, i32, i32
  }
  func.func @transform_2(%arg0: i32, %arg1: i32) -> (i32, i32, i32) {
    %c0_i32 = arith.constant 0 : i32
    %c0_i32_0 = arith.constant 0 : i32
    return %arg0, %arg1, %c0_i32 : i32, i32, i32
  }
}

module attributes {stable_mosaic.version = 14 : i64} {
  func.func @_qkv_body(%arg0: i32, %arg1: memref<512x128xf32, #tpu.memory_space<vmem>>, %arg2: memref<1x128xf32, #tpu.memory_space<vmem>>, %arg3: memref<1x128xf32, #tpu.memory_space<vmem>>, %arg4: memref<128x128xf32, #tpu.memory_space<vmem>>, %arg5: memref<512x128xf32, #tpu.memory_space<vmem>>, %arg6: memref<512x128xf32, #tpu.memory_space<vmem>>) attributes {dimension_semantics = [#tpu.dimension_semantics<arbitrary>], iteration_bounds = array<i64: 32>, scalar_prefetch = 0 : i64, scratch_operands = 0 : i64, tpu.core_type = #tpu.core_type<tc>, window_params = [{transform_indices = @transform_0, window_bounds = array<i64: 512, 128>}, {pipeline_mode = #tpu.pipeline_mode<synchronous>, transform_indices = @transform_1, window_bounds = array<i64: 1, 128>}, {pipeline_mode = #tpu.pipeline_mode<synchronous>, transform_indices = @transform_2, window_bounds = array<i64: 1, 128>}, {pipeline_mode = #tpu.pipeline_mode<synchronous>, transform_indices = @transform_3, window_bounds = array<i64: 128, 128>}, {transform_indices = @transform_4, window_bounds = array<i64: 512, 128>}, {transform_indices = @transform_5, window_bounds = array<i64: 512, 128>}]} {
    %get3A = arith.constant 0 : index
    %get3A_0 = arith.constant 0 : index
    %get3A_1 = vector.load %arg1[%get3A, %get3A_0] : memref<512x128xf32, #tpu.memory_space<vmem>>, vector<512x128xf32>
    %get3A_2 = arith.constant 0 : index
    %get3A_3 = arith.constant 0 : index
    %get3A_4 = vector.load %arg2[%get3A_2, %get3A_3] : memref<1x128xf32, #tpu.memory_space<vmem>>, vector<1x128xf32>
    %get3A_5 = arith.constant 0 : index
    %get3A_6 = arith.constant 0 : index
    %get3A_7 = vector.load %arg3[%get3A_5, %get3A_6] : memref<1x128xf32, #tpu.memory_space<vmem>>, vector<1x128xf32>
    %reduce_sum3A = arith.constant dense<0.000000e+00> : vector<512xf32>
    %reduce_sum3A_8 = vector.multi_reduction <add>, %get3A_1, %reduce_sum3A [1] : vector<512x128xf32> to vector<512xf32>
    %broadcast_in_dim3A = vector.shape_cast %reduce_sum3A_8 : vector<512xf32> to vector<512x1xf32>
    %div3A = arith.constant 1.280000e+02 : f32
    %div3A_9 = vector.broadcast %div3A : f32 to vector<512x1xf32>
    %div3A_10 = arith.divf %broadcast_in_dim3A, %div3A_9 : vector<512x1xf32>
    %sub3A = vector.broadcast %div3A_10 : vector<512x1xf32> to vector<512x128xf32>
    %sub3A_11 = arith.subf %get3A_1, %sub3A : vector<512x128xf32>
    %integer_pow3A = arith.mulf %sub3A_11, %sub3A_11 : vector<512x128xf32>
    %reduce_sum3A_12 = arith.constant dense<0.000000e+00> : vector<512xf32>
    %reduce_sum3A_13 = vector.multi_reduction <add>, %integer_pow3A, %reduce_sum3A_12 [1] : vector<512x128xf32> to vector<512xf32>
    %broadcast_in_dim3A_14 = vector.shape_cast %reduce_sum3A_13 : vector<512xf32> to vector<512x1xf32>
    %div3A_15 = arith.constant 1.280000e+02 : f32
    %div3A_16 = vector.broadcast %div3A_15 : f32 to vector<512x1xf32>
    %div3A_17 = arith.divf %broadcast_in_dim3A_14, %div3A_16 : vector<512x1xf32>
    %sub3A_18 = vector.broadcast %div3A_10 : vector<512x1xf32> to vector<512x128xf32>
    %sub3A_19 = arith.subf %get3A_1, %sub3A_18 : vector<512x128xf32>
    %add3A = arith.constant 9.99999974E-6 : f32
    %add3A_20 = vector.broadcast %add3A : f32 to vector<512x1xf32>
    %add3A_21 = arith.addf %div3A_17, %add3A_20 : vector<512x1xf32>
    %sqrt3A = math.sqrt %add3A_21 : vector<512x1xf32>
    %div3A_22 = vector.broadcast %sqrt3A : vector<512x1xf32> to vector<512x128xf32>
    %div3A_23 = arith.divf %sub3A_19, %div3A_22 : vector<512x128xf32>
    %mul3A = vector.broadcast %get3A_4 : vector<1x128xf32> to vector<512x128xf32>
    %mul3A_24 = arith.mulf %div3A_23, %mul3A : vector<512x128xf32>
    %add3A_25 = vector.broadcast %get3A_7 : vector<1x128xf32> to vector<512x128xf32>
    %add3A_26 = arith.addf %mul3A_24, %add3A_25 : vector<512x128xf32>
    %get3A_27 = arith.constant 0 : index
    %get3A_28 = arith.constant 0 : index
    %get3A_29 = vector.load %arg4[%get3A_27, %get3A_28] : memref<128x128xf32, #tpu.memory_space<vmem>>, vector<128x128xf32>
    %dot_general3A = arith.constant dense<0.000000e+00> : vector<512x128xf32>
    %dot_general3A_30 = tpu.matmul %add3A_26, %get3A_29, %dot_general3A {dimension_numbers = #tpu.dot_dimension_numbers<[1], [0], [0], [1], [0, 0, 1, 1], [], []>, transpose_lhs_hint = false} : vector<512x128xf32>, vector<128x128xf32>, vector<512x128xf32> -> vector<512x128xf32>
    %swap3A = arith.constant 0 : index
    %swap3A_31 = arith.constant 0 : index
    %swap3A_32 = vector.load %arg5[%swap3A, %swap3A_31] : memref<512x128xf32, #tpu.memory_space<vmem>>, vector<512x128xf32>
    tpu.vector_store %arg5[%swap3A, %swap3A_31], %dot_general3A_30 {strides = array<i32>} : memref<512x128xf32, #tpu.memory_space<vmem>>, vector<512x128xf32>,
    %swap3A_33 = arith.constant 0 : index
    %swap3A_34 = arith.constant 0 : index
    %swap3A_35 = vector.load %arg6[%swap3A_33, %swap3A_34] : memref<512x128xf32, #tpu.memory_space<vmem>>, vector<512x128xf32>
    tpu.vector_store %arg6[%swap3A_33, %swap3A_34], %add3A_26 {strides = array<i32>} : memref<512x128xf32, #tpu.memory_space<vmem>>, vector<512x128xf32>,
    return
  }
  func.func @transform_0(%arg0: i32) -> (i32, i32) {
    %c0_i32 = arith.constant 0 : i32
    %c0_i32_0 = arith.constant 0 : i32
    return %arg0, %c0_i32 : i32, i32
  }
  func.func @transform_1(%arg0: i32) -> (i32, i32) {
    %c0_i32 = arith.constant 0 : i32
    %c0_i32_0 = arith.constant 0 : i32
    %c0_i32_1 = arith.constant 0 : i32
    return %c0_i32, %c0_i32_0 : i32, i32
  }
  func.func @transform_2(%arg0: i32) -> (i32, i32) {
    %c0_i32 = arith.constant 0 : i32
    %c0_i32_0 = arith.constant 0 : i32
    %c0_i32_1 = arith.constant 0 : i32
    return %c0_i32, %c0_i32_0 : i32, i32
  }
  func.func @transform_3(%arg0: i32) -> (i32, i32) {
    %c0_i32 = arith.constant 0 : i32
    %c0_i32_0 = arith.constant 0 : i32
    %c0_i32_1 = arith.constant 0 : i32
    return %c0_i32, %c0_i32_0 : i32, i32
  }
  func.func @transform_4(%arg0: i32) -> (i32, i32) {
    %c0_i32 = arith.constant 0 : i32
    %c0_i32_0 = arith.constant 0 : i32
    return %arg0, %c0_i32 : i32, i32
  }
  func.func @transform_5(%arg0: i32) -> (i32, i32) {
    %c0_i32 = arith.constant 0 : i32
    %c0_i32_0 = arith.constant 0 : i32
    return %arg0, %c0_i32 : i32, i32
  }
}

module attributes {stable_mosaic.version = 14 : i64} {
  func.func @_knn_body(%arg0: i32, %arg1: i32, %arg2: memref<1x1024x8xf32, #tpu.memory_space<vmem>>, %arg3: memref<1x8x4096xf32, #tpu.memory_space<vmem>>, %arg4: memref<1x1024x16xi32, #tpu.memory_space<vmem>>) attributes {dimension_semantics = [#tpu.dimension_semantics<arbitrary>, #tpu.dimension_semantics<arbitrary>], iteration_bounds = array<i64: 2, 4>, scalar_prefetch = 0 : i64, scratch_operands = 0 : i64, tpu.core_type = #tpu.core_type<tc>, window_params = [{transform_indices = @transform_0, window_bounds = array<i64: 1, 1024, 8>}, {transform_indices = @transform_1, window_bounds = array<i64: 1, 8, 4096>}, {transform_indices = @transform_2, window_bounds = array<i64: 1, 1024, 16>}]} {
    %add3A = arith.constant 0 : i32
    %add3A_0 = arith.addi %arg0, %add3A : i32
    %get3A = arith.constant 0 : index
    %get3A_1 = arith.constant 0 : index
    %get3A_2 = arith.constant 0 : index
    %get3A_3 = vector.load %arg2[%get3A, %get3A_1, %get3A_2] : memref<1x1024x8xf32, #tpu.memory_space<vmem>>, vector<1x1024x8xf32>
    %get3A_4 = vector.shape_cast %get3A_3 : vector<1x1024x8xf32> to vector<1024x8xf32>
    %get3A_5 = arith.constant 0 : index
    %get3A_6 = arith.constant 0 : index
    %get3A_7 = arith.constant 0 : index
    %get3A_8 = vector.load %arg3[%get3A_5, %get3A_6, %get3A_7] : memref<1x8x4096xf32, #tpu.memory_space<vmem>>, vector<1x8x4096xf32>
    %get3A_9 = vector.shape_cast %get3A_8 : vector<1x8x4096xf32> to vector<8x4096xf32>
    %mul3A = arith.mulf %get3A_4, %get3A_4 : vector<1024x8xf32>
    %reduce_sum3A = arith.constant dense<0.000000e+00> : vector<1024xf32>
    %reduce_sum3A_10 = vector.multi_reduction <add>, %mul3A, %reduce_sum3A [1] : vector<1024x8xf32> to vector<1024xf32>
    %broadcast_in_dim3A = vector.shape_cast %reduce_sum3A_10 : vector<1024xf32> to vector<1024x1xf32>
    %mul3A_11 = arith.mulf %get3A_9, %get3A_9 : vector<8x4096xf32>
    %reduce_sum3A_12 = arith.constant dense<0.000000e+00> : vector<4096xf32>
    %reduce_sum3A_13 = vector.multi_reduction <add>, %mul3A_11, %reduce_sum3A_12 [0] : vector<8x4096xf32> to vector<4096xf32>
    %broadcast_in_dim3A_14 = vector.shape_cast %reduce_sum3A_13 : vector<4096xf32> to vector<1x4096xf32>
    %dot_general3A = arith.constant dense<0.000000e+00> : vector<1024x4096xf32>
    %dot_general3A_15 = tpu.matmul %get3A_4, %get3A_9, %dot_general3A {dimension_numbers = #tpu.dot_dimension_numbers<[1], [0], [0], [1], [0, 0, 1, 1], [], []>, transpose_lhs_hint = false} : vector<1024x8xf32>, vector<8x4096xf32>, vector<1024x4096xf32> -> vector<1024x4096xf32>
    %add3A_16 = vector.broadcast %broadcast_in_dim3A : vector<1024x1xf32> to vector<1024x4096xf32>
    %add3A_17 = vector.broadcast %broadcast_in_dim3A_14 : vector<1x4096xf32> to vector<1024x4096xf32>
    %add3A_18 = arith.addf %add3A_16, %add3A_17 : vector<1024x4096xf32>
    %mul3A_19 = arith.constant 2.000000e+00 : f32
    %mul3A_20 = vector.broadcast %mul3A_19 : f32 to vector<1024x4096xf32>
    %mul3A_21 = arith.mulf %mul3A_20, %dot_general3A_15 : vector<1024x4096xf32>
    %sub3A = arith.subf %add3A_18, %mul3A_21 : vector<1024x4096xf32>
    %max3A = arith.constant 0.000000e+00 : f32
    %max3A_22 = vector.broadcast %max3A : f32 to vector<1024x4096xf32>
    %max3A_23 = arith.maximumf %sub3A, %max3A_22 : vector<1024x4096xf32>
    %iota3A = tpu.iota {dimensions = array<i32: 1>} : vector<1024x4096xi32>
    %mul3A_24 = arith.constant 1024 : i32
    %mul3A_25 = arith.muli %arg1, %mul3A_24 : i32
    %iota3A_26 = tpu.iota {dimensions = array<i32: 0>} : vector<1024x4096xi32>
    %add3A_27 = vector.broadcast %mul3A_25 : i32 to vector<1024x4096xi32>
    %add3A_28 = arith.addi %add3A_27, %iota3A_26 : vector<1024x4096xi32>
    %eq3A = arith.cmpi eq, %iota3A, %add3A_28 : vector<1024x4096xi32>
    %bitcast_convert_type3A = tpu.bitcast %max3A_23 : vector<1024x4096xf32> -> vector<1024x4096xi32>
    %and3A = arith.constant -4096 : i32
    %and3A_29 = vector.broadcast %and3A : i32 to vector<1024x4096xi32>
    %and3A_30 = arith.andi %bitcast_convert_type3A, %and3A_29 : vector<1024x4096xi32>
    %or3A = arith.ori %and3A_30, %iota3A : vector<1024x4096xi32>
    %jit3A = arith.constant 2139095039 : i32
    %broadcast_in_dim3A_31 = vector.broadcast %jit3A : i32 to vector<1024x4096xi32>
    %select_n3A = arith.select %eq3A, %broadcast_in_dim3A_31, %or3A : vector<1024x4096xi1>, vector<1024x4096xi32>
    %slice3A = vector.extract_strided_slice %select_n3A {offsets = [0, 0], sizes = [1024, 128], strides = [1, 1]} : vector<1024x4096xi32> to vector<1024x128xi32>
    %slice3A_32 = vector.extract_strided_slice %select_n3A {offsets = [0, 128], sizes = [1024, 128], strides = [1, 1]} : vector<1024x4096xi32> to vector<1024x128xi32>
    %min3A = arith.minsi %slice3A, %slice3A_32 : vector<1024x128xi32>
    %slice3A_33 = vector.extract_strided_slice %select_n3A {offsets = [0, 256], sizes = [1024, 128], strides = [1, 1]} : vector<1024x4096xi32> to vector<1024x128xi32>
    %min3A_34 = arith.minsi %min3A, %slice3A_33 : vector<1024x128xi32>
    %slice3A_35 = vector.extract_strided_slice %select_n3A {offsets = [0, 384], sizes = [1024, 128], strides = [1, 1]} : vector<1024x4096xi32> to vector<1024x128xi32>
    %min3A_36 = arith.minsi %min3A_34, %slice3A_35 : vector<1024x128xi32>
    %slice3A_37 = vector.extract_strided_slice %select_n3A {offsets = [0, 512], sizes = [1024, 128], strides = [1, 1]} : vector<1024x4096xi32> to vector<1024x128xi32>
    %min3A_38 = arith.minsi %min3A_36, %slice3A_37 : vector<1024x128xi32>
    %slice3A_39 = vector.extract_strided_slice %select_n3A {offsets = [0, 640], sizes = [1024, 128], strides = [1, 1]} : vector<1024x4096xi32> to vector<1024x128xi32>
    %min3A_40 = arith.minsi %min3A_38, %slice3A_39 : vector<1024x128xi32>
    %slice3A_41 = vector.extract_strided_slice %select_n3A {offsets = [0, 768], sizes = [1024, 128], strides = [1, 1]} : vector<1024x4096xi32> to vector<1024x128xi32>
    %min3A_42 = arith.minsi %min3A_40, %slice3A_41 : vector<1024x128xi32>
    %slice3A_43 = vector.extract_strided_slice %select_n3A {offsets = [0, 896], sizes = [1024, 128], strides = [1, 1]} : vector<1024x4096xi32> to vector<1024x128xi32>
    %min3A_44 = arith.minsi %min3A_42, %slice3A_43 : vector<1024x128xi32>
    %slice3A_45 = vector.extract_strided_slice %select_n3A {offsets = [0, 1024], sizes = [1024, 128], strides = [1, 1]} : vector<1024x4096xi32> to vector<1024x128xi32>
    %min3A_46 = arith.minsi %min3A_44, %slice3A_45 : vector<1024x128xi32>
    %slice3A_47 = vector.extract_strided_slice %select_n3A {offsets = [0, 1152], sizes = [1024, 128], strides = [1, 1]} : vector<1024x4096xi32> to vector<1024x128xi32>
    %min3A_48 = arith.minsi %min3A_46, %slice3A_47 : vector<1024x128xi32>
    %slice3A_49 = vector.extract_strided_slice %select_n3A {offsets = [0, 1280], sizes = [1024, 128], strides = [1, 1]} : vector<1024x4096xi32> to vector<1024x128xi32>
    %min3A_50 = arith.minsi %min3A_48, %slice3A_49 : vector<1024x128xi32>
    %slice3A_51 = vector.extract_strided_slice %select_n3A {offsets = [0, 1408], sizes = [1024, 128], strides = [1, 1]} : vector<1024x4096xi32> to vector<1024x128xi32>
    %min3A_52 = arith.minsi %min3A_50, %slice3A_51 : vector<1024x128xi32>
    %slice3A_53 = vector.extract_strided_slice %select_n3A {offsets = [0, 1536], sizes = [1024, 128], strides = [1, 1]} : vector<1024x4096xi32> to vector<1024x128xi32>
    %min3A_54 = arith.minsi %min3A_52, %slice3A_53 : vector<1024x128xi32>
    %slice3A_55 = vector.extract_strided_slice %select_n3A {offsets = [0, 1664], sizes = [1024, 128], strides = [1, 1]} : vector<1024x4096xi32> to vector<1024x128xi32>
    %min3A_56 = arith.minsi %min3A_54, %slice3A_55 : vector<1024x128xi32>
    %slice3A_57 = vector.extract_strided_slice %select_n3A {offsets = [0, 1792], sizes = [1024, 128], strides = [1, 1]} : vector<1024x4096xi32> to vector<1024x128xi32>
    %min3A_58 = arith.minsi %min3A_56, %slice3A_57 : vector<1024x128xi32>
    %slice3A_59 = vector.extract_strided_slice %select_n3A {offsets = [0, 1920], sizes = [1024, 128], strides = [1, 1]} : vector<1024x4096xi32> to vector<1024x128xi32>
    %min3A_60 = arith.minsi %min3A_58, %slice3A_59 : vector<1024x128xi32>
    %slice3A_61 = vector.extract_strided_slice %select_n3A {offsets = [0, 2048], sizes = [1024, 128], strides = [1, 1]} : vector<1024x4096xi32> to vector<1024x128xi32>
    %min3A_62 = arith.minsi %min3A_60, %slice3A_61 : vector<1024x128xi32>
    %slice3A_63 = vector.extract_strided_slice %select_n3A {offsets = [0, 2176], sizes = [1024, 128], strides = [1, 1]} : vector<1024x4096xi32> to vector<1024x128xi32>
    %min3A_64 = arith.minsi %min3A_62, %slice3A_63 : vector<1024x128xi32>
    %slice3A_65 = vector.extract_strided_slice %select_n3A {offsets = [0, 2304], sizes = [1024, 128], strides = [1, 1]} : vector<1024x4096xi32> to vector<1024x128xi32>
    %min3A_66 = arith.minsi %min3A_64, %slice3A_65 : vector<1024x128xi32>
    %slice3A_67 = vector.extract_strided_slice %select_n3A {offsets = [0, 2432], sizes = [1024, 128], strides = [1, 1]} : vector<1024x4096xi32> to vector<1024x128xi32>
    %min3A_68 = arith.minsi %min3A_66, %slice3A_67 : vector<1024x128xi32>
    %slice3A_69 = vector.extract_strided_slice %select_n3A {offsets = [0, 2560], sizes = [1024, 128], strides = [1, 1]} : vector<1024x4096xi32> to vector<1024x128xi32>
    %min3A_70 = arith.minsi %min3A_68, %slice3A_69 : vector<1024x128xi32>
    %slice3A_71 = vector.extract_strided_slice %select_n3A {offsets = [0, 2688], sizes = [1024, 128], strides = [1, 1]} : vector<1024x4096xi32> to vector<1024x128xi32>
    %min3A_72 = arith.minsi %min3A_70, %slice3A_71 : vector<1024x128xi32>
    %slice3A_73 = vector.extract_strided_slice %select_n3A {offsets = [0, 2816], sizes = [1024, 128], strides = [1, 1]} : vector<1024x4096xi32> to vector<1024x128xi32>
    %min3A_74 = arith.minsi %min3A_72, %slice3A_73 : vector<1024x128xi32>
    %slice3A_75 = vector.extract_strided_slice %select_n3A {offsets = [0, 2944], sizes = [1024, 128], strides = [1, 1]} : vector<1024x4096xi32> to vector<1024x128xi32>
    %min3A_76 = arith.minsi %min3A_74, %slice3A_75 : vector<1024x128xi32>
    %slice3A_77 = vector.extract_strided_slice %select_n3A {offsets = [0, 3072], sizes = [1024, 128], strides = [1, 1]} : vector<1024x4096xi32> to vector<1024x128xi32>
    %min3A_78 = arith.minsi %min3A_76, %slice3A_77 : vector<1024x128xi32>
    %slice3A_79 = vector.extract_strided_slice %select_n3A {offsets = [0, 3200], sizes = [1024, 128], strides = [1, 1]} : vector<1024x4096xi32> to vector<1024x128xi32>
    %min3A_80 = arith.minsi %min3A_78, %slice3A_79 : vector<1024x128xi32>
    %slice3A_81 = vector.extract_strided_slice %select_n3A {offsets = [0, 3328], sizes = [1024, 128], strides = [1, 1]} : vector<1024x4096xi32> to vector<1024x128xi32>
    %min3A_82 = arith.minsi %min3A_80, %slice3A_81 : vector<1024x128xi32>
    %slice3A_83 = vector.extract_strided_slice %select_n3A {offsets = [0, 3456], sizes = [1024, 128], strides = [1, 1]} : vector<1024x4096xi32> to vector<1024x128xi32>
    %min3A_84 = arith.minsi %min3A_82, %slice3A_83 : vector<1024x128xi32>
    %slice3A_85 = vector.extract_strided_slice %select_n3A {offsets = [0, 3584], sizes = [1024, 128], strides = [1, 1]} : vector<1024x4096xi32> to vector<1024x128xi32>
    %min3A_86 = arith.minsi %min3A_84, %slice3A_85 : vector<1024x128xi32>
    %slice3A_87 = vector.extract_strided_slice %select_n3A {offsets = [0, 3712], sizes = [1024, 128], strides = [1, 1]} : vector<1024x4096xi32> to vector<1024x128xi32>
    %min3A_88 = arith.minsi %min3A_86, %slice3A_87 : vector<1024x128xi32>
    %slice3A_89 = vector.extract_strided_slice %select_n3A {offsets = [0, 3840], sizes = [1024, 128], strides = [1, 1]} : vector<1024x4096xi32> to vector<1024x128xi32>
    %min3A_90 = arith.minsi %min3A_88, %slice3A_89 : vector<1024x128xi32>
    %slice3A_91 = vector.extract_strided_slice %select_n3A {offsets = [0, 3968], sizes = [1024, 128], strides = [1, 1]} : vector<1024x4096xi32> to vector<1024x128xi32>
    %min3A_92 = arith.minsi %min3A_90, %slice3A_91 : vector<1024x128xi32>
    %slice3A_93 = vector.extract_strided_slice %select_n3A {offsets = [0, 0], sizes = [1024, 128], strides = [1, 1]} : vector<1024x4096xi32> to vector<1024x128xi32>
    %le3A = arith.cmpi sle, %slice3A_93, %min3A_92 : vector<1024x128xi32>
    %jit3A_94 = arith.constant 2139095039 : i32
    %broadcast_in_dim3A_95 = vector.broadcast %jit3A_94 : i32 to vector<1024x128xi32>
    %select_n3A_96 = arith.select %le3A, %broadcast_in_dim3A_95, %slice3A_93 : vector<1024x128xi1>, vector<1024x128xi32>
    %slice3A_97 = vector.extract_strided_slice %select_n3A {offsets = [0, 128], sizes = [1024, 128], strides = [1, 1]} : vector<1024x4096xi32> to vector<1024x128xi32>
    %le3A_98 = arith.cmpi sle, %slice3A_97, %min3A_92 : vector<1024x128xi32>
    %jit3A_99 = arith.constant 2139095039 : i32
    %broadcast_in_dim3A_100 = vector.broadcast %jit3A_99 : i32 to vector<1024x128xi32>
    %select_n3A_101 = arith.select %le3A_98, %broadcast_in_dim3A_100, %slice3A_97 : vector<1024x128xi1>, vector<1024x128xi32>
    %min3A_102 = arith.minsi %select_n3A_96, %select_n3A_101 : vector<1024x128xi32>
    %slice3A_103 = vector.extract_strided_slice %select_n3A {offsets = [0, 256], sizes = [1024, 128], strides = [1, 1]} : vector<1024x4096xi32> to vector<1024x128xi32>
    %le3A_104 = arith.cmpi sle, %slice3A_103, %min3A_92 : vector<1024x128xi32>
    %jit3A_105 = arith.constant 2139095039 : i32
    %broadcast_in_dim3A_106 = vector.broadcast %jit3A_105 : i32 to vector<1024x128xi32>
    %select_n3A_107 = arith.select %le3A_104, %broadcast_in_dim3A_106, %slice3A_103 : vector<1024x128xi1>, vector<1024x128xi32>
    %min3A_108 = arith.minsi %min3A_102, %select_n3A_107 : vector<1024x128xi32>
    %slice3A_109 = vector.extract_strided_slice %select_n3A {offsets = [0, 384], sizes = [1024, 128], strides = [1, 1]} : vector<1024x4096xi32> to vector<1024x128xi32>
    %le3A_110 = arith.cmpi sle, %slice3A_109, %min3A_92 : vector<1024x128xi32>
    %jit3A_111 = arith.constant 2139095039 : i32
    %broadcast_in_dim3A_112 = vector.broadcast %jit3A_111 : i32 to vector<1024x128xi32>
    %select_n3A_113 = arith.select %le3A_110, %broadcast_in_dim3A_112, %slice3A_109 : vector<1024x128xi1>, vector<1024x128xi32>
    %min3A_114 = arith.minsi %min3A_108, %select_n3A_113 : vector<1024x128xi32>
    %slice3A_115 = vector.extract_strided_slice %select_n3A {offsets = [0, 512], sizes = [1024, 128], strides = [1, 1]} : vector<1024x4096xi32> to vector<1024x128xi32>
    %le3A_116 = arith.cmpi sle, %slice3A_115, %min3A_92 : vector<1024x128xi32>
    %jit3A_117 = arith.constant 2139095039 : i32
    %broadcast_in_dim3A_118 = vector.broadcast %jit3A_117 : i32 to vector<1024x128xi32>
    %select_n3A_119 = arith.select %le3A_116, %broadcast_in_dim3A_118, %slice3A_115 : vector<1024x128xi1>, vector<1024x128xi32>
    %min3A_120 = arith.minsi %min3A_114, %select_n3A_119 : vector<1024x128xi32>
    %slice3A_121 = vector.extract_strided_slice %select_n3A {offsets = [0, 640], sizes = [1024, 128], strides = [1, 1]} : vector<1024x4096xi32> to vector<1024x128xi32>
    %le3A_122 = arith.cmpi sle, %slice3A_121, %min3A_92 : vector<1024x128xi32>
    %jit3A_123 = arith.constant 2139095039 : i32
    %broadcast_in_dim3A_124 = vector.broadcast %jit3A_123 : i32 to vector<1024x128xi32>
    %select_n3A_125 = arith.select %le3A_122, %broadcast_in_dim3A_124, %slice3A_121 : vector<1024x128xi1>, vector<1024x128xi32>
    %min3A_126 = arith.minsi %min3A_120, %select_n3A_125 : vector<1024x128xi32>
    %slice3A_127 = vector.extract_strided_slice %select_n3A {offsets = [0, 768], sizes = [1024, 128], strides = [1, 1]} : vector<1024x4096xi32> to vector<1024x128xi32>
    %le3A_128 = arith.cmpi sle, %slice3A_127, %min3A_92 : vector<1024x128xi32>
    %jit3A_129 = arith.constant 2139095039 : i32
    %broadcast_in_dim3A_130 = vector.broadcast %jit3A_129 : i32 to vector<1024x128xi32>
    %select_n3A_131 = arith.select %le3A_128, %broadcast_in_dim3A_130, %slice3A_127 : vector<1024x128xi1>, vector<1024x128xi32>
    %min3A_132 = arith.minsi %min3A_126, %select_n3A_131 : vector<1024x128xi32>
    %slice3A_133 = vector.extract_strided_slice %select_n3A {offsets = [0, 896], sizes = [1024, 128], strides = [1, 1]} : vector<1024x4096xi32> to vector<1024x128xi32>
    %le3A_134 = arith.cmpi sle, %slice3A_133, %min3A_92 : vector<1024x128xi32>
    %jit3A_135 = arith.constant 2139095039 : i32
    %broadcast_in_dim3A_136 = vector.broadcast %jit3A_135 : i32 to vector<1024x128xi32>
    %select_n3A_137 = arith.select %le3A_134, %broadcast_in_dim3A_136, %slice3A_133 : vector<1024x128xi1>, vector<1024x128xi32>
    %min3A_138 = arith.minsi %min3A_132, %select_n3A_137 : vector<1024x128xi32>
    %slice3A_139 = vector.extract_strided_slice %select_n3A {offsets = [0, 1024], sizes = [1024, 128], strides = [1, 1]} : vector<1024x4096xi32> to vector<1024x128xi32>
    %le3A_140 = arith.cmpi sle, %slice3A_139, %min3A_92 : vector<1024x128xi32>
    %jit3A_141 = arith.constant 2139095039 : i32
    %broadcast_in_dim3A_142 = vector.broadcast %jit3A_141 : i32 to vector<1024x128xi32>
    %select_n3A_143 = arith.select %le3A_140, %broadcast_in_dim3A_142, %slice3A_139 : vector<1024x128xi1>, vector<1024x128xi32>
    %min3A_144 = arith.minsi %min3A_138, %select_n3A_143 : vector<1024x128xi32>
    %slice3A_145 = vector.extract_strided_slice %select_n3A {offsets = [0, 1152], sizes = [1024, 128], strides = [1, 1]} : vector<1024x4096xi32> to vector<1024x128xi32>
    %le3A_146 = arith.cmpi sle, %slice3A_145, %min3A_92 : vector<1024x128xi32>
    %jit3A_147 = arith.constant 2139095039 : i32
    %broadcast_in_dim3A_148 = vector.broadcast %jit3A_147 : i32 to vector<1024x128xi32>
    %select_n3A_149 = arith.select %le3A_146, %broadcast_in_dim3A_148, %slice3A_145 : vector<1024x128xi1>, vector<1024x128xi32>
    %min3A_150 = arith.minsi %min3A_144, %select_n3A_149 : vector<1024x128xi32>
    %slice3A_151 = vector.extract_strided_slice %select_n3A {offsets = [0, 1280], sizes = [1024, 128], strides = [1, 1]} : vector<1024x4096xi32> to vector<1024x128xi32>
    %le3A_152 = arith.cmpi sle, %slice3A_151, %min3A_92 : vector<1024x128xi32>
    %jit3A_153 = arith.constant 2139095039 : i32
    %broadcast_in_dim3A_154 = vector.broadcast %jit3A_153 : i32 to vector<1024x128xi32>
    %select_n3A_155 = arith.select %le3A_152, %broadcast_in_dim3A_154, %slice3A_151 : vector<1024x128xi1>, vector<1024x128xi32>
    %min3A_156 = arith.minsi %min3A_150, %select_n3A_155 : vector<1024x128xi32>
    %slice3A_157 = vector.extract_strided_slice %select_n3A {offsets = [0, 1408], sizes = [1024, 128], strides = [1, 1]} : vector<1024x4096xi32> to vector<1024x128xi32>
    %le3A_158 = arith.cmpi sle, %slice3A_157, %min3A_92 : vector<1024x128xi32>
    %jit3A_159 = arith.constant 2139095039 : i32
    %broadcast_in_dim3A_160 = vector.broadcast %jit3A_159 : i32 to vector<1024x128xi32>
    %select_n3A_161 = arith.select %le3A_158, %broadcast_in_dim3A_160, %slice3A_157 : vector<1024x128xi1>, vector<1024x128xi32>
    %min3A_162 = arith.minsi %min3A_156, %select_n3A_161 : vector<1024x128xi32>
    %slice3A_163 = vector.extract_strided_slice %select_n3A {offsets = [0, 1536], sizes = [1024, 128], strides = [1, 1]} : vector<1024x4096xi32> to vector<1024x128xi32>
    %le3A_164 = arith.cmpi sle, %slice3A_163, %min3A_92 : vector<1024x128xi32>
    %jit3A_165 = arith.constant 2139095039 : i32
    %broadcast_in_dim3A_166 = vector.broadcast %jit3A_165 : i32 to vector<1024x128xi32>
    %select_n3A_167 = arith.select %le3A_164, %broadcast_in_dim3A_166, %slice3A_163 : vector<1024x128xi1>, vector<1024x128xi32>
    %min3A_168 = arith.minsi %min3A_162, %select_n3A_167 : vector<1024x128xi32>
    %slice3A_169 = vector.extract_strided_slice %select_n3A {offsets = [0, 1664], sizes = [1024, 128], strides = [1, 1]} : vector<1024x4096xi32> to vector<1024x128xi32>
    %le3A_170 = arith.cmpi sle, %slice3A_169, %min3A_92 : vector<1024x128xi32>
    %jit3A_171 = arith.constant 2139095039 : i32
    %broadcast_in_dim3A_172 = vector.broadcast %jit3A_171 : i32 to vector<1024x128xi32>
    %select_n3A_173 = arith.select %le3A_170, %broadcast_in_dim3A_172, %slice3A_169 : vector<1024x128xi1>, vector<1024x128xi32>
    %min3A_174 = arith.minsi %min3A_168, %select_n3A_173 : vector<1024x128xi32>
    %slice3A_175 = vector.extract_strided_slice %select_n3A {offsets = [0, 1792], sizes = [1024, 128], strides = [1, 1]} : vector<1024x4096xi32> to vector<1024x128xi32>
    %le3A_176 = arith.cmpi sle, %slice3A_175, %min3A_92 : vector<1024x128xi32>
    %jit3A_177 = arith.constant 2139095039 : i32
    %broadcast_in_dim3A_178 = vector.broadcast %jit3A_177 : i32 to vector<1024x128xi32>
    %select_n3A_179 = arith.select %le3A_176, %broadcast_in_dim3A_178, %slice3A_175 : vector<1024x128xi1>, vector<1024x128xi32>
    %min3A_180 = arith.minsi %min3A_174, %select_n3A_179 : vector<1024x128xi32>
    %slice3A_181 = vector.extract_strided_slice %select_n3A {offsets = [0, 1920], sizes = [1024, 128], strides = [1, 1]} : vector<1024x4096xi32> to vector<1024x128xi32>
    %le3A_182 = arith.cmpi sle, %slice3A_181, %min3A_92 : vector<1024x128xi32>
    %jit3A_183 = arith.constant 2139095039 : i32
    %broadcast_in_dim3A_184 = vector.broadcast %jit3A_183 : i32 to vector<1024x128xi32>
    %select_n3A_185 = arith.select %le3A_182, %broadcast_in_dim3A_184, %slice3A_181 : vector<1024x128xi1>, vector<1024x128xi32>
    %min3A_186 = arith.minsi %min3A_180, %select_n3A_185 : vector<1024x128xi32>
    %slice3A_187 = vector.extract_strided_slice %select_n3A {offsets = [0, 2048], sizes = [1024, 128], strides = [1, 1]} : vector<1024x4096xi32> to vector<1024x128xi32>
    %le3A_188 = arith.cmpi sle, %slice3A_187, %min3A_92 : vector<1024x128xi32>
    %jit3A_189 = arith.constant 2139095039 : i32
    %broadcast_in_dim3A_190 = vector.broadcast %jit3A_189 : i32 to vector<1024x128xi32>
    %select_n3A_191 = arith.select %le3A_188, %broadcast_in_dim3A_190, %slice3A_187 : vector<1024x128xi1>, vector<1024x128xi32>
    %min3A_192 = arith.minsi %min3A_186, %select_n3A_191 : vector<1024x128xi32>
    %slice3A_193 = vector.extract_strided_slice %select_n3A {offsets = [0, 2176], sizes = [1024, 128], strides = [1, 1]} : vector<1024x4096xi32> to vector<1024x128xi32>
    %le3A_194 = arith.cmpi sle, %slice3A_193, %min3A_92 : vector<1024x128xi32>
    %jit3A_195 = arith.constant 2139095039 : i32
    %broadcast_in_dim3A_196 = vector.broadcast %jit3A_195 : i32 to vector<1024x128xi32>
    %select_n3A_197 = arith.select %le3A_194, %broadcast_in_dim3A_196, %slice3A_193 : vector<1024x128xi1>, vector<1024x128xi32>
    %min3A_198 = arith.minsi %min3A_192, %select_n3A_197 : vector<1024x128xi32>
    %slice3A_199 = vector.extract_strided_slice %select_n3A {offsets = [0, 2304], sizes = [1024, 128], strides = [1, 1]} : vector<1024x4096xi32> to vector<1024x128xi32>
    %le3A_200 = arith.cmpi sle, %slice3A_199, %min3A_92 : vector<1024x128xi32>
    %jit3A_201 = arith.constant 2139095039 : i32
    %broadcast_in_dim3A_202 = vector.broadcast %jit3A_201 : i32 to vector<1024x128xi32>
    %select_n3A_203 = arith.select %le3A_200, %broadcast_in_dim3A_202, %slice3A_199 : vector<1024x128xi1>, vector<1024x128xi32>
    %min3A_204 = arith.minsi %min3A_198, %select_n3A_203 : vector<1024x128xi32>
    %slice3A_205 = vector.extract_strided_slice %select_n3A {offsets = [0, 2432], sizes = [1024, 128], strides = [1, 1]} : vector<1024x4096xi32> to vector<1024x128xi32>
    %le3A_206 = arith.cmpi sle, %slice3A_205, %min3A_92 : vector<1024x128xi32>
    %jit3A_207 = arith.constant 2139095039 : i32
    %broadcast_in_dim3A_208 = vector.broadcast %jit3A_207 : i32 to vector<1024x128xi32>
    %select_n3A_209 = arith.select %le3A_206, %broadcast_in_dim3A_208, %slice3A_205 : vector<1024x128xi1>, vector<1024x128xi32>
    %min3A_210 = arith.minsi %min3A_204, %select_n3A_209 : vector<1024x128xi32>
    %slice3A_211 = vector.extract_strided_slice %select_n3A {offsets = [0, 2560], sizes = [1024, 128], strides = [1, 1]} : vector<1024x4096xi32> to vector<1024x128xi32>
    %le3A_212 = arith.cmpi sle, %slice3A_211, %min3A_92 : vector<1024x128xi32>
    %jit3A_213 = arith.constant 2139095039 : i32
    %broadcast_in_dim3A_214 = vector.broadcast %jit3A_213 : i32 to vector<1024x128xi32>
    %select_n3A_215 = arith.select %le3A_212, %broadcast_in_dim3A_214, %slice3A_211 : vector<1024x128xi1>, vector<1024x128xi32>
    %min3A_216 = arith.minsi %min3A_210, %select_n3A_215 : vector<1024x128xi32>
    %slice3A_217 = vector.extract_strided_slice %select_n3A {offsets = [0, 2688], sizes = [1024, 128], strides = [1, 1]} : vector<1024x4096xi32> to vector<1024x128xi32>
    %le3A_218 = arith.cmpi sle, %slice3A_217, %min3A_92 : vector<1024x128xi32>
    %jit3A_219 = arith.constant 2139095039 : i32
    %broadcast_in_dim3A_220 = vector.broadcast %jit3A_219 : i32 to vector<1024x128xi32>
    %select_n3A_221 = arith.select %le3A_218, %broadcast_in_dim3A_220, %slice3A_217 : vector<1024x128xi1>, vector<1024x128xi32>
    %min3A_222 = arith.minsi %min3A_216, %select_n3A_221 : vector<1024x128xi32>
    %slice3A_223 = vector.extract_strided_slice %select_n3A {offsets = [0, 2816], sizes = [1024, 128], strides = [1, 1]} : vector<1024x4096xi32> to vector<1024x128xi32>
    %le3A_224 = arith.cmpi sle, %slice3A_223, %min3A_92 : vector<1024x128xi32>
    %jit3A_225 = arith.constant 2139095039 : i32
    %broadcast_in_dim3A_226 = vector.broadcast %jit3A_225 : i32 to vector<1024x128xi32>
    %select_n3A_227 = arith.select %le3A_224, %broadcast_in_dim3A_226, %slice3A_223 : vector<1024x128xi1>, vector<1024x128xi32>
    %min3A_228 = arith.minsi %min3A_222, %select_n3A_227 : vector<1024x128xi32>
    %slice3A_229 = vector.extract_strided_slice %select_n3A {offsets = [0, 2944], sizes = [1024, 128], strides = [1, 1]} : vector<1024x4096xi32> to vector<1024x128xi32>
    %le3A_230 = arith.cmpi sle, %slice3A_229, %min3A_92 : vector<1024x128xi32>
    %jit3A_231 = arith.constant 2139095039 : i32
    %broadcast_in_dim3A_232 = vector.broadcast %jit3A_231 : i32 to vector<1024x128xi32>
    %select_n3A_233 = arith.select %le3A_230, %broadcast_in_dim3A_232, %slice3A_229 : vector<1024x128xi1>, vector<1024x128xi32>
    %min3A_234 = arith.minsi %min3A_228, %select_n3A_233 : vector<1024x128xi32>
    %slice3A_235 = vector.extract_strided_slice %select_n3A {offsets = [0, 3072], sizes = [1024, 128], strides = [1, 1]} : vector<1024x4096xi32> to vector<1024x128xi32>
    %le3A_236 = arith.cmpi sle, %slice3A_235, %min3A_92 : vector<1024x128xi32>
    %jit3A_237 = arith.constant 2139095039 : i32
    %broadcast_in_dim3A_238 = vector.broadcast %jit3A_237 : i32 to vector<1024x128xi32>
    %select_n3A_239 = arith.select %le3A_236, %broadcast_in_dim3A_238, %slice3A_235 : vector<1024x128xi1>, vector<1024x128xi32>
    %min3A_240 = arith.minsi %min3A_234, %select_n3A_239 : vector<1024x128xi32>
    %slice3A_241 = vector.extract_strided_slice %select_n3A {offsets = [0, 3200], sizes = [1024, 128], strides = [1, 1]} : vector<1024x4096xi32> to vector<1024x128xi32>
    %le3A_242 = arith.cmpi sle, %slice3A_241, %min3A_92 : vector<1024x128xi32>
    %jit3A_243 = arith.constant 2139095039 : i32
    %broadcast_in_dim3A_244 = vector.broadcast %jit3A_243 : i32 to vector<1024x128xi32>
    %select_n3A_245 = arith.select %le3A_242, %broadcast_in_dim3A_244, %slice3A_241 : vector<1024x128xi1>, vector<1024x128xi32>
    %min3A_246 = arith.minsi %min3A_240, %select_n3A_245 : vector<1024x128xi32>
    %slice3A_247 = vector.extract_strided_slice %select_n3A {offsets = [0, 3328], sizes = [1024, 128], strides = [1, 1]} : vector<1024x4096xi32> to vector<1024x128xi32>
    %le3A_248 = arith.cmpi sle, %slice3A_247, %min3A_92 : vector<1024x128xi32>
    %jit3A_249 = arith.constant 2139095039 : i32
    %broadcast_in_dim3A_250 = vector.broadcast %jit3A_249 : i32 to vector<1024x128xi32>
    %select_n3A_251 = arith.select %le3A_248, %broadcast_in_dim3A_250, %slice3A_247 : vector<1024x128xi1>, vector<1024x128xi32>
    %min3A_252 = arith.minsi %min3A_246, %select_n3A_251 : vector<1024x128xi32>
    %slice3A_253 = vector.extract_strided_slice %select_n3A {offsets = [0, 3456], sizes = [1024, 128], strides = [1, 1]} : vector<1024x4096xi32> to vector<1024x128xi32>
    %le3A_254 = arith.cmpi sle, %slice3A_253, %min3A_92 : vector<1024x128xi32>
    %jit3A_255 = arith.constant 2139095039 : i32
    %broadcast_in_dim3A_256 = vector.broadcast %jit3A_255 : i32 to vector<1024x128xi32>
    %select_n3A_257 = arith.select %le3A_254, %broadcast_in_dim3A_256, %slice3A_253 : vector<1024x128xi1>, vector<1024x128xi32>
    %min3A_258 = arith.minsi %min3A_252, %select_n3A_257 : vector<1024x128xi32>
    %slice3A_259 = vector.extract_strided_slice %select_n3A {offsets = [0, 3584], sizes = [1024, 128], strides = [1, 1]} : vector<1024x4096xi32> to vector<1024x128xi32>
    %le3A_260 = arith.cmpi sle, %slice3A_259, %min3A_92 : vector<1024x128xi32>
    %jit3A_261 = arith.constant 2139095039 : i32
    %broadcast_in_dim3A_262 = vector.broadcast %jit3A_261 : i32 to vector<1024x128xi32>
    %select_n3A_263 = arith.select %le3A_260, %broadcast_in_dim3A_262, %slice3A_259 : vector<1024x128xi1>, vector<1024x128xi32>
    %min3A_264 = arith.minsi %min3A_258, %select_n3A_263 : vector<1024x128xi32>
    %slice3A_265 = vector.extract_strided_slice %select_n3A {offsets = [0, 3712], sizes = [1024, 128], strides = [1, 1]} : vector<1024x4096xi32> to vector<1024x128xi32>
    %le3A_266 = arith.cmpi sle, %slice3A_265, %min3A_92 : vector<1024x128xi32>
    %jit3A_267 = arith.constant 2139095039 : i32
    %broadcast_in_dim3A_268 = vector.broadcast %jit3A_267 : i32 to vector<1024x128xi32>
    %select_n3A_269 = arith.select %le3A_266, %broadcast_in_dim3A_268, %slice3A_265 : vector<1024x128xi1>, vector<1024x128xi32>
    %min3A_270 = arith.minsi %min3A_264, %select_n3A_269 : vector<1024x128xi32>
    %slice3A_271 = vector.extract_strided_slice %select_n3A {offsets = [0, 3840], sizes = [1024, 128], strides = [1, 1]} : vector<1024x4096xi32> to vector<1024x128xi32>
    %le3A_272 = arith.cmpi sle, %slice3A_271, %min3A_92 : vector<1024x128xi32>
    %jit3A_273 = arith.constant 2139095039 : i32
    %broadcast_in_dim3A_274 = vector.broadcast %jit3A_273 : i32 to vector<1024x128xi32>
    %select_n3A_275 = arith.select %le3A_272, %broadcast_in_dim3A_274, %slice3A_271 : vector<1024x128xi1>, vector<1024x128xi32>
    %min3A_276 = arith.minsi %min3A_270, %select_n3A_275 : vector<1024x128xi32>
    %slice3A_277 = vector.extract_strided_slice %select_n3A {offsets = [0, 3968], sizes = [1024, 128], strides = [1, 1]} : vector<1024x4096xi32> to vector<1024x128xi32>
    %le3A_278 = arith.cmpi sle, %slice3A_277, %min3A_92 : vector<1024x128xi32>
    %jit3A_279 = arith.constant 2139095039 : i32
    %broadcast_in_dim3A_280 = vector.broadcast %jit3A_279 : i32 to vector<1024x128xi32>
    %select_n3A_281 = arith.select %le3A_278, %broadcast_in_dim3A_280, %slice3A_277 : vector<1024x128xi1>, vector<1024x128xi32>
    %min3A_282 = arith.minsi %min3A_276, %select_n3A_281 : vector<1024x128xi32>
    %slice3A_283 = vector.extract_strided_slice %select_n3A {offsets = [0, 0], sizes = [1024, 128], strides = [1, 1]} : vector<1024x4096xi32> to vector<1024x128xi32>
    %le3A_284 = arith.cmpi sle, %slice3A_283, %min3A_282 : vector<1024x128xi32>
    %jit3A_285 = arith.constant 2139095039 : i32
    %broadcast_in_dim3A_286 = vector.broadcast %jit3A_285 : i32 to vector<1024x128xi32>
    %select_n3A_287 = arith.select %le3A_284, %broadcast_in_dim3A_286, %slice3A_283 : vector<1024x128xi1>, vector<1024x128xi32>
    %slice3A_288 = vector.extract_strided_slice %select_n3A {offsets = [0, 128], sizes = [1024, 128], strides = [1, 1]} : vector<1024x4096xi32> to vector<1024x128xi32>
    %le3A_289 = arith.cmpi sle, %slice3A_288, %min3A_282 : vector<1024x128xi32>
    %jit3A_290 = arith.constant 2139095039 : i32
    %broadcast_in_dim3A_291 = vector.broadcast %jit3A_290 : i32 to vector<1024x128xi32>
    %select_n3A_292 = arith.select %le3A_289, %broadcast_in_dim3A_291, %slice3A_288 : vector<1024x128xi1>, vector<1024x128xi32>
    %min3A_293 = arith.minsi %select_n3A_287, %select_n3A_292 : vector<1024x128xi32>
    %slice3A_294 = vector.extract_strided_slice %select_n3A {offsets = [0, 256], sizes = [1024, 128], strides = [1, 1]} : vector<1024x4096xi32> to vector<1024x128xi32>
    %le3A_295 = arith.cmpi sle, %slice3A_294, %min3A_282 : vector<1024x128xi32>
    %jit3A_296 = arith.constant 2139095039 : i32
    %broadcast_in_dim3A_297 = vector.broadcast %jit3A_296 : i32 to vector<1024x128xi32>
    %select_n3A_298 = arith.select %le3A_295, %broadcast_in_dim3A_297, %slice3A_294 : vector<1024x128xi1>, vector<1024x128xi32>
    %min3A_299 = arith.minsi %min3A_293, %select_n3A_298 : vector<1024x128xi32>
    %slice3A_300 = vector.extract_strided_slice %select_n3A {offsets = [0, 384], sizes = [1024, 128], strides = [1, 1]} : vector<1024x4096xi32> to vector<1024x128xi32>
    %le3A_301 = arith.cmpi sle, %slice3A_300, %min3A_282 : vector<1024x128xi32>
    %jit3A_302 = arith.constant 2139095039 : i32
    %broadcast_in_dim3A_303 = vector.broadcast %jit3A_302 : i32 to vector<1024x128xi32>
    %select_n3A_304 = arith.select %le3A_301, %broadcast_in_dim3A_303, %slice3A_300 : vector<1024x128xi1>, vector<1024x128xi32>
    %min3A_305 = arith.minsi %min3A_299, %select_n3A_304 : vector<1024x128xi32>
    %slice3A_306 = vector.extract_strided_slice %select_n3A {offsets = [0, 512], sizes = [1024, 128], strides = [1, 1]} : vector<1024x4096xi32> to vector<1024x128xi32>
    %le3A_307 = arith.cmpi sle, %slice3A_306, %min3A_282 : vector<1024x128xi32>
    %jit3A_308 = arith.constant 2139095039 : i32
    %broadcast_in_dim3A_309 = vector.broadcast %jit3A_308 : i32 to vector<1024x128xi32>
    %select_n3A_310 = arith.select %le3A_307, %broadcast_in_dim3A_309, %slice3A_306 : vector<1024x128xi1>, vector<1024x128xi32>
    %min3A_311 = arith.minsi %min3A_305, %select_n3A_310 : vector<1024x128xi32>
    %slice3A_312 = vector.extract_strided_slice %select_n3A {offsets = [0, 640], sizes = [1024, 128], strides = [1, 1]} : vector<1024x4096xi32> to vector<1024x128xi32>
    %le3A_313 = arith.cmpi sle, %slice3A_312, %min3A_282 : vector<1024x128xi32>
    %jit3A_314 = arith.constant 2139095039 : i32
    %broadcast_in_dim3A_315 = vector.broadcast %jit3A_314 : i32 to vector<1024x128xi32>
    %select_n3A_316 = arith.select %le3A_313, %broadcast_in_dim3A_315, %slice3A_312 : vector<1024x128xi1>, vector<1024x128xi32>
    %min3A_317 = arith.minsi %min3A_311, %select_n3A_316 : vector<1024x128xi32>
    %slice3A_318 = vector.extract_strided_slice %select_n3A {offsets = [0, 768], sizes = [1024, 128], strides = [1, 1]} : vector<1024x4096xi32> to vector<1024x128xi32>
    %le3A_319 = arith.cmpi sle, %slice3A_318, %min3A_282 : vector<1024x128xi32>
    %jit3A_320 = arith.constant 2139095039 : i32
    %broadcast_in_dim3A_321 = vector.broadcast %jit3A_320 : i32 to vector<1024x128xi32>
    %select_n3A_322 = arith.select %le3A_319, %broadcast_in_dim3A_321, %slice3A_318 : vector<1024x128xi1>, vector<1024x128xi32>
    %min3A_323 = arith.minsi %min3A_317, %select_n3A_322 : vector<1024x128xi32>
    %slice3A_324 = vector.extract_strided_slice %select_n3A {offsets = [0, 896], sizes = [1024, 128], strides = [1, 1]} : vector<1024x4096xi32> to vector<1024x128xi32>
    %le3A_325 = arith.cmpi sle, %slice3A_324, %min3A_282 : vector<1024x128xi32>
    %jit3A_326 = arith.constant 2139095039 : i32
    %broadcast_in_dim3A_327 = vector.broadcast %jit3A_326 : i32 to vector<1024x128xi32>
    %select_n3A_328 = arith.select %le3A_325, %broadcast_in_dim3A_327, %slice3A_324 : vector<1024x128xi1>, vector<1024x128xi32>
    %min3A_329 = arith.minsi %min3A_323, %select_n3A_328 : vector<1024x128xi32>
    %slice3A_330 = vector.extract_strided_slice %select_n3A {offsets = [0, 1024], sizes = [1024, 128], strides = [1, 1]} : vector<1024x4096xi32> to vector<1024x128xi32>
    %le3A_331 = arith.cmpi sle, %slice3A_330, %min3A_282 : vector<1024x128xi32>
    %jit3A_332 = arith.constant 2139095039 : i32
    %broadcast_in_dim3A_333 = vector.broadcast %jit3A_332 : i32 to vector<1024x128xi32>
    %select_n3A_334 = arith.select %le3A_331, %broadcast_in_dim3A_333, %slice3A_330 : vector<1024x128xi1>, vector<1024x128xi32>
    %min3A_335 = arith.minsi %min3A_329, %select_n3A_334 : vector<1024x128xi32>
    %slice3A_336 = vector.extract_strided_slice %select_n3A {offsets = [0, 1152], sizes = [1024, 128], strides = [1, 1]} : vector<1024x4096xi32> to vector<1024x128xi32>
    %le3A_337 = arith.cmpi sle, %slice3A_336, %min3A_282 : vector<1024x128xi32>
    %jit3A_338 = arith.constant 2139095039 : i32
    %broadcast_in_dim3A_339 = vector.broadcast %jit3A_338 : i32 to vector<1024x128xi32>
    %select_n3A_340 = arith.select %le3A_337, %broadcast_in_dim3A_339, %slice3A_336 : vector<1024x128xi1>, vector<1024x128xi32>
    %min3A_341 = arith.minsi %min3A_335, %select_n3A_340 : vector<1024x128xi32>
    %slice3A_342 = vector.extract_strided_slice %select_n3A {offsets = [0, 1280], sizes = [1024, 128], strides = [1, 1]} : vector<1024x4096xi32> to vector<1024x128xi32>
    %le3A_343 = arith.cmpi sle, %slice3A_342, %min3A_282 : vector<1024x128xi32>
    %jit3A_344 = arith.constant 2139095039 : i32
    %broadcast_in_dim3A_345 = vector.broadcast %jit3A_344 : i32 to vector<1024x128xi32>
    %select_n3A_346 = arith.select %le3A_343, %broadcast_in_dim3A_345, %slice3A_342 : vector<1024x128xi1>, vector<1024x128xi32>
    %min3A_347 = arith.minsi %min3A_341, %select_n3A_346 : vector<1024x128xi32>
    %slice3A_348 = vector.extract_strided_slice %select_n3A {offsets = [0, 1408], sizes = [1024, 128], strides = [1, 1]} : vector<1024x4096xi32> to vector<1024x128xi32>
    %le3A_349 = arith.cmpi sle, %slice3A_348, %min3A_282 : vector<1024x128xi32>
    %jit3A_350 = arith.constant 2139095039 : i32
    %broadcast_in_dim3A_351 = vector.broadcast %jit3A_350 : i32 to vector<1024x128xi32>
    %select_n3A_352 = arith.select %le3A_349, %broadcast_in_dim3A_351, %slice3A_348 : vector<1024x128xi1>, vector<1024x128xi32>
    %min3A_353 = arith.minsi %min3A_347, %select_n3A_352 : vector<1024x128xi32>
    %slice3A_354 = vector.extract_strided_slice %select_n3A {offsets = [0, 1536], sizes = [1024, 128], strides = [1, 1]} : vector<1024x4096xi32> to vector<1024x128xi32>
    %le3A_355 = arith.cmpi sle, %slice3A_354, %min3A_282 : vector<1024x128xi32>
    %jit3A_356 = arith.constant 2139095039 : i32
    %broadcast_in_dim3A_357 = vector.broadcast %jit3A_356 : i32 to vector<1024x128xi32>
    %select_n3A_358 = arith.select %le3A_355, %broadcast_in_dim3A_357, %slice3A_354 : vector<1024x128xi1>, vector<1024x128xi32>
    %min3A_359 = arith.minsi %min3A_353, %select_n3A_358 : vector<1024x128xi32>
    %slice3A_360 = vector.extract_strided_slice %select_n3A {offsets = [0, 1664], sizes = [1024, 128], strides = [1, 1]} : vector<1024x4096xi32> to vector<1024x128xi32>
    %le3A_361 = arith.cmpi sle, %slice3A_360, %min3A_282 : vector<1024x128xi32>
    %jit3A_362 = arith.constant 2139095039 : i32
    %broadcast_in_dim3A_363 = vector.broadcast %jit3A_362 : i32 to vector<1024x128xi32>
    %select_n3A_364 = arith.select %le3A_361, %broadcast_in_dim3A_363, %slice3A_360 : vector<1024x128xi1>, vector<1024x128xi32>
    %min3A_365 = arith.minsi %min3A_359, %select_n3A_364 : vector<1024x128xi32>
    %slice3A_366 = vector.extract_strided_slice %select_n3A {offsets = [0, 1792], sizes = [1024, 128], strides = [1, 1]} : vector<1024x4096xi32> to vector<1024x128xi32>
    %le3A_367 = arith.cmpi sle, %slice3A_366, %min3A_282 : vector<1024x128xi32>
    %jit3A_368 = arith.constant 2139095039 : i32
    %broadcast_in_dim3A_369 = vector.broadcast %jit3A_368 : i32 to vector<1024x128xi32>
    %select_n3A_370 = arith.select %le3A_367, %broadcast_in_dim3A_369, %slice3A_366 : vector<1024x128xi1>, vector<1024x128xi32>
    %min3A_371 = arith.minsi %min3A_365, %select_n3A_370 : vector<1024x128xi32>
    %slice3A_372 = vector.extract_strided_slice %select_n3A {offsets = [0, 1920], sizes = [1024, 128], strides = [1, 1]} : vector<1024x4096xi32> to vector<1024x128xi32>
    %le3A_373 = arith.cmpi sle, %slice3A_372, %min3A_282 : vector<1024x128xi32>
    %jit3A_374 = arith.constant 2139095039 : i32
    %broadcast_in_dim3A_375 = vector.broadcast %jit3A_374 : i32 to vector<1024x128xi32>
    %select_n3A_376 = arith.select %le3A_373, %broadcast_in_dim3A_375, %slice3A_372 : vector<1024x128xi1>, vector<1024x128xi32>
    %min3A_377 = arith.minsi %min3A_371, %select_n3A_376 : vector<1024x128xi32>
    %slice3A_378 = vector.extract_strided_slice %select_n3A {offsets = [0, 2048], sizes = [1024, 128], strides = [1, 1]} : vector<1024x4096xi32> to vector<1024x128xi32>
    %le3A_379 = arith.cmpi sle, %slice3A_378, %min3A_282 : vector<1024x128xi32>
    %jit3A_380 = arith.constant 2139095039 : i32
    %broadcast_in_dim3A_381 = vector.broadcast %jit3A_380 : i32 to vector<1024x128xi32>
    %select_n3A_382 = arith.select %le3A_379, %broadcast_in_dim3A_381, %slice3A_378 : vector<1024x128xi1>, vector<1024x128xi32>
    %min3A_383 = arith.minsi %min3A_377, %select_n3A_382 : vector<1024x128xi32>
    %slice3A_384 = vector.extract_strided_slice %select_n3A {offsets = [0, 2176], sizes = [1024, 128], strides = [1, 1]} : vector<1024x4096xi32> to vector<1024x128xi32>
    %le3A_385 = arith.cmpi sle, %slice3A_384, %min3A_282 : vector<1024x128xi32>
    %jit3A_386 = arith.constant 2139095039 : i32
    %broadcast_in_dim3A_387 = vector.broadcast %jit3A_386 : i32 to vector<1024x128xi32>
    %select_n3A_388 = arith.select %le3A_385, %broadcast_in_dim3A_387, %slice3A_384 : vector<1024x128xi1>, vector<1024x128xi32>
    %min3A_389 = arith.minsi %min3A_383, %select_n3A_388 : vector<1024x128xi32>
    %slice3A_390 = vector.extract_strided_slice %select_n3A {offsets = [0, 2304], sizes = [1024, 128], strides = [1, 1]} : vector<1024x4096xi32> to vector<1024x128xi32>
    %le3A_391 = arith.cmpi sle, %slice3A_390, %min3A_282 : vector<1024x128xi32>
    %jit3A_392 = arith.constant 2139095039 : i32
    %broadcast_in_dim3A_393 = vector.broadcast %jit3A_392 : i32 to vector<1024x128xi32>
    %select_n3A_394 = arith.select %le3A_391, %broadcast_in_dim3A_393, %slice3A_390 : vector<1024x128xi1>, vector<1024x128xi32>
    %min3A_395 = arith.minsi %min3A_389, %select_n3A_394 : vector<1024x128xi32>
    %slice3A_396 = vector.extract_strided_slice %select_n3A {offsets = [0, 2432], sizes = [1024, 128], strides = [1, 1]} : vector<1024x4096xi32> to vector<1024x128xi32>
    %le3A_397 = arith.cmpi sle, %slice3A_396, %min3A_282 : vector<1024x128xi32>
    %jit3A_398 = arith.constant 2139095039 : i32
    %broadcast_in_dim3A_399 = vector.broadcast %jit3A_398 : i32 to vector<1024x128xi32>
    %select_n3A_400 = arith.select %le3A_397, %broadcast_in_dim3A_399, %slice3A_396 : vector<1024x128xi1>, vector<1024x128xi32>
    %min3A_401 = arith.minsi %min3A_395, %select_n3A_400 : vector<1024x128xi32>
    %slice3A_402 = vector.extract_strided_slice %select_n3A {offsets = [0, 2560], sizes = [1024, 128], strides = [1, 1]} : vector<1024x4096xi32> to vector<1024x128xi32>
    %le3A_403 = arith.cmpi sle, %slice3A_402, %min3A_282 : vector<1024x128xi32>
    %jit3A_404 = arith.constant 2139095039 : i32
    %broadcast_in_dim3A_405 = vector.broadcast %jit3A_404 : i32 to vector<1024x128xi32>
    %select_n3A_406 = arith.select %le3A_403, %broadcast_in_dim3A_405, %slice3A_402 : vector<1024x128xi1>, vector<1024x128xi32>
    %min3A_407 = arith.minsi %min3A_401, %select_n3A_406 : vector<1024x128xi32>
    %slice3A_408 = vector.extract_strided_slice %select_n3A {offsets = [0, 2688], sizes = [1024, 128], strides = [1, 1]} : vector<1024x4096xi32> to vector<1024x128xi32>
    %le3A_409 = arith.cmpi sle, %slice3A_408, %min3A_282 : vector<1024x128xi32>
    %jit3A_410 = arith.constant 2139095039 : i32
    %broadcast_in_dim3A_411 = vector.broadcast %jit3A_410 : i32 to vector<1024x128xi32>
    %select_n3A_412 = arith.select %le3A_409, %broadcast_in_dim3A_411, %slice3A_408 : vector<1024x128xi1>, vector<1024x128xi32>
    %min3A_413 = arith.minsi %min3A_407, %select_n3A_412 : vector<1024x128xi32>
    %slice3A_414 = vector.extract_strided_slice %select_n3A {offsets = [0, 2816], sizes = [1024, 128], strides = [1, 1]} : vector<1024x4096xi32> to vector<1024x128xi32>
    %le3A_415 = arith.cmpi sle, %slice3A_414, %min3A_282 : vector<1024x128xi32>
    %jit3A_416 = arith.constant 2139095039 : i32
    %broadcast_in_dim3A_417 = vector.broadcast %jit3A_416 : i32 to vector<1024x128xi32>
    %select_n3A_418 = arith.select %le3A_415, %broadcast_in_dim3A_417, %slice3A_414 : vector<1024x128xi1>, vector<1024x128xi32>
    %min3A_419 = arith.minsi %min3A_413, %select_n3A_418 : vector<1024x128xi32>
    %slice3A_420 = vector.extract_strided_slice %select_n3A {offsets = [0, 2944], sizes = [1024, 128], strides = [1, 1]} : vector<1024x4096xi32> to vector<1024x128xi32>
    %le3A_421 = arith.cmpi sle, %slice3A_420, %min3A_282 : vector<1024x128xi32>
    %jit3A_422 = arith.constant 2139095039 : i32
    %broadcast_in_dim3A_423 = vector.broadcast %jit3A_422 : i32 to vector<1024x128xi32>
    %select_n3A_424 = arith.select %le3A_421, %broadcast_in_dim3A_423, %slice3A_420 : vector<1024x128xi1>, vector<1024x128xi32>
    %min3A_425 = arith.minsi %min3A_419, %select_n3A_424 : vector<1024x128xi32>
    %slice3A_426 = vector.extract_strided_slice %select_n3A {offsets = [0, 3072], sizes = [1024, 128], strides = [1, 1]} : vector<1024x4096xi32> to vector<1024x128xi32>
    %le3A_427 = arith.cmpi sle, %slice3A_426, %min3A_282 : vector<1024x128xi32>
    %jit3A_428 = arith.constant 2139095039 : i32
    %broadcast_in_dim3A_429 = vector.broadcast %jit3A_428 : i32 to vector<1024x128xi32>
    %select_n3A_430 = arith.select %le3A_427, %broadcast_in_dim3A_429, %slice3A_426 : vector<1024x128xi1>, vector<1024x128xi32>
    %min3A_431 = arith.minsi %min3A_425, %select_n3A_430 : vector<1024x128xi32>
    %slice3A_432 = vector.extract_strided_slice %select_n3A {offsets = [0, 3200], sizes = [1024, 128], strides = [1, 1]} : vector<1024x4096xi32> to vector<1024x128xi32>
    %le3A_433 = arith.cmpi sle, %slice3A_432, %min3A_282 : vector<1024x128xi32>
    %jit3A_434 = arith.constant 2139095039 : i32
    %broadcast_in_dim3A_435 = vector.broadcast %jit3A_434 : i32 to vector<1024x128xi32>
    %select_n3A_436 = arith.select %le3A_433, %broadcast_in_dim3A_435, %slice3A_432 : vector<1024x128xi1>, vector<1024x128xi32>
    %min3A_437 = arith.minsi %min3A_431, %select_n3A_436 : vector<1024x128xi32>
    %slice3A_438 = vector.extract_strided_slice %select_n3A {offsets = [0, 3328], sizes = [1024, 128], strides = [1, 1]} : vector<1024x4096xi32> to vector<1024x128xi32>
    %le3A_439 = arith.cmpi sle, %slice3A_438, %min3A_282 : vector<1024x128xi32>
    %jit3A_440 = arith.constant 2139095039 : i32
    %broadcast_in_dim3A_441 = vector.broadcast %jit3A_440 : i32 to vector<1024x128xi32>
    %select_n3A_442 = arith.select %le3A_439, %broadcast_in_dim3A_441, %slice3A_438 : vector<1024x128xi1>, vector<1024x128xi32>
    %min3A_443 = arith.minsi %min3A_437, %select_n3A_442 : vector<1024x128xi32>
    %slice3A_444 = vector.extract_strided_slice %select_n3A {offsets = [0, 3456], sizes = [1024, 128], strides = [1, 1]} : vector<1024x4096xi32> to vector<1024x128xi32>
    %le3A_445 = arith.cmpi sle, %slice3A_444, %min3A_282 : vector<1024x128xi32>
    %jit3A_446 = arith.constant 2139095039 : i32
    %broadcast_in_dim3A_447 = vector.broadcast %jit3A_446 : i32 to vector<1024x128xi32>
    %select_n3A_448 = arith.select %le3A_445, %broadcast_in_dim3A_447, %slice3A_444 : vector<1024x128xi1>, vector<1024x128xi32>
    %min3A_449 = arith.minsi %min3A_443, %select_n3A_448 : vector<1024x128xi32>
    %slice3A_450 = vector.extract_strided_slice %select_n3A {offsets = [0, 3584], sizes = [1024, 128], strides = [1, 1]} : vector<1024x4096xi32> to vector<1024x128xi32>
    %le3A_451 = arith.cmpi sle, %slice3A_450, %min3A_282 : vector<1024x128xi32>
    %jit3A_452 = arith.constant 2139095039 : i32
    %broadcast_in_dim3A_453 = vector.broadcast %jit3A_452 : i32 to vector<1024x128xi32>
    %select_n3A_454 = arith.select %le3A_451, %broadcast_in_dim3A_453, %slice3A_450 : vector<1024x128xi1>, vector<1024x128xi32>
    %min3A_455 = arith.minsi %min3A_449, %select_n3A_454 : vector<1024x128xi32>
    %slice3A_456 = vector.extract_strided_slice %select_n3A {offsets = [0, 3712], sizes = [1024, 128], strides = [1, 1]} : vector<1024x4096xi32> to vector<1024x128xi32>
    %le3A_457 = arith.cmpi sle, %slice3A_456, %min3A_282 : vector<1024x128xi32>
    %jit3A_458 = arith.constant 2139095039 : i32
    %broadcast_in_dim3A_459 = vector.broadcast %jit3A_458 : i32 to vector<1024x128xi32>
    %select_n3A_460 = arith.select %le3A_457, %broadcast_in_dim3A_459, %slice3A_456 : vector<1024x128xi1>, vector<1024x128xi32>
    %min3A_461 = arith.minsi %min3A_455, %select_n3A_460 : vector<1024x128xi32>
    %slice3A_462 = vector.extract_strided_slice %select_n3A {offsets = [0, 3840], sizes = [1024, 128], strides = [1, 1]} : vector<1024x4096xi32> to vector<1024x128xi32>
    %le3A_463 = arith.cmpi sle, %slice3A_462, %min3A_282 : vector<1024x128xi32>
    %jit3A_464 = arith.constant 2139095039 : i32
    %broadcast_in_dim3A_465 = vector.broadcast %jit3A_464 : i32 to vector<1024x128xi32>
    %select_n3A_466 = arith.select %le3A_463, %broadcast_in_dim3A_465, %slice3A_462 : vector<1024x128xi1>, vector<1024x128xi32>
    %min3A_467 = arith.minsi %min3A_461, %select_n3A_466 : vector<1024x128xi32>
    %slice3A_468 = vector.extract_strided_slice %select_n3A {offsets = [0, 3968], sizes = [1024, 128], strides = [1, 1]} : vector<1024x4096xi32> to vector<1024x128xi32>
    %le3A_469 = arith.cmpi sle, %slice3A_468, %min3A_282 : vector<1024x128xi32>
    %jit3A_470 = arith.constant 2139095039 : i32
    %broadcast_in_dim3A_471 = vector.broadcast %jit3A_470 : i32 to vector<1024x128xi32>
    %select_n3A_472 = arith.select %le3A_469, %broadcast_in_dim3A_471, %slice3A_468 : vector<1024x128xi1>, vector<1024x128xi32>
    %min3A_473 = arith.minsi %min3A_467, %select_n3A_472 : vector<1024x128xi32>
    %slice3A_474 = vector.extract_strided_slice %select_n3A {offsets = [0, 0], sizes = [1024, 128], strides = [1, 1]} : vector<1024x4096xi32> to vector<1024x128xi32>
    %le3A_475 = arith.cmpi sle, %slice3A_474, %min3A_473 : vector<1024x128xi32>
    %jit3A_476 = arith.constant 2139095039 : i32
    %broadcast_in_dim3A_477 = vector.broadcast %jit3A_476 : i32 to vector<1024x128xi32>
    %select_n3A_478 = arith.select %le3A_475, %broadcast_in_dim3A_477, %slice3A_474 : vector<1024x128xi1>, vector<1024x128xi32>
    %slice3A_479 = vector.extract_strided_slice %select_n3A {offsets = [0, 128], sizes = [1024, 128], strides = [1, 1]} : vector<1024x4096xi32> to vector<1024x128xi32>
    %le3A_480 = arith.cmpi sle, %slice3A_479, %min3A_473 : vector<1024x128xi32>
    %jit3A_481 = arith.constant 2139095039 : i32
    %broadcast_in_dim3A_482 = vector.broadcast %jit3A_481 : i32 to vector<1024x128xi32>
    %select_n3A_483 = arith.select %le3A_480, %broadcast_in_dim3A_482, %slice3A_479 : vector<1024x128xi1>, vector<1024x128xi32>
    %min3A_484 = arith.minsi %select_n3A_478, %select_n3A_483 : vector<1024x128xi32>
    %slice3A_485 = vector.extract_strided_slice %select_n3A {offsets = [0, 256], sizes = [1024, 128], strides = [1, 1]} : vector<1024x4096xi32> to vector<1024x128xi32>
    %le3A_486 = arith.cmpi sle, %slice3A_485, %min3A_473 : vector<1024x128xi32>
    %jit3A_487 = arith.constant 2139095039 : i32
    %broadcast_in_dim3A_488 = vector.broadcast %jit3A_487 : i32 to vector<1024x128xi32>
    %select_n3A_489 = arith.select %le3A_486, %broadcast_in_dim3A_488, %slice3A_485 : vector<1024x128xi1>, vector<1024x128xi32>
    %min3A_490 = arith.minsi %min3A_484, %select_n3A_489 : vector<1024x128xi32>
    %slice3A_491 = vector.extract_strided_slice %select_n3A {offsets = [0, 384], sizes = [1024, 128], strides = [1, 1]} : vector<1024x4096xi32> to vector<1024x128xi32>
    %le3A_492 = arith.cmpi sle, %slice3A_491, %min3A_473 : vector<1024x128xi32>
    %jit3A_493 = arith.constant 2139095039 : i32
    %broadcast_in_dim3A_494 = vector.broadcast %jit3A_493 : i32 to vector<1024x128xi32>
    %select_n3A_495 = arith.select %le3A_492, %broadcast_in_dim3A_494, %slice3A_491 : vector<1024x128xi1>, vector<1024x128xi32>
    %min3A_496 = arith.minsi %min3A_490, %select_n3A_495 : vector<1024x128xi32>
    %slice3A_497 = vector.extract_strided_slice %select_n3A {offsets = [0, 512], sizes = [1024, 128], strides = [1, 1]} : vector<1024x4096xi32> to vector<1024x128xi32>
    %le3A_498 = arith.cmpi sle, %slice3A_497, %min3A_473 : vector<1024x128xi32>
    %jit3A_499 = arith.constant 2139095039 : i32
    %broadcast_in_dim3A_500 = vector.broadcast %jit3A_499 : i32 to vector<1024x128xi32>
    %select_n3A_501 = arith.select %le3A_498, %broadcast_in_dim3A_500, %slice3A_497 : vector<1024x128xi1>, vector<1024x128xi32>
    %min3A_502 = arith.minsi %min3A_496, %select_n3A_501 : vector<1024x128xi32>
    %slice3A_503 = vector.extract_strided_slice %select_n3A {offsets = [0, 640], sizes = [1024, 128], strides = [1, 1]} : vector<1024x4096xi32> to vector<1024x128xi32>
    %le3A_504 = arith.cmpi sle, %slice3A_503, %min3A_473 : vector<1024x128xi32>
    %jit3A_505 = arith.constant 2139095039 : i32
    %broadcast_in_dim3A_506 = vector.broadcast %jit3A_505 : i32 to vector<1024x128xi32>
    %select_n3A_507 = arith.select %le3A_504, %broadcast_in_dim3A_506, %slice3A_503 : vector<1024x128xi1>, vector<1024x128xi32>
    %min3A_508 = arith.minsi %min3A_502, %select_n3A_507 : vector<1024x128xi32>
    %slice3A_509 = vector.extract_strided_slice %select_n3A {offsets = [0, 768], sizes = [1024, 128], strides = [1, 1]} : vector<1024x4096xi32> to vector<1024x128xi32>
    %le3A_510 = arith.cmpi sle, %slice3A_509, %min3A_473 : vector<1024x128xi32>
    %jit3A_511 = arith.constant 2139095039 : i32
    %broadcast_in_dim3A_512 = vector.broadcast %jit3A_511 : i32 to vector<1024x128xi32>
    %select_n3A_513 = arith.select %le3A_510, %broadcast_in_dim3A_512, %slice3A_509 : vector<1024x128xi1>, vector<1024x128xi32>
    %min3A_514 = arith.minsi %min3A_508, %select_n3A_513 : vector<1024x128xi32>
    %slice3A_515 = vector.extract_strided_slice %select_n3A {offsets = [0, 896], sizes = [1024, 128], strides = [1, 1]} : vector<1024x4096xi32> to vector<1024x128xi32>
    %le3A_516 = arith.cmpi sle, %slice3A_515, %min3A_473 : vector<1024x128xi32>
    %jit3A_517 = arith.constant 2139095039 : i32
    %broadcast_in_dim3A_518 = vector.broadcast %jit3A_517 : i32 to vector<1024x128xi32>
    %select_n3A_519 = arith.select %le3A_516, %broadcast_in_dim3A_518, %slice3A_515 : vector<1024x128xi1>, vector<1024x128xi32>
    %min3A_520 = arith.minsi %min3A_514, %select_n3A_519 : vector<1024x128xi32>
    %slice3A_521 = vector.extract_strided_slice %select_n3A {offsets = [0, 1024], sizes = [1024, 128], strides = [1, 1]} : vector<1024x4096xi32> to vector<1024x128xi32>
    %le3A_522 = arith.cmpi sle, %slice3A_521, %min3A_473 : vector<1024x128xi32>
    %jit3A_523 = arith.constant 2139095039 : i32
    %broadcast_in_dim3A_524 = vector.broadcast %jit3A_523 : i32 to vector<1024x128xi32>
    %select_n3A_525 = arith.select %le3A_522, %broadcast_in_dim3A_524, %slice3A_521 : vector<1024x128xi1>, vector<1024x128xi32>
    %min3A_526 = arith.minsi %min3A_520, %select_n3A_525 : vector<1024x128xi32>
    %slice3A_527 = vector.extract_strided_slice %select_n3A {offsets = [0, 1152], sizes = [1024, 128], strides = [1, 1]} : vector<1024x4096xi32> to vector<1024x128xi32>
    %le3A_528 = arith.cmpi sle, %slice3A_527, %min3A_473 : vector<1024x128xi32>
    %jit3A_529 = arith.constant 2139095039 : i32
    %broadcast_in_dim3A_530 = vector.broadcast %jit3A_529 : i32 to vector<1024x128xi32>
    %select_n3A_531 = arith.select %le3A_528, %broadcast_in_dim3A_530, %slice3A_527 : vector<1024x128xi1>, vector<1024x128xi32>
    %min3A_532 = arith.minsi %min3A_526, %select_n3A_531 : vector<1024x128xi32>
    %slice3A_533 = vector.extract_strided_slice %select_n3A {offsets = [0, 1280], sizes = [1024, 128], strides = [1, 1]} : vector<1024x4096xi32> to vector<1024x128xi32>
    %le3A_534 = arith.cmpi sle, %slice3A_533, %min3A_473 : vector<1024x128xi32>
    %jit3A_535 = arith.constant 2139095039 : i32
    %broadcast_in_dim3A_536 = vector.broadcast %jit3A_535 : i32 to vector<1024x128xi32>
    %select_n3A_537 = arith.select %le3A_534, %broadcast_in_dim3A_536, %slice3A_533 : vector<1024x128xi1>, vector<1024x128xi32>
    %min3A_538 = arith.minsi %min3A_532, %select_n3A_537 : vector<1024x128xi32>
    %slice3A_539 = vector.extract_strided_slice %select_n3A {offsets = [0, 1408], sizes = [1024, 128], strides = [1, 1]} : vector<1024x4096xi32> to vector<1024x128xi32>
    %le3A_540 = arith.cmpi sle, %slice3A_539, %min3A_473 : vector<1024x128xi32>
    %jit3A_541 = arith.constant 2139095039 : i32
    %broadcast_in_dim3A_542 = vector.broadcast %jit3A_541 : i32 to vector<1024x128xi32>
    %select_n3A_543 = arith.select %le3A_540, %broadcast_in_dim3A_542, %slice3A_539 : vector<1024x128xi1>, vector<1024x128xi32>
    %min3A_544 = arith.minsi %min3A_538, %select_n3A_543 : vector<1024x128xi32>
    %slice3A_545 = vector.extract_strided_slice %select_n3A {offsets = [0, 1536], sizes = [1024, 128], strides = [1, 1]} : vector<1024x4096xi32> to vector<1024x128xi32>
    %le3A_546 = arith.cmpi sle, %slice3A_545, %min3A_473 : vector<1024x128xi32>
    %jit3A_547 = arith.constant 2139095039 : i32
    %broadcast_in_dim3A_548 = vector.broadcast %jit3A_547 : i32 to vector<1024x128xi32>
    %select_n3A_549 = arith.select %le3A_546, %broadcast_in_dim3A_548, %slice3A_545 : vector<1024x128xi1>, vector<1024x128xi32>
    %min3A_550 = arith.minsi %min3A_544, %select_n3A_549 : vector<1024x128xi32>
    %slice3A_551 = vector.extract_strided_slice %select_n3A {offsets = [0, 1664], sizes = [1024, 128], strides = [1, 1]} : vector<1024x4096xi32> to vector<1024x128xi32>
    %le3A_552 = arith.cmpi sle, %slice3A_551, %min3A_473 : vector<1024x128xi32>
    %jit3A_553 = arith.constant 2139095039 : i32
    %broadcast_in_dim3A_554 = vector.broadcast %jit3A_553 : i32 to vector<1024x128xi32>
    %select_n3A_555 = arith.select %le3A_552, %broadcast_in_dim3A_554, %slice3A_551 : vector<1024x128xi1>, vector<1024x128xi32>
    %min3A_556 = arith.minsi %min3A_550, %select_n3A_555 : vector<1024x128xi32>
    %slice3A_557 = vector.extract_strided_slice %select_n3A {offsets = [0, 1792], sizes = [1024, 128], strides = [1, 1]} : vector<1024x4096xi32> to vector<1024x128xi32>
    %le3A_558 = arith.cmpi sle, %slice3A_557, %min3A_473 : vector<1024x128xi32>
    %jit3A_559 = arith.constant 2139095039 : i32
    %broadcast_in_dim3A_560 = vector.broadcast %jit3A_559 : i32 to vector<1024x128xi32>
    %select_n3A_561 = arith.select %le3A_558, %broadcast_in_dim3A_560, %slice3A_557 : vector<1024x128xi1>, vector<1024x128xi32>
    %min3A_562 = arith.minsi %min3A_556, %select_n3A_561 : vector<1024x128xi32>
    %slice3A_563 = vector.extract_strided_slice %select_n3A {offsets = [0, 1920], sizes = [1024, 128], strides = [1, 1]} : vector<1024x4096xi32> to vector<1024x128xi32>
    %le3A_564 = arith.cmpi sle, %slice3A_563, %min3A_473 : vector<1024x128xi32>
    %jit3A_565 = arith.constant 2139095039 : i32
    %broadcast_in_dim3A_566 = vector.broadcast %jit3A_565 : i32 to vector<1024x128xi32>
    %select_n3A_567 = arith.select %le3A_564, %broadcast_in_dim3A_566, %slice3A_563 : vector<1024x128xi1>, vector<1024x128xi32>
    %min3A_568 = arith.minsi %min3A_562, %select_n3A_567 : vector<1024x128xi32>
    %slice3A_569 = vector.extract_strided_slice %select_n3A {offsets = [0, 2048], sizes = [1024, 128], strides = [1, 1]} : vector<1024x4096xi32> to vector<1024x128xi32>
    %le3A_570 = arith.cmpi sle, %slice3A_569, %min3A_473 : vector<1024x128xi32>
    %jit3A_571 = arith.constant 2139095039 : i32
    %broadcast_in_dim3A_572 = vector.broadcast %jit3A_571 : i32 to vector<1024x128xi32>
    %select_n3A_573 = arith.select %le3A_570, %broadcast_in_dim3A_572, %slice3A_569 : vector<1024x128xi1>, vector<1024x128xi32>
    %min3A_574 = arith.minsi %min3A_568, %select_n3A_573 : vector<1024x128xi32>
    %slice3A_575 = vector.extract_strided_slice %select_n3A {offsets = [0, 2176], sizes = [1024, 128], strides = [1, 1]} : vector<1024x4096xi32> to vector<1024x128xi32>
    %le3A_576 = arith.cmpi sle, %slice3A_575, %min3A_473 : vector<1024x128xi32>
    %jit3A_577 = arith.constant 2139095039 : i32
    %broadcast_in_dim3A_578 = vector.broadcast %jit3A_577 : i32 to vector<1024x128xi32>
    %select_n3A_579 = arith.select %le3A_576, %broadcast_in_dim3A_578, %slice3A_575 : vector<1024x128xi1>, vector<1024x128xi32>
    %min3A_580 = arith.minsi %min3A_574, %select_n3A_579 : vector<1024x128xi32>
    %slice3A_581 = vector.extract_strided_slice %select_n3A {offsets = [0, 2304], sizes = [1024, 128], strides = [1, 1]} : vector<1024x4096xi32> to vector<1024x128xi32>
    %le3A_582 = arith.cmpi sle, %slice3A_581, %min3A_473 : vector<1024x128xi32>
    %jit3A_583 = arith.constant 2139095039 : i32
    %broadcast_in_dim3A_584 = vector.broadcast %jit3A_583 : i32 to vector<1024x128xi32>
    %select_n3A_585 = arith.select %le3A_582, %broadcast_in_dim3A_584, %slice3A_581 : vector<1024x128xi1>, vector<1024x128xi32>
    %min3A_586 = arith.minsi %min3A_580, %select_n3A_585 : vector<1024x128xi32>
    %slice3A_587 = vector.extract_strided_slice %select_n3A {offsets = [0, 2432], sizes = [1024, 128], strides = [1, 1]} : vector<1024x4096xi32> to vector<1024x128xi32>
    %le3A_588 = arith.cmpi sle, %slice3A_587, %min3A_473 : vector<1024x128xi32>
    %jit3A_589 = arith.constant 2139095039 : i32
    %broadcast_in_dim3A_590 = vector.broadcast %jit3A_589 : i32 to vector<1024x128xi32>
    %select_n3A_591 = arith.select %le3A_588, %broadcast_in_dim3A_590, %slice3A_587 : vector<1024x128xi1>, vector<1024x128xi32>
    %min3A_592 = arith.minsi %min3A_586, %select_n3A_591 : vector<1024x128xi32>
    %slice3A_593 = vector.extract_strided_slice %select_n3A {offsets = [0, 2560], sizes = [1024, 128], strides = [1, 1]} : vector<1024x4096xi32> to vector<1024x128xi32>
    %le3A_594 = arith.cmpi sle, %slice3A_593, %min3A_473 : vector<1024x128xi32>
    %jit3A_595 = arith.constant 2139095039 : i32
    %broadcast_in_dim3A_596 = vector.broadcast %jit3A_595 : i32 to vector<1024x128xi32>
    %select_n3A_597 = arith.select %le3A_594, %broadcast_in_dim3A_596, %slice3A_593 : vector<1024x128xi1>, vector<1024x128xi32>
    %min3A_598 = arith.minsi %min3A_592, %select_n3A_597 : vector<1024x128xi32>
    %slice3A_599 = vector.extract_strided_slice %select_n3A {offsets = [0, 2688], sizes = [1024, 128], strides = [1, 1]} : vector<1024x4096xi32> to vector<1024x128xi32>
    %le3A_600 = arith.cmpi sle, %slice3A_599, %min3A_473 : vector<1024x128xi32>
    %jit3A_601 = arith.constant 2139095039 : i32
    %broadcast_in_dim3A_602 = vector.broadcast %jit3A_601 : i32 to vector<1024x128xi32>
    %select_n3A_603 = arith.select %le3A_600, %broadcast_in_dim3A_602, %slice3A_599 : vector<1024x128xi1>, vector<1024x128xi32>
    %min3A_604 = arith.minsi %min3A_598, %select_n3A_603 : vector<1024x128xi32>
    %slice3A_605 = vector.extract_strided_slice %select_n3A {offsets = [0, 2816], sizes = [1024, 128], strides = [1, 1]} : vector<1024x4096xi32> to vector<1024x128xi32>
    %le3A_606 = arith.cmpi sle, %slice3A_605, %min3A_473 : vector<1024x128xi32>
    %jit3A_607 = arith.constant 2139095039 : i32
    %broadcast_in_dim3A_608 = vector.broadcast %jit3A_607 : i32 to vector<1024x128xi32>
    %select_n3A_609 = arith.select %le3A_606, %broadcast_in_dim3A_608, %slice3A_605 : vector<1024x128xi1>, vector<1024x128xi32>
    %min3A_610 = arith.minsi %min3A_604, %select_n3A_609 : vector<1024x128xi32>
    %slice3A_611 = vector.extract_strided_slice %select_n3A {offsets = [0, 2944], sizes = [1024, 128], strides = [1, 1]} : vector<1024x4096xi32> to vector<1024x128xi32>
    %le3A_612 = arith.cmpi sle, %slice3A_611, %min3A_473 : vector<1024x128xi32>
    %jit3A_613 = arith.constant 2139095039 : i32
    %broadcast_in_dim3A_614 = vector.broadcast %jit3A_613 : i32 to vector<1024x128xi32>
    %select_n3A_615 = arith.select %le3A_612, %broadcast_in_dim3A_614, %slice3A_611 : vector<1024x128xi1>, vector<1024x128xi32>
    %min3A_616 = arith.minsi %min3A_610, %select_n3A_615 : vector<1024x128xi32>
    %slice3A_617 = vector.extract_strided_slice %select_n3A {offsets = [0, 3072], sizes = [1024, 128], strides = [1, 1]} : vector<1024x4096xi32> to vector<1024x128xi32>
    %le3A_618 = arith.cmpi sle, %slice3A_617, %min3A_473 : vector<1024x128xi32>
    %jit3A_619 = arith.constant 2139095039 : i32
    %broadcast_in_dim3A_620 = vector.broadcast %jit3A_619 : i32 to vector<1024x128xi32>
    %select_n3A_621 = arith.select %le3A_618, %broadcast_in_dim3A_620, %slice3A_617 : vector<1024x128xi1>, vector<1024x128xi32>
    %min3A_622 = arith.minsi %min3A_616, %select_n3A_621 : vector<1024x128xi32>
    %slice3A_623 = vector.extract_strided_slice %select_n3A {offsets = [0, 3200], sizes = [1024, 128], strides = [1, 1]} : vector<1024x4096xi32> to vector<1024x128xi32>
    %le3A_624 = arith.cmpi sle, %slice3A_623, %min3A_473 : vector<1024x128xi32>
    %jit3A_625 = arith.constant 2139095039 : i32
    %broadcast_in_dim3A_626 = vector.broadcast %jit3A_625 : i32 to vector<1024x128xi32>
    %select_n3A_627 = arith.select %le3A_624, %broadcast_in_dim3A_626, %slice3A_623 : vector<1024x128xi1>, vector<1024x128xi32>
    %min3A_628 = arith.minsi %min3A_622, %select_n3A_627 : vector<1024x128xi32>
    %slice3A_629 = vector.extract_strided_slice %select_n3A {offsets = [0, 3328], sizes = [1024, 128], strides = [1, 1]} : vector<1024x4096xi32> to vector<1024x128xi32>
    %le3A_630 = arith.cmpi sle, %slice3A_629, %min3A_473 : vector<1024x128xi32>
    %jit3A_631 = arith.constant 2139095039 : i32
    %broadcast_in_dim3A_632 = vector.broadcast %jit3A_631 : i32 to vector<1024x128xi32>
    %select_n3A_633 = arith.select %le3A_630, %broadcast_in_dim3A_632, %slice3A_629 : vector<1024x128xi1>, vector<1024x128xi32>
    %min3A_634 = arith.minsi %min3A_628, %select_n3A_633 : vector<1024x128xi32>
    %slice3A_635 = vector.extract_strided_slice %select_n3A {offsets = [0, 3456], sizes = [1024, 128], strides = [1, 1]} : vector<1024x4096xi32> to vector<1024x128xi32>
    %le3A_636 = arith.cmpi sle, %slice3A_635, %min3A_473 : vector<1024x128xi32>
    %jit3A_637 = arith.constant 2139095039 : i32
    %broadcast_in_dim3A_638 = vector.broadcast %jit3A_637 : i32 to vector<1024x128xi32>
    %select_n3A_639 = arith.select %le3A_636, %broadcast_in_dim3A_638, %slice3A_635 : vector<1024x128xi1>, vector<1024x128xi32>
    %min3A_640 = arith.minsi %min3A_634, %select_n3A_639 : vector<1024x128xi32>
    %slice3A_641 = vector.extract_strided_slice %select_n3A {offsets = [0, 3584], sizes = [1024, 128], strides = [1, 1]} : vector<1024x4096xi32> to vector<1024x128xi32>
    %le3A_642 = arith.cmpi sle, %slice3A_641, %min3A_473 : vector<1024x128xi32>
    %jit3A_643 = arith.constant 2139095039 : i32
    %broadcast_in_dim3A_644 = vector.broadcast %jit3A_643 : i32 to vector<1024x128xi32>
    %select_n3A_645 = arith.select %le3A_642, %broadcast_in_dim3A_644, %slice3A_641 : vector<1024x128xi1>, vector<1024x128xi32>
    %min3A_646 = arith.minsi %min3A_640, %select_n3A_645 : vector<1024x128xi32>
    %slice3A_647 = vector.extract_strided_slice %select_n3A {offsets = [0, 3712], sizes = [1024, 128], strides = [1, 1]} : vector<1024x4096xi32> to vector<1024x128xi32>
    %le3A_648 = arith.cmpi sle, %slice3A_647, %min3A_473 : vector<1024x128xi32>
    %jit3A_649 = arith.constant 2139095039 : i32
    %broadcast_in_dim3A_650 = vector.broadcast %jit3A_649 : i32 to vector<1024x128xi32>
    %select_n3A_651 = arith.select %le3A_648, %broadcast_in_dim3A_650, %slice3A_647 : vector<1024x128xi1>, vector<1024x128xi32>
    %min3A_652 = arith.minsi %min3A_646, %select_n3A_651 : vector<1024x128xi32>
    %slice3A_653 = vector.extract_strided_slice %select_n3A {offsets = [0, 3840], sizes = [1024, 128], strides = [1, 1]} : vector<1024x4096xi32> to vector<1024x128xi32>
    %le3A_654 = arith.cmpi sle, %slice3A_653, %min3A_473 : vector<1024x128xi32>
    %jit3A_655 = arith.constant 2139095039 : i32
    %broadcast_in_dim3A_656 = vector.broadcast %jit3A_655 : i32 to vector<1024x128xi32>
    %select_n3A_657 = arith.select %le3A_654, %broadcast_in_dim3A_656, %slice3A_653 : vector<1024x128xi1>, vector<1024x128xi32>
    %min3A_658 = arith.minsi %min3A_652, %select_n3A_657 : vector<1024x128xi32>
    %slice3A_659 = vector.extract_strided_slice %select_n3A {offsets = [0, 3968], sizes = [1024, 128], strides = [1, 1]} : vector<1024x4096xi32> to vector<1024x128xi32>
    %le3A_660 = arith.cmpi sle, %slice3A_659, %min3A_473 : vector<1024x128xi32>
    %jit3A_661 = arith.constant 2139095039 : i32
    %broadcast_in_dim3A_662 = vector.broadcast %jit3A_661 : i32 to vector<1024x128xi32>
    %select_n3A_663 = arith.select %le3A_660, %broadcast_in_dim3A_662, %slice3A_659 : vector<1024x128xi1>, vector<1024x128xi32>
    %min3A_664 = arith.minsi %min3A_658, %select_n3A_663 : vector<1024x128xi32>
    %concatenate3A = tpu.concatenate %min3A_92, %min3A_282, %min3A_473, %min3A_664 in 1 : vector<1024x128xi32>, vector<1024x128xi32>, vector<1024x128xi32>, vector<1024x128xi32> -> vector<1024x512xi32>
    %reduce_min3A = arith.constant dense<2147483647> : vector<1024xi32>
    %reduce_min3A_665 = vector.multi_reduction <minsi>, %concatenate3A, %reduce_min3A [1] : vector<1024x512xi32> to vector<1024xi32>
    %broadcast_in_dim3A_666 = vector.shape_cast %reduce_min3A_665 : vector<1024xi32> to vector<1024x1xi32>
    %and3A_667 = arith.constant 4095 : i32
    %and3A_668 = vector.broadcast %and3A_667 : i32 to vector<1024x1xi32>
    %and3A_669 = arith.andi %broadcast_in_dim3A_666, %and3A_668 : vector<1024x1xi32>
    %le3A_670 = vector.broadcast %broadcast_in_dim3A_666 : vector<1024x1xi32> to vector<1024x512xi32>
    %le3A_671 = arith.cmpi sle, %concatenate3A, %le3A_670 : vector<1024x512xi32>
    %jit3A_672 = arith.constant 2139095039 : i32
    %broadcast_in_dim3A_673 = vector.broadcast %jit3A_672 : i32 to vector<1024x512xi32>
    %select_n3A_674 = arith.select %le3A_671, %broadcast_in_dim3A_673, %concatenate3A : vector<1024x512xi1>, vector<1024x512xi32>
    %reduce_min3A_675 = arith.constant dense<2147483647> : vector<1024xi32>
    %reduce_min3A_676 = vector.multi_reduction <minsi>, %select_n3A_674, %reduce_min3A_675 [1] : vector<1024x512xi32> to vector<1024xi32>
    %broadcast_in_dim3A_677 = vector.shape_cast %reduce_min3A_676 : vector<1024xi32> to vector<1024x1xi32>
    %and3A_678 = arith.constant 4095 : i32
    %and3A_679 = vector.broadcast %and3A_678 : i32 to vector<1024x1xi32>
    %and3A_680 = arith.andi %broadcast_in_dim3A_677, %and3A_679 : vector<1024x1xi32>
    %le3A_681 = vector.broadcast %broadcast_in_dim3A_677 : vector<1024x1xi32> to vector<1024x512xi32>
    %le3A_682 = arith.cmpi sle, %concatenate3A, %le3A_681 : vector<1024x512xi32>
    %jit3A_683 = arith.constant 2139095039 : i32
    %broadcast_in_dim3A_684 = vector.broadcast %jit3A_683 : i32 to vector<1024x512xi32>
    %select_n3A_685 = arith.select %le3A_682, %broadcast_in_dim3A_684, %concatenate3A : vector<1024x512xi1>, vector<1024x512xi32>
    %reduce_min3A_686 = arith.constant dense<2147483647> : vector<1024xi32>
    %reduce_min3A_687 = vector.multi_reduction <minsi>, %select_n3A_685, %reduce_min3A_686 [1] : vector<1024x512xi32> to vector<1024xi32>
    %broadcast_in_dim3A_688 = vector.shape_cast %reduce_min3A_687 : vector<1024xi32> to vector<1024x1xi32>
    %and3A_689 = arith.constant 4095 : i32
    %and3A_690 = vector.broadcast %and3A_689 : i32 to vector<1024x1xi32>
    %and3A_691 = arith.andi %broadcast_in_dim3A_688, %and3A_690 : vector<1024x1xi32>
    %le3A_692 = vector.broadcast %broadcast_in_dim3A_688 : vector<1024x1xi32> to vector<1024x512xi32>
    %le3A_693 = arith.cmpi sle, %concatenate3A, %le3A_692 : vector<1024x512xi32>
    %jit3A_694 = arith.constant 2139095039 : i32
    %broadcast_in_dim3A_695 = vector.broadcast %jit3A_694 : i32 to vector<1024x512xi32>
    %select_n3A_696 = arith.select %le3A_693, %broadcast_in_dim3A_695, %concatenate3A : vector<1024x512xi1>, vector<1024x512xi32>
    %reduce_min3A_697 = arith.constant dense<2147483647> : vector<1024xi32>
    %reduce_min3A_698 = vector.multi_reduction <minsi>, %select_n3A_696, %reduce_min3A_697 [1] : vector<1024x512xi32> to vector<1024xi32>
    %broadcast_in_dim3A_699 = vector.shape_cast %reduce_min3A_698 : vector<1024xi32> to vector<1024x1xi32>
    %and3A_700 = arith.constant 4095 : i32
    %and3A_701 = vector.broadcast %and3A_700 : i32 to vector<1024x1xi32>
    %and3A_702 = arith.andi %broadcast_in_dim3A_699, %and3A_701 : vector<1024x1xi32>
    %le3A_703 = vector.broadcast %broadcast_in_dim3A_699 : vector<1024x1xi32> to vector<1024x512xi32>
    %le3A_704 = arith.cmpi sle, %concatenate3A, %le3A_703 : vector<1024x512xi32>
    %jit3A_705 = arith.constant 2139095039 : i32
    %broadcast_in_dim3A_706 = vector.broadcast %jit3A_705 : i32 to vector<1024x512xi32>
    %select_n3A_707 = arith.select %le3A_704, %broadcast_in_dim3A_706, %concatenate3A : vector<1024x512xi1>, vector<1024x512xi32>
    %reduce_min3A_708 = arith.constant dense<2147483647> : vector<1024xi32>
    %reduce_min3A_709 = vector.multi_reduction <minsi>, %select_n3A_707, %reduce_min3A_708 [1] : vector<1024x512xi32> to vector<1024xi32>
    %broadcast_in_dim3A_710 = vector.shape_cast %reduce_min3A_709 : vector<1024xi32> to vector<1024x1xi32>
    %and3A_711 = arith.constant 4095 : i32
    %and3A_712 = vector.broadcast %and3A_711 : i32 to vector<1024x1xi32>
    %and3A_713 = arith.andi %broadcast_in_dim3A_710, %and3A_712 : vector<1024x1xi32>
    %le3A_714 = vector.broadcast %broadcast_in_dim3A_710 : vector<1024x1xi32> to vector<1024x512xi32>
    %le3A_715 = arith.cmpi sle, %concatenate3A, %le3A_714 : vector<1024x512xi32>
    %jit3A_716 = arith.constant 2139095039 : i32
    %broadcast_in_dim3A_717 = vector.broadcast %jit3A_716 : i32 to vector<1024x512xi32>
    %select_n3A_718 = arith.select %le3A_715, %broadcast_in_dim3A_717, %concatenate3A : vector<1024x512xi1>, vector<1024x512xi32>
    %reduce_min3A_719 = arith.constant dense<2147483647> : vector<1024xi32>
    %reduce_min3A_720 = vector.multi_reduction <minsi>, %select_n3A_718, %reduce_min3A_719 [1] : vector<1024x512xi32> to vector<1024xi32>
    %broadcast_in_dim3A_721 = vector.shape_cast %reduce_min3A_720 : vector<1024xi32> to vector<1024x1xi32>
    %and3A_722 = arith.constant 4095 : i32
    %and3A_723 = vector.broadcast %and3A_722 : i32 to vector<1024x1xi32>
    %and3A_724 = arith.andi %broadcast_in_dim3A_721, %and3A_723 : vector<1024x1xi32>
    %le3A_725 = vector.broadcast %broadcast_in_dim3A_721 : vector<1024x1xi32> to vector<1024x512xi32>
    %le3A_726 = arith.cmpi sle, %concatenate3A, %le3A_725 : vector<1024x512xi32>
    %jit3A_727 = arith.constant 2139095039 : i32
    %broadcast_in_dim3A_728 = vector.broadcast %jit3A_727 : i32 to vector<1024x512xi32>
    %select_n3A_729 = arith.select %le3A_726, %broadcast_in_dim3A_728, %concatenate3A : vector<1024x512xi1>, vector<1024x512xi32>
    %reduce_min3A_730 = arith.constant dense<2147483647> : vector<1024xi32>
    %reduce_min3A_731 = vector.multi_reduction <minsi>, %select_n3A_729, %reduce_min3A_730 [1] : vector<1024x512xi32> to vector<1024xi32>
    %broadcast_in_dim3A_732 = vector.shape_cast %reduce_min3A_731 : vector<1024xi32> to vector<1024x1xi32>
    %and3A_733 = arith.constant 4095 : i32
    %and3A_734 = vector.broadcast %and3A_733 : i32 to vector<1024x1xi32>
    %and3A_735 = arith.andi %broadcast_in_dim3A_732, %and3A_734 : vector<1024x1xi32>
    %le3A_736 = vector.broadcast %broadcast_in_dim3A_732 : vector<1024x1xi32> to vector<1024x512xi32>
    %le3A_737 = arith.cmpi sle, %concatenate3A, %le3A_736 : vector<1024x512xi32>
    %jit3A_738 = arith.constant 2139095039 : i32
    %broadcast_in_dim3A_739 = vector.broadcast %jit3A_738 : i32 to vector<1024x512xi32>
    %select_n3A_740 = arith.select %le3A_737, %broadcast_in_dim3A_739, %concatenate3A : vector<1024x512xi1>, vector<1024x512xi32>
    %reduce_min3A_741 = arith.constant dense<2147483647> : vector<1024xi32>
    %reduce_min3A_742 = vector.multi_reduction <minsi>, %select_n3A_740, %reduce_min3A_741 [1] : vector<1024x512xi32> to vector<1024xi32>
    %broadcast_in_dim3A_743 = vector.shape_cast %reduce_min3A_742 : vector<1024xi32> to vector<1024x1xi32>
    %and3A_744 = arith.constant 4095 : i32
    %and3A_745 = vector.broadcast %and3A_744 : i32 to vector<1024x1xi32>
    %and3A_746 = arith.andi %broadcast_in_dim3A_743, %and3A_745 : vector<1024x1xi32>
    %le3A_747 = vector.broadcast %broadcast_in_dim3A_743 : vector<1024x1xi32> to vector<1024x512xi32>
    %le3A_748 = arith.cmpi sle, %concatenate3A, %le3A_747 : vector<1024x512xi32>
    %jit3A_749 = arith.constant 2139095039 : i32
    %broadcast_in_dim3A_750 = vector.broadcast %jit3A_749 : i32 to vector<1024x512xi32>
    %select_n3A_751 = arith.select %le3A_748, %broadcast_in_dim3A_750, %concatenate3A : vector<1024x512xi1>, vector<1024x512xi32>
    %reduce_min3A_752 = arith.constant dense<2147483647> : vector<1024xi32>
    %reduce_min3A_753 = vector.multi_reduction <minsi>, %select_n3A_751, %reduce_min3A_752 [1] : vector<1024x512xi32> to vector<1024xi32>
    %broadcast_in_dim3A_754 = vector.shape_cast %reduce_min3A_753 : vector<1024xi32> to vector<1024x1xi32>
    %and3A_755 = arith.constant 4095 : i32
    %and3A_756 = vector.broadcast %and3A_755 : i32 to vector<1024x1xi32>
    %and3A_757 = arith.andi %broadcast_in_dim3A_754, %and3A_756 : vector<1024x1xi32>
    %le3A_758 = vector.broadcast %broadcast_in_dim3A_754 : vector<1024x1xi32> to vector<1024x512xi32>
    %le3A_759 = arith.cmpi sle, %concatenate3A, %le3A_758 : vector<1024x512xi32>
    %jit3A_760 = arith.constant 2139095039 : i32
    %broadcast_in_dim3A_761 = vector.broadcast %jit3A_760 : i32 to vector<1024x512xi32>
    %select_n3A_762 = arith.select %le3A_759, %broadcast_in_dim3A_761, %concatenate3A : vector<1024x512xi1>, vector<1024x512xi32>
    %reduce_min3A_763 = arith.constant dense<2147483647> : vector<1024xi32>
    %reduce_min3A_764 = vector.multi_reduction <minsi>, %select_n3A_762, %reduce_min3A_763 [1] : vector<1024x512xi32> to vector<1024xi32>
    %broadcast_in_dim3A_765 = vector.shape_cast %reduce_min3A_764 : vector<1024xi32> to vector<1024x1xi32>
    %and3A_766 = arith.constant 4095 : i32
    %and3A_767 = vector.broadcast %and3A_766 : i32 to vector<1024x1xi32>
    %and3A_768 = arith.andi %broadcast_in_dim3A_765, %and3A_767 : vector<1024x1xi32>
    %le3A_769 = vector.broadcast %broadcast_in_dim3A_765 : vector<1024x1xi32> to vector<1024x512xi32>
    %le3A_770 = arith.cmpi sle, %concatenate3A, %le3A_769 : vector<1024x512xi32>
    %jit3A_771 = arith.constant 2139095039 : i32
    %broadcast_in_dim3A_772 = vector.broadcast %jit3A_771 : i32 to vector<1024x512xi32>
    %select_n3A_773 = arith.select %le3A_770, %broadcast_in_dim3A_772, %concatenate3A : vector<1024x512xi1>, vector<1024x512xi32>
    %reduce_min3A_774 = arith.constant dense<2147483647> : vector<1024xi32>
    %reduce_min3A_775 = vector.multi_reduction <minsi>, %select_n3A_773, %reduce_min3A_774 [1] : vector<1024x512xi32> to vector<1024xi32>
    %broadcast_in_dim3A_776 = vector.shape_cast %reduce_min3A_775 : vector<1024xi32> to vector<1024x1xi32>
    %and3A_777 = arith.constant 4095 : i32
    %and3A_778 = vector.broadcast %and3A_777 : i32 to vector<1024x1xi32>
    %and3A_779 = arith.andi %broadcast_in_dim3A_776, %and3A_778 : vector<1024x1xi32>
    %le3A_780 = vector.broadcast %broadcast_in_dim3A_776 : vector<1024x1xi32> to vector<1024x512xi32>
    %le3A_781 = arith.cmpi sle, %concatenate3A, %le3A_780 : vector<1024x512xi32>
    %jit3A_782 = arith.constant 2139095039 : i32
    %broadcast_in_dim3A_783 = vector.broadcast %jit3A_782 : i32 to vector<1024x512xi32>
    %select_n3A_784 = arith.select %le3A_781, %broadcast_in_dim3A_783, %concatenate3A : vector<1024x512xi1>, vector<1024x512xi32>
    %reduce_min3A_785 = arith.constant dense<2147483647> : vector<1024xi32>
    %reduce_min3A_786 = vector.multi_reduction <minsi>, %select_n3A_784, %reduce_min3A_785 [1] : vector<1024x512xi32> to vector<1024xi32>
    %broadcast_in_dim3A_787 = vector.shape_cast %reduce_min3A_786 : vector<1024xi32> to vector<1024x1xi32>
    %and3A_788 = arith.constant 4095 : i32
    %and3A_789 = vector.broadcast %and3A_788 : i32 to vector<1024x1xi32>
    %and3A_790 = arith.andi %broadcast_in_dim3A_787, %and3A_789 : vector<1024x1xi32>
    %le3A_791 = vector.broadcast %broadcast_in_dim3A_787 : vector<1024x1xi32> to vector<1024x512xi32>
    %le3A_792 = arith.cmpi sle, %concatenate3A, %le3A_791 : vector<1024x512xi32>
    %jit3A_793 = arith.constant 2139095039 : i32
    %broadcast_in_dim3A_794 = vector.broadcast %jit3A_793 : i32 to vector<1024x512xi32>
    %select_n3A_795 = arith.select %le3A_792, %broadcast_in_dim3A_794, %concatenate3A : vector<1024x512xi1>, vector<1024x512xi32>
    %reduce_min3A_796 = arith.constant dense<2147483647> : vector<1024xi32>
    %reduce_min3A_797 = vector.multi_reduction <minsi>, %select_n3A_795, %reduce_min3A_796 [1] : vector<1024x512xi32> to vector<1024xi32>
    %broadcast_in_dim3A_798 = vector.shape_cast %reduce_min3A_797 : vector<1024xi32> to vector<1024x1xi32>
    %and3A_799 = arith.constant 4095 : i32
    %and3A_800 = vector.broadcast %and3A_799 : i32 to vector<1024x1xi32>
    %and3A_801 = arith.andi %broadcast_in_dim3A_798, %and3A_800 : vector<1024x1xi32>
    %le3A_802 = vector.broadcast %broadcast_in_dim3A_798 : vector<1024x1xi32> to vector<1024x512xi32>
    %le3A_803 = arith.cmpi sle, %concatenate3A, %le3A_802 : vector<1024x512xi32>
    %jit3A_804 = arith.constant 2139095039 : i32
    %broadcast_in_dim3A_805 = vector.broadcast %jit3A_804 : i32 to vector<1024x512xi32>
    %select_n3A_806 = arith.select %le3A_803, %broadcast_in_dim3A_805, %concatenate3A : vector<1024x512xi1>, vector<1024x512xi32>
    %reduce_min3A_807 = arith.constant dense<2147483647> : vector<1024xi32>
    %reduce_min3A_808 = vector.multi_reduction <minsi>, %select_n3A_806, %reduce_min3A_807 [1] : vector<1024x512xi32> to vector<1024xi32>
    %broadcast_in_dim3A_809 = vector.shape_cast %reduce_min3A_808 : vector<1024xi32> to vector<1024x1xi32>
    %and3A_810 = arith.constant 4095 : i32
    %and3A_811 = vector.broadcast %and3A_810 : i32 to vector<1024x1xi32>
    %and3A_812 = arith.andi %broadcast_in_dim3A_809, %and3A_811 : vector<1024x1xi32>
    %le3A_813 = vector.broadcast %broadcast_in_dim3A_809 : vector<1024x1xi32> to vector<1024x512xi32>
    %le3A_814 = arith.cmpi sle, %concatenate3A, %le3A_813 : vector<1024x512xi32>
    %jit3A_815 = arith.constant 2139095039 : i32
    %broadcast_in_dim3A_816 = vector.broadcast %jit3A_815 : i32 to vector<1024x512xi32>
    %select_n3A_817 = arith.select %le3A_814, %broadcast_in_dim3A_816, %concatenate3A : vector<1024x512xi1>, vector<1024x512xi32>
    %reduce_min3A_818 = arith.constant dense<2147483647> : vector<1024xi32>
    %reduce_min3A_819 = vector.multi_reduction <minsi>, %select_n3A_817, %reduce_min3A_818 [1] : vector<1024x512xi32> to vector<1024xi32>
    %broadcast_in_dim3A_820 = vector.shape_cast %reduce_min3A_819 : vector<1024xi32> to vector<1024x1xi32>
    %and3A_821 = arith.constant 4095 : i32
    %and3A_822 = vector.broadcast %and3A_821 : i32 to vector<1024x1xi32>
    %and3A_823 = arith.andi %broadcast_in_dim3A_820, %and3A_822 : vector<1024x1xi32>
    %le3A_824 = vector.broadcast %broadcast_in_dim3A_820 : vector<1024x1xi32> to vector<1024x512xi32>
    %le3A_825 = arith.cmpi sle, %concatenate3A, %le3A_824 : vector<1024x512xi32>
    %jit3A_826 = arith.constant 2139095039 : i32
    %broadcast_in_dim3A_827 = vector.broadcast %jit3A_826 : i32 to vector<1024x512xi32>
    %select_n3A_828 = arith.select %le3A_825, %broadcast_in_dim3A_827, %concatenate3A : vector<1024x512xi1>, vector<1024x512xi32>
    %reduce_min3A_829 = arith.constant dense<2147483647> : vector<1024xi32>
    %reduce_min3A_830 = vector.multi_reduction <minsi>, %select_n3A_828, %reduce_min3A_829 [1] : vector<1024x512xi32> to vector<1024xi32>
    %broadcast_in_dim3A_831 = vector.shape_cast %reduce_min3A_830 : vector<1024xi32> to vector<1024x1xi32>
    %and3A_832 = arith.constant 4095 : i32
    %and3A_833 = vector.broadcast %and3A_832 : i32 to vector<1024x1xi32>
    %and3A_834 = arith.andi %broadcast_in_dim3A_831, %and3A_833 : vector<1024x1xi32>
    %concatenate3A_835 = tpu.concatenate %and3A_669, %and3A_680, %and3A_691, %and3A_702, %and3A_713, %and3A_724, %and3A_735, %and3A_746, %and3A_757, %and3A_768, %and3A_779, %and3A_790, %and3A_801, %and3A_812, %and3A_823, %and3A_834 in 1 : vector<1024x1xi32>, vector<1024x1xi32>, vector<1024x1xi32>, vector<1024x1xi32>, vector<1024x1xi32>, vector<1024x1xi32>, vector<1024x1xi32>, vector<1024x1xi32>, vector<1024x1xi32>, vector<1024x1xi32>, vector<1024x1xi32>, vector<1024x1xi32>, vector<1024x1xi32>, vector<1024x1xi32>, vector<1024x1xi32>, vector<1024x1xi32> -> vector<1024x16xi32>
    %mul3A_836 = arith.constant 4096 : i32
    %mul3A_837 = arith.muli %add3A_0, %mul3A_836 : i32
    %add3A_838 = vector.broadcast %mul3A_837 : i32 to vector<1024x16xi32>
    %add3A_839 = arith.addi %concatenate3A_835, %add3A_838 : vector<1024x16xi32>
    %swap3A = arith.constant 0 : index
    %swap3A_840 = arith.constant 0 : index
    %swap3A_841 = arith.constant 0 : index
    %swap3A_842 = vector.load %arg4[%swap3A, %swap3A_840, %swap3A_841] : memref<1x1024x16xi32, #tpu.memory_space<vmem>>, vector<1x1024x16xi32>
    %swap3A_843 = vector.shape_cast %swap3A_842 : vector<1x1024x16xi32> to vector<1024x16xi32>
    %swap3A_844 = vector.shape_cast %add3A_839 : vector<1024x16xi32> to vector<1x1024x16xi32>
    tpu.vector_store %arg4[%swap3A, %swap3A_840, %swap3A_841], %swap3A_844 {strides = array<i32>} : memref<1x1024x16xi32, #tpu.memory_space<vmem>>, vector<1x1024x16xi32>,
    return
  }
  func.func @transform_0(%arg0: i32, %arg1: i32) -> (i32, i32, i32) {
    %c0_i32 = arith.constant 0 : i32
    %c0_i32_0 = arith.constant 0 : i32
    return %arg0, %arg1, %c0_i32 : i32, i32, i32
  }
  func.func @transform_1(%arg0: i32, %arg1: i32) -> (i32, i32, i32) {
    %c0_i32 = arith.constant 0 : i32
    %c0_i32_0 = arith.constant 0 : i32
    %c0_i32_1 = arith.constant 0 : i32
    return %arg0, %c0_i32, %c0_i32_0 : i32, i32, i32
  }
  func.func @transform_2(%arg0: i32, %arg1: i32) -> (i32, i32, i32) {
    %c0_i32 = arith.constant 0 : i32
    %c0_i32_0 = arith.constant 0 : i32
    return %arg0, %arg1, %c0_i32 : i32, i32, i32
  }
}

module attributes {stable_mosaic.version = 14 : i64} {
  func.func @_attn_body(%arg0: i32, %arg1: memref<512x128xf32, #tpu.memory_space<vmem>>, %arg2: memref<512x128xf32, #tpu.memory_space<vmem>>, %arg3: memref<512x8xf32, #tpu.memory_space<vmem>>, %arg4: memref<8192x128xi32, #tpu.memory_space<vmem>>, %arg5: memref<128x128xbf16, #tpu.memory_space<vmem>>, %arg6: memref<128x128xbf16, #tpu.memory_space<vmem>>, %arg7: memref<8x32xf32, #tpu.memory_space<vmem>>, %arg8: memref<1x32xf32, #tpu.memory_space<vmem>>, %arg9: memref<32x128xbf16, #tpu.memory_space<vmem>>, %arg10: memref<1x128xf32, #tpu.memory_space<vmem>>, %arg11: memref<128x4xf32, #tpu.memory_space<vmem>>, %arg12: memref<4x128xf32, #tpu.memory_space<vmem>>, %arg13: memref<128x128xbf16, #tpu.memory_space<vmem>>, %arg14: memref<1x128xf32, #tpu.memory_space<vmem>>, %arg15: memref<1x128xf32, #tpu.memory_space<vmem>>, %arg16: memref<1x128xf32, #tpu.memory_space<vmem>>, %arg17: memref<128x512xbf16, #tpu.memory_space<vmem>>, %arg18: memref<1x512xf32, #tpu.memory_space<vmem>>, %arg19: memref<512x128xbf16, #tpu.memory_space<vmem>>, %arg20: memref<1x128xf32, #tpu.memory_space<vmem>>, %arg21: memref<512x128xf32, #tpu.memory_space<vmem>>) attributes {dimension_semantics = [#tpu.dimension_semantics<arbitrary>], iteration_bounds = array<i64: 16>, scalar_prefetch = 0 : i64, scratch_operands = 0 : i64, tpu.core_type = #tpu.core_type<tc>, window_params = [{transform_indices = @transform_0, window_bounds = array<i64: 512, 128>}, {transform_indices = @transform_1, window_bounds = array<i64: 512, 128>}, {transform_indices = @transform_2, window_bounds = array<i64: 512, 8>}, {transform_indices = @transform_3, window_bounds = array<i64: 8192, 128>}, {pipeline_mode = #tpu.pipeline_mode<synchronous>, transform_indices = @transform_4, window_bounds = array<i64: 128, 128>}, {pipeline_mode = #tpu.pipeline_mode<synchronous>, transform_indices = @transform_5, window_bounds = array<i64: 128, 128>}, {pipeline_mode = #tpu.pipeline_mode<synchronous>, transform_indices = @transform_6, window_bounds = array<i64: 8, 32>}, {pipeline_mode = #tpu.pipeline_mode<synchronous>, transform_indices = @transform_7, window_bounds = array<i64: 1, 32>}, {pipeline_mode = #tpu.pipeline_mode<synchronous>, transform_indices = @transform_8, window_bounds = array<i64: 32, 128>}, {pipeline_mode = #tpu.pipeline_mode<synchronous>, transform_indices = @transform_9, window_bounds = array<i64: 1, 128>}, {pipeline_mode = #tpu.pipeline_mode<synchronous>, transform_indices = @transform_10, window_bounds = array<i64: 128, 4>}, {pipeline_mode = #tpu.pipeline_mode<synchronous>, transform_indices = @transform_11, window_bounds = array<i64: 4, 128>}, {pipeline_mode = #tpu.pipeline_mode<synchronous>, transform_indices = @transform_12, window_bounds = array<i64: 128, 128>}, {pipeline_mode = #tpu.pipeline_mode<synchronous>, transform_indices = @transform_13, window_bounds = array<i64: 1, 128>}, {pipeline_mode = #tpu.pipeline_mode<synchronous>, transform_indices = @transform_14, window_bounds = array<i64: 1, 128>}, {pipeline_mode = #tpu.pipeline_mode<synchronous>, transform_indices = @transform_15, window_bounds = array<i64: 1, 128>}, {pipeline_mode = #tpu.pipeline_mode<synchronous>, transform_indices = @transform_16, window_bounds = array<i64: 128, 512>}, {pipeline_mode = #tpu.pipeline_mode<synchronous>, transform_indices = @transform_17, window_bounds = array<i64: 1, 512>}, {pipeline_mode = #tpu.pipeline_mode<synchronous>, transform_indices = @transform_18, window_bounds = array<i64: 512, 128>}, {pipeline_mode = #tpu.pipeline_mode<synchronous>, transform_indices = @transform_19, window_bounds = array<i64: 1, 128>}, {transform_indices = @transform_20, window_bounds = array<i64: 512, 128>}]} {
    %get3A = arith.constant 0 : index
    %get3A_0 = arith.constant 0 : index
    %get3A_1 = vector.load %arg4[%get3A, %get3A_0] : memref<8192x128xi32, #tpu.memory_space<vmem>>, vector<8192x128xi32>
    %shift_left3A = arith.constant 16 : i32
    %shift_left3A_2 = vector.broadcast %shift_left3A : i32 to vector<8192x128xi32>
    %shift_left3A_3 = arith.shli %get3A_1, %shift_left3A_2 : vector<8192x128xi32>
    %bitcast_convert_type3A = tpu.bitcast %shift_left3A_3 : vector<8192x128xi32> -> vector<8192x128xf32>
    %and3A = arith.constant -65536 : i32
    %and3A_4 = vector.broadcast %and3A : i32 to vector<8192x128xi32>
    %and3A_5 = arith.andi %get3A_1, %and3A_4 : vector<8192x128xi32>
    %bitcast_convert_type3A_6 = tpu.bitcast %and3A_5 : vector<8192x128xi32> -> vector<8192x128xf32>
    %get3A_7 = arith.constant 0 : index
    %get3A_8 = arith.constant 0 : index
    %get3A_9 = vector.load %arg3[%get3A_7, %get3A_8] : memref<512x8xf32, #tpu.memory_space<vmem>>, vector<512x8xf32>
    %slice3A = vector.extract_strided_slice %bitcast_convert_type3A {offsets = [0, 64], sizes = [8192, 4], strides = [1, 1]} : vector<8192x128xf32> to vector<8192x4xf32>
    %slice3A_10 = vector.extract_strided_slice %bitcast_convert_type3A_6 {offsets = [0, 64], sizes = [8192, 4], strides = [1, 1]} : vector<8192x128xf32> to vector<8192x4xf32>
    %concatenate3A = tpu.concatenate %slice3A, %slice3A_10 in 1 : vector<8192x4xf32>, vector<8192x4xf32> -> vector<8192x8xf32>
    %broadcast_in_dim3A = vector.shape_cast %get3A_9 : vector<512x8xf32> to vector<512x1x8xf32>
    %broadcast_in_dim3A_11 = vector.shape_cast %broadcast_in_dim3A : vector<512x1x8xf32> to vector<512x1x8xf32>
    %broadcast_in_dim3A_12 = vector.broadcast %broadcast_in_dim3A_11 : vector<512x1x8xf32> to vector<512x16x8xf32>
    %reshape3A = vector.shape_cast %broadcast_in_dim3A_12 : vector<512x16x8xf32> to vector<8192x8xf32>
    %sub3A = arith.subf %reshape3A, %concatenate3A : vector<8192x8xf32>
    %get3A_13 = arith.constant 0 : index
    %get3A_14 = arith.constant 0 : index
    %get3A_15 = vector.load %arg7[%get3A_13, %get3A_14] : memref<8x32xf32, #tpu.memory_space<vmem>>, vector<8x32xf32>
    %dot_general3A = arith.constant dense<0.000000e+00> : vector<8192x32xf32>
    %dot_general3A_16 = tpu.matmul %sub3A, %get3A_15, %dot_general3A {dimension_numbers = #tpu.dot_dimension_numbers<[1], [0], [0], [1], [0, 0, 1, 1], [], []>, transpose_lhs_hint = false} : vector<8192x8xf32>, vector<8x32xf32>, vector<8192x32xf32> -> vector<8192x32xf32>
    %get3A_17 = arith.constant 0 : index
    %get3A_18 = arith.constant 0 : index
    %get3A_19 = vector.load %arg8[%get3A_17, %get3A_18] : memref<1x32xf32, #tpu.memory_space<vmem>>, vector<1x32xf32>
    %add3A = vector.broadcast %get3A_19 : vector<1x32xf32> to vector<8192x32xf32>
    %add3A_20 = arith.addf %dot_general3A_16, %add3A : vector<8192x32xf32>
    %mul3A = arith.constant 5.000000e-01 : f32
    %mul3A_21 = vector.broadcast %mul3A : f32 to vector<8192x32xf32>
    %mul3A_22 = arith.mulf %mul3A_21, %add3A_20 : vector<8192x32xf32>
    %mul3A_23 = arith.constant 0.707106769 : f32
    %mul3A_24 = vector.broadcast %mul3A_23 : f32 to vector<8192x32xf32>
    %mul3A_25 = arith.mulf %add3A_20, %mul3A_24 : vector<8192x32xf32>
    %erf3A = math.erf %mul3A_25 : vector<8192x32xf32>
    %add3A_26 = arith.constant 1.000000e+00 : f32
    %add3A_27 = vector.broadcast %add3A_26 : f32 to vector<8192x32xf32>
    %add3A_28 = arith.addf %add3A_27, %erf3A : vector<8192x32xf32>
    %mul3A_29 = arith.mulf %mul3A_22, %add3A_28 : vector<8192x32xf32>
    %convert_element_type3A = arith.truncf %mul3A_29 : vector<8192x32xf32> to vector<8192x32xbf16>
    %get3A_30 = arith.constant 0 : index
    %get3A_31 = arith.constant 0 : index
    %get3A_32 = vector.load %arg9[%get3A_30, %get3A_31] : memref<32x128xbf16, #tpu.memory_space<vmem>>, vector<32x128xbf16>
    %dot_general3A_33 = arith.constant dense<0.000000e+00> : vector<8192x128xf32>
    %dot_general3A_34 = tpu.matmul %convert_element_type3A, %get3A_32, %dot_general3A_33 {dimension_numbers = #tpu.dot_dimension_numbers<[1], [0], [0], [1], [0, 0, 1, 1], [], []>, transpose_lhs_hint = false} : vector<8192x32xbf16>, vector<32x128xbf16>, vector<8192x128xf32> -> vector<8192x128xf32>
    %get3A_35 = arith.constant 0 : index
    %get3A_36 = arith.constant 0 : index
    %get3A_37 = vector.load %arg10[%get3A_35, %get3A_36] : memref<1x128xf32, #tpu.memory_space<vmem>>, vector<1x128xf32>
    %add3A_38 = vector.broadcast %get3A_37 : vector<1x128xf32> to vector<8192x128xf32>
    %add3A_39 = arith.addf %dot_general3A_34, %add3A_38 : vector<8192x128xf32>
    %slice3A_40 = vector.extract_strided_slice %bitcast_convert_type3A {offsets = [0, 0], sizes = [8192, 64], strides = [1, 1]} : vector<8192x128xf32> to vector<8192x64xf32>
    %slice3A_41 = vector.extract_strided_slice %bitcast_convert_type3A_6 {offsets = [0, 0], sizes = [8192, 64], strides = [1, 1]} : vector<8192x128xf32> to vector<8192x64xf32>
    %concatenate3A_42 = tpu.concatenate %slice3A_40, %slice3A_41 in 1 : vector<8192x64xf32>, vector<8192x64xf32> -> vector<8192x128xf32>
    %convert_element_type3A_43 = arith.truncf %concatenate3A_42 : vector<8192x128xf32> to vector<8192x128xbf16>
    %get3A_44 = arith.constant 0 : index
    %get3A_45 = arith.constant 0 : index
    %get3A_46 = vector.load %arg5[%get3A_44, %get3A_45] : memref<128x128xbf16, #tpu.memory_space<vmem>>, vector<128x128xbf16>
    %dot_general3A_47 = arith.constant dense<0.000000e+00> : vector<8192x128xf32>
    %dot_general3A_48 = tpu.matmul %convert_element_type3A_43, %get3A_46, %dot_general3A_47 {dimension_numbers = #tpu.dot_dimension_numbers<[1], [0], [0], [1], [0, 0, 1, 1], [], []>, transpose_lhs_hint = false} : vector<8192x128xbf16>, vector<128x128xbf16>, vector<8192x128xf32> -> vector<8192x128xf32>
    %get3A_49 = arith.constant 0 : index
    %get3A_50 = arith.constant 0 : index
    %get3A_51 = vector.load %arg6[%get3A_49, %get3A_50] : memref<128x128xbf16, #tpu.memory_space<vmem>>, vector<128x128xbf16>
    %dot_general3A_52 = arith.constant dense<0.000000e+00> : vector<8192x128xf32>
    %dot_general3A_53 = tpu.matmul %convert_element_type3A_43, %get3A_51, %dot_general3A_52 {dimension_numbers = #tpu.dot_dimension_numbers<[1], [0], [0], [1], [0, 0, 1, 1], [], []>, transpose_lhs_hint = false} : vector<8192x128xbf16>, vector<128x128xbf16>, vector<8192x128xf32> -> vector<8192x128xf32>
    %get3A_54 = arith.constant 0 : index
    %get3A_55 = arith.constant 0 : index
    %get3A_56 = vector.load %arg2[%get3A_54, %get3A_55] : memref<512x128xf32, #tpu.memory_space<vmem>>, vector<512x128xf32>
    %broadcast_in_dim3A_57 = vector.shape_cast %get3A_56 : vector<512x128xf32> to vector<512x1x128xf32>
    %broadcast_in_dim3A_58 = vector.shape_cast %broadcast_in_dim3A_57 : vector<512x1x128xf32> to vector<512x1x128xf32>
    %broadcast_in_dim3A_59 = vector.broadcast %broadcast_in_dim3A_58 : vector<512x1x128xf32> to vector<512x16x128xf32>
    %reshape3A_60 = vector.shape_cast %broadcast_in_dim3A_59 : vector<512x16x128xf32> to vector<8192x128xf32>
    %add3A_61 = arith.addf %dot_general3A_48, %add3A_39 : vector<8192x128xf32>
    %mul3A_62 = arith.mulf %add3A_61, %reshape3A_60 : vector<8192x128xf32>
    %get3A_63 = arith.constant 0 : index
    %get3A_64 = arith.constant 0 : index
    %get3A_65 = vector.load %arg11[%get3A_63, %get3A_64] : memref<128x4xf32, #tpu.memory_space<vmem>>, vector<128x4xf32>
    %dot_general3A_66 = arith.constant dense<0.000000e+00> : vector<8192x4xf32>
    %dot_general3A_67 = tpu.matmul %mul3A_62, %get3A_65, %dot_general3A_66 {dimension_numbers = #tpu.dot_dimension_numbers<[1], [0], [0], [1], [0, 0, 1, 1], [], []>, transpose_lhs_hint = false} : vector<8192x128xf32>, vector<128x4xf32>, vector<8192x4xf32> -> vector<8192x4xf32>
    %reshape3A_68 = vector.shape_cast %dot_general3A_67 : vector<8192x4xf32> to vector<512x16x4xf32>
    %reduce_max3A = arith.constant dense<0xFF800000> : vector<512x4xf32>
    %reduce_max3A_69 = vector.multi_reduction <maximumf>, %reshape3A_68, %reduce_max3A [1] : vector<512x16x4xf32> to vector<512x4xf32>
    %broadcast_in_dim3A_70 = vector.shape_cast %reduce_max3A_69 : vector<512x4xf32> to vector<512x1x4xf32>
    %sub3A_71 = vector.broadcast %broadcast_in_dim3A_70 : vector<512x1x4xf32> to vector<512x16x4xf32>
    %sub3A_72 = arith.subf %reshape3A_68, %sub3A_71 : vector<512x16x4xf32>
    %exp3A = math.exp %sub3A_72 : vector<512x16x4xf32>
    %reduce_sum3A = arith.constant dense<0.000000e+00> : vector<512x4xf32>
    %reduce_sum3A_73 = vector.multi_reduction <add>, %exp3A, %reduce_sum3A [1] : vector<512x16x4xf32> to vector<512x4xf32>
    %broadcast_in_dim3A_74 = vector.shape_cast %reduce_sum3A_73 : vector<512x4xf32> to vector<512x1x4xf32>
    %div3A = vector.broadcast %broadcast_in_dim3A_74 : vector<512x1x4xf32> to vector<512x16x4xf32>
    %div3A_75 = arith.divf %exp3A, %div3A : vector<512x16x4xf32>
    %reshape3A_76 = vector.shape_cast %div3A_75 : vector<512x16x4xf32> to vector<8192x4xf32>
    %get3A_77 = arith.constant 0 : index
    %get3A_78 = arith.constant 0 : index
    %get3A_79 = vector.load %arg12[%get3A_77, %get3A_78] : memref<4x128xf32, #tpu.memory_space<vmem>>, vector<4x128xf32>
    %dot_general3A_80 = arith.constant dense<0.000000e+00> : vector<8192x128xf32>
    %dot_general3A_81 = tpu.matmul %reshape3A_76, %get3A_79, %dot_general3A_80 {dimension_numbers = #tpu.dot_dimension_numbers<[1], [0], [0], [1], [0, 0, 1, 1], [], []>, transpose_lhs_hint = false} : vector<8192x4xf32>, vector<4x128xf32>, vector<8192x128xf32> -> vector<8192x128xf32>
    %add3A_82 = arith.addf %dot_general3A_53, %add3A_39 : vector<8192x128xf32>
    %mul3A_83 = arith.mulf %dot_general3A_81, %add3A_82 : vector<8192x128xf32>
    %reshape3A_84 = vector.shape_cast %mul3A_83 : vector<8192x128xf32> to vector<512x16x128xf32>
    %reduce_sum3A_85 = arith.constant dense<0.000000e+00> : vector<512x128xf32>
    %reduce_sum3A_86 = vector.multi_reduction <add>, %reshape3A_84, %reduce_sum3A_85 [1] : vector<512x16x128xf32> to vector<512x128xf32>
    %convert_element_type3A_87 = arith.truncf %reduce_sum3A_86 : vector<512x128xf32> to vector<512x128xbf16>
    %get3A_88 = arith.constant 0 : index
    %get3A_89 = arith.constant 0 : index
    %get3A_90 = vector.load %arg13[%get3A_88, %get3A_89] : memref<128x128xbf16, #tpu.memory_space<vmem>>, vector<128x128xbf16>
    %dot_general3A_91 = arith.constant dense<0.000000e+00> : vector<512x128xf32>
    %dot_general3A_92 = tpu.matmul %convert_element_type3A_87, %get3A_90, %dot_general3A_91 {dimension_numbers = #tpu.dot_dimension_numbers<[1], [0], [0], [1], [0, 0, 1, 1], [], []>, transpose_lhs_hint = false} : vector<512x128xbf16>, vector<128x128xbf16>, vector<512x128xf32> -> vector<512x128xf32>
    %get3A_93 = arith.constant 0 : index
    %get3A_94 = arith.constant 0 : index
    %get3A_95 = vector.load %arg1[%get3A_93, %get3A_94] : memref<512x128xf32, #tpu.memory_space<vmem>>, vector<512x128xf32>
    %add3A_96 = arith.addf %get3A_95, %dot_general3A_92 : vector<512x128xf32>
    %get3A_97 = arith.constant 0 : index
    %get3A_98 = arith.constant 0 : index
    %get3A_99 = vector.load %arg14[%get3A_97, %get3A_98] : memref<1x128xf32, #tpu.memory_space<vmem>>, vector<1x128xf32>
    %add3A_100 = vector.broadcast %get3A_99 : vector<1x128xf32> to vector<512x128xf32>
    %add3A_101 = arith.addf %add3A_96, %add3A_100 : vector<512x128xf32>
    %get3A_102 = arith.constant 0 : index
    %get3A_103 = arith.constant 0 : index
    %get3A_104 = vector.load %arg15[%get3A_102, %get3A_103] : memref<1x128xf32, #tpu.memory_space<vmem>>, vector<1x128xf32>
    %get3A_105 = arith.constant 0 : index
    %get3A_106 = arith.constant 0 : index
    %get3A_107 = vector.load %arg16[%get3A_105, %get3A_106] : memref<1x128xf32, #tpu.memory_space<vmem>>, vector<1x128xf32>
    %reduce_sum3A_108 = arith.constant dense<0.000000e+00> : vector<512xf32>
    %reduce_sum3A_109 = vector.multi_reduction <add>, %add3A_101, %reduce_sum3A_108 [1] : vector<512x128xf32> to vector<512xf32>
    %broadcast_in_dim3A_110 = vector.shape_cast %reduce_sum3A_109 : vector<512xf32> to vector<512x1xf32>
    %div3A_111 = arith.constant 1.280000e+02 : f32
    %div3A_112 = vector.broadcast %div3A_111 : f32 to vector<512x1xf32>
    %div3A_113 = arith.divf %broadcast_in_dim3A_110, %div3A_112 : vector<512x1xf32>
    %sub3A_114 = vector.broadcast %div3A_113 : vector<512x1xf32> to vector<512x128xf32>
    %sub3A_115 = arith.subf %add3A_101, %sub3A_114 : vector<512x128xf32>
    %integer_pow3A = arith.mulf %sub3A_115, %sub3A_115 : vector<512x128xf32>
    %reduce_sum3A_116 = arith.constant dense<0.000000e+00> : vector<512xf32>
    %reduce_sum3A_117 = vector.multi_reduction <add>, %integer_pow3A, %reduce_sum3A_116 [1] : vector<512x128xf32> to vector<512xf32>
    %broadcast_in_dim3A_118 = vector.shape_cast %reduce_sum3A_117 : vector<512xf32> to vector<512x1xf32>
    %div3A_119 = arith.constant 1.280000e+02 : f32
    %div3A_120 = vector.broadcast %div3A_119 : f32 to vector<512x1xf32>
    %div3A_121 = arith.divf %broadcast_in_dim3A_118, %div3A_120 : vector<512x1xf32>
    %sub3A_122 = vector.broadcast %div3A_113 : vector<512x1xf32> to vector<512x128xf32>
    %sub3A_123 = arith.subf %add3A_101, %sub3A_122 : vector<512x128xf32>
    %add3A_124 = arith.constant 9.99999974E-6 : f32
    %add3A_125 = vector.broadcast %add3A_124 : f32 to vector<512x1xf32>
    %add3A_126 = arith.addf %div3A_121, %add3A_125 : vector<512x1xf32>
    %sqrt3A = math.sqrt %add3A_126 : vector<512x1xf32>
    %div3A_127 = vector.broadcast %sqrt3A : vector<512x1xf32> to vector<512x128xf32>
    %div3A_128 = arith.divf %sub3A_123, %div3A_127 : vector<512x128xf32>
    %mul3A_129 = vector.broadcast %get3A_104 : vector<1x128xf32> to vector<512x128xf32>
    %mul3A_130 = arith.mulf %div3A_128, %mul3A_129 : vector<512x128xf32>
    %add3A_131 = vector.broadcast %get3A_107 : vector<1x128xf32> to vector<512x128xf32>
    %add3A_132 = arith.addf %mul3A_130, %add3A_131 : vector<512x128xf32>
    %convert_element_type3A_133 = arith.truncf %add3A_132 : vector<512x128xf32> to vector<512x128xbf16>
    %get3A_134 = arith.constant 0 : index
    %get3A_135 = arith.constant 0 : index
    %get3A_136 = vector.load %arg17[%get3A_134, %get3A_135] : memref<128x512xbf16, #tpu.memory_space<vmem>>, vector<128x512xbf16>
    %dot_general3A_137 = arith.constant dense<0.000000e+00> : vector<512x512xf32>
    %dot_general3A_138 = tpu.matmul %convert_element_type3A_133, %get3A_136, %dot_general3A_137 {dimension_numbers = #tpu.dot_dimension_numbers<[1], [0], [0], [1], [0, 0, 1, 1], [], []>, transpose_lhs_hint = false} : vector<512x128xbf16>, vector<128x512xbf16>, vector<512x512xf32> -> vector<512x512xf32>
    %get3A_139 = arith.constant 0 : index
    %get3A_140 = arith.constant 0 : index
    %get3A_141 = vector.load %arg18[%get3A_139, %get3A_140] : memref<1x512xf32, #tpu.memory_space<vmem>>, vector<1x512xf32>
    %add3A_142 = vector.broadcast %get3A_141 : vector<1x512xf32> to vector<512x512xf32>
    %add3A_143 = arith.addf %dot_general3A_138, %add3A_142 : vector<512x512xf32>
    %mul3A_144 = arith.constant 5.000000e-01 : f32
    %mul3A_145 = vector.broadcast %mul3A_144 : f32 to vector<512x512xf32>
    %mul3A_146 = arith.mulf %mul3A_145, %add3A_143 : vector<512x512xf32>
    %mul3A_147 = arith.constant 0.707106769 : f32
    %mul3A_148 = vector.broadcast %mul3A_147 : f32 to vector<512x512xf32>
    %mul3A_149 = arith.mulf %add3A_143, %mul3A_148 : vector<512x512xf32>
    %erf3A_150 = math.erf %mul3A_149 : vector<512x512xf32>
    %add3A_151 = arith.constant 1.000000e+00 : f32
    %add3A_152 = vector.broadcast %add3A_151 : f32 to vector<512x512xf32>
    %add3A_153 = arith.addf %add3A_152, %erf3A_150 : vector<512x512xf32>
    %mul3A_154 = arith.mulf %mul3A_146, %add3A_153 : vector<512x512xf32>
    %convert_element_type3A_155 = arith.truncf %mul3A_154 : vector<512x512xf32> to vector<512x512xbf16>
    %get3A_156 = arith.constant 0 : index
    %get3A_157 = arith.constant 0 : index
    %get3A_158 = vector.load %arg19[%get3A_156, %get3A_157] : memref<512x128xbf16, #tpu.memory_space<vmem>>, vector<512x128xbf16>
    %dot_general3A_159 = arith.constant dense<0.000000e+00> : vector<512x128xf32>
    %dot_general3A_160 = tpu.matmul %convert_element_type3A_155, %get3A_158, %dot_general3A_159 {dimension_numbers = #tpu.dot_dimension_numbers<[1], [0], [0], [1], [0, 0, 1, 1], [], []>, transpose_lhs_hint = false} : vector<512x512xbf16>, vector<512x128xbf16>, vector<512x128xf32> -> vector<512x128xf32>
    %add3A_161 = arith.addf %add3A_101, %dot_general3A_160 : vector<512x128xf32>
    %get3A_162 = arith.constant 0 : index
    %get3A_163 = arith.constant 0 : index
    %get3A_164 = vector.load %arg20[%get3A_162, %get3A_163] : memref<1x128xf32, #tpu.memory_space<vmem>>, vector<1x128xf32>
    %add3A_165 = vector.broadcast %get3A_164 : vector<1x128xf32> to vector<512x128xf32>
    %add3A_166 = arith.addf %add3A_161, %add3A_165 : vector<512x128xf32>
    %swap3A = arith.constant 0 : index
    %swap3A_167 = arith.constant 0 : index
    %swap3A_168 = vector.load %arg21[%swap3A, %swap3A_167] : memref<512x128xf32, #tpu.memory_space<vmem>>, vector<512x128xf32>
    tpu.vector_store %arg21[%swap3A, %swap3A_167], %add3A_166 {strides = array<i32>} : memref<512x128xf32, #tpu.memory_space<vmem>>, vector<512x128xf32>,
    return
  }
  func.func @transform_0(%arg0: i32) -> (i32, i32) {
    %add3A = arith.constant 16 : i32
    %add3A_0 = arith.addi %arg0, %add3A : i32
    %c0_i32 = arith.constant 0 : i32
    %c0_i32_1 = arith.constant 0 : i32
    return %add3A_0, %c0_i32 : i32, i32
  }
  func.func @transform_1(%arg0: i32) -> (i32, i32) {
    %add3A = arith.constant 16 : i32
    %add3A_0 = arith.addi %arg0, %add3A : i32
    %c0_i32 = arith.constant 0 : i32
    %c0_i32_1 = arith.constant 0 : i32
    return %add3A_0, %c0_i32 : i32, i32
  }
  func.func @transform_2(%arg0: i32) -> (i32, i32) {
    %add3A = arith.constant 16 : i32
    %add3A_0 = arith.addi %arg0, %add3A : i32
    %c0_i32 = arith.constant 0 : i32
    %c0_i32_1 = arith.constant 0 : i32
    return %add3A_0, %c0_i32 : i32, i32
  }
  func.func @transform_3(%arg0: i32) -> (i32, i32) {
    %c0_i32 = arith.constant 0 : i32
    %c0_i32_0 = arith.constant 0 : i32
    return %arg0, %c0_i32 : i32, i32
  }
  func.func @transform_4(%arg0: i32) -> (i32, i32) {
    %c0_i32 = arith.constant 0 : i32
    %c0_i32_0 = arith.constant 0 : i32
    %c0_i32_1 = arith.constant 0 : i32
    return %c0_i32, %c0_i32_0 : i32, i32
  }
  func.func @transform_5(%arg0: i32) -> (i32, i32) {
    %c0_i32 = arith.constant 0 : i32
    %c0_i32_0 = arith.constant 0 : i32
    %c0_i32_1 = arith.constant 0 : i32
    return %c0_i32, %c0_i32_0 : i32, i32
  }
  func.func @transform_6(%arg0: i32) -> (i32, i32) {
    %c0_i32 = arith.constant 0 : i32
    %c0_i32_0 = arith.constant 0 : i32
    %c0_i32_1 = arith.constant 0 : i32
    return %c0_i32, %c0_i32_0 : i32, i32
  }
  func.func @transform_7(%arg0: i32) -> (i32, i32) {
    %c0_i32 = arith.constant 0 : i32
    %c0_i32_0 = arith.constant 0 : i32
    %c0_i32_1 = arith.constant 0 : i32
    return %c0_i32, %c0_i32_0 : i32, i32
  }
  func.func @transform_8(%arg0: i32) -> (i32, i32) {
    %c0_i32 = arith.constant 0 : i32
    %c0_i32_0 = arith.constant 0 : i32
    %c0_i32_1 = arith.constant 0 : i32
    return %c0_i32, %c0_i32_0 : i32, i32
  }
  func.func @transform_9(%arg0: i32) -> (i32, i32) {
    %c0_i32 = arith.constant 0 : i32
    %c0_i32_0 = arith.constant 0 : i32
    %c0_i32_1 = arith.constant 0 : i32
    return %c0_i32, %c0_i32_0 : i32, i32
  }
  func.func @transform_10(%arg0: i32) -> (i32, i32) {
    %c0_i32 = arith.constant 0 : i32
    %c0_i32_0 = arith.constant 0 : i32
    %c0_i32_1 = arith.constant 0 : i32
    return %c0_i32, %c0_i32_0 : i32, i32
  }
  func.func @transform_11(%arg0: i32) -> (i32, i32) {
    %c0_i32 = arith.constant 0 : i32
    %c0_i32_0 = arith.constant 0 : i32
    %c0_i32_1 = arith.constant 0 : i32
    return %c0_i32, %c0_i32_0 : i32, i32
  }
  func.func @transform_12(%arg0: i32) -> (i32, i32) {
    %c0_i32 = arith.constant 0 : i32
    %c0_i32_0 = arith.constant 0 : i32
    %c0_i32_1 = arith.constant 0 : i32
    return %c0_i32, %c0_i32_0 : i32, i32
  }
  func.func @transform_13(%arg0: i32) -> (i32, i32) {
    %c0_i32 = arith.constant 0 : i32
    %c0_i32_0 = arith.constant 0 : i32
    %c0_i32_1 = arith.constant 0 : i32
    return %c0_i32, %c0_i32_0 : i32, i32
  }
  func.func @transform_14(%arg0: i32) -> (i32, i32) {
    %c0_i32 = arith.constant 0 : i32
    %c0_i32_0 = arith.constant 0 : i32
    %c0_i32_1 = arith.constant 0 : i32
    return %c0_i32, %c0_i32_0 : i32, i32
  }
  func.func @transform_15(%arg0: i32) -> (i32, i32) {
    %c0_i32 = arith.constant 0 : i32
    %c0_i32_0 = arith.constant 0 : i32
    %c0_i32_1 = arith.constant 0 : i32
    return %c0_i32, %c0_i32_0 : i32, i32
  }
  func.func @transform_16(%arg0: i32) -> (i32, i32) {
    %c0_i32 = arith.constant 0 : i32
    %c0_i32_0 = arith.constant 0 : i32
    %c0_i32_1 = arith.constant 0 : i32
    return %c0_i32, %c0_i32_0 : i32, i32
  }
  func.func @transform_17(%arg0: i32) -> (i32, i32) {
    %c0_i32 = arith.constant 0 : i32
    %c0_i32_0 = arith.constant 0 : i32
    %c0_i32_1 = arith.constant 0 : i32
    return %c0_i32, %c0_i32_0 : i32, i32
  }
  func.func @transform_18(%arg0: i32) -> (i32, i32) {
    %c0_i32 = arith.constant 0 : i32
    %c0_i32_0 = arith.constant 0 : i32
    %c0_i32_1 = arith.constant 0 : i32
    return %c0_i32, %c0_i32_0 : i32, i32
  }
  func.func @transform_19(%arg0: i32) -> (i32, i32) {
    %c0_i32 = arith.constant 0 : i32
    %c0_i32_0 = arith.constant 0 : i32
    %c0_i32_1 = arith.constant 0 : i32
    return %c0_i32, %c0_i32_0 : i32, i32
  }
  func.func @transform_20(%arg0: i32) -> (i32, i32) {
    %c0_i32 = arith.constant 0 : i32
    %c0_i32_0 = arith.constant 0 : i32
    return %arg0, %c0_i32 : i32, i32
  }
}

module attributes {stable_mosaic.version = 14 : i64} {
  func.func @_attn_body(%arg0: i32, %arg1: memref<512x128xf32, #tpu.memory_space<vmem>>, %arg2: memref<512x128xf32, #tpu.memory_space<vmem>>, %arg3: memref<512x8xf32, #tpu.memory_space<vmem>>, %arg4: memref<8192x128xi32, #tpu.memory_space<vmem>>, %arg5: memref<128x128xbf16, #tpu.memory_space<vmem>>, %arg6: memref<128x128xbf16, #tpu.memory_space<vmem>>, %arg7: memref<8x32xf32, #tpu.memory_space<vmem>>, %arg8: memref<1x32xf32, #tpu.memory_space<vmem>>, %arg9: memref<32x128xbf16, #tpu.memory_space<vmem>>, %arg10: memref<1x128xf32, #tpu.memory_space<vmem>>, %arg11: memref<128x4xf32, #tpu.memory_space<vmem>>, %arg12: memref<4x128xf32, #tpu.memory_space<vmem>>, %arg13: memref<128x128xbf16, #tpu.memory_space<vmem>>, %arg14: memref<1x128xf32, #tpu.memory_space<vmem>>, %arg15: memref<1x128xf32, #tpu.memory_space<vmem>>, %arg16: memref<1x128xf32, #tpu.memory_space<vmem>>, %arg17: memref<128x512xbf16, #tpu.memory_space<vmem>>, %arg18: memref<1x512xf32, #tpu.memory_space<vmem>>, %arg19: memref<512x128xbf16, #tpu.memory_space<vmem>>, %arg20: memref<1x128xf32, #tpu.memory_space<vmem>>, %arg21: memref<512x128xf32, #tpu.memory_space<vmem>>) attributes {dimension_semantics = [#tpu.dimension_semantics<arbitrary>], iteration_bounds = array<i64: 16>, scalar_prefetch = 0 : i64, scratch_operands = 0 : i64, tpu.core_type = #tpu.core_type<tc>, window_params = [{transform_indices = @transform_0, window_bounds = array<i64: 512, 128>}, {transform_indices = @transform_1, window_bounds = array<i64: 512, 128>}, {transform_indices = @transform_2, window_bounds = array<i64: 512, 8>}, {transform_indices = @transform_3, window_bounds = array<i64: 8192, 128>}, {pipeline_mode = #tpu.pipeline_mode<synchronous>, transform_indices = @transform_4, window_bounds = array<i64: 128, 128>}, {pipeline_mode = #tpu.pipeline_mode<synchronous>, transform_indices = @transform_5, window_bounds = array<i64: 128, 128>}, {pipeline_mode = #tpu.pipeline_mode<synchronous>, transform_indices = @transform_6, window_bounds = array<i64: 8, 32>}, {pipeline_mode = #tpu.pipeline_mode<synchronous>, transform_indices = @transform_7, window_bounds = array<i64: 1, 32>}, {pipeline_mode = #tpu.pipeline_mode<synchronous>, transform_indices = @transform_8, window_bounds = array<i64: 32, 128>}, {pipeline_mode = #tpu.pipeline_mode<synchronous>, transform_indices = @transform_9, window_bounds = array<i64: 1, 128>}, {pipeline_mode = #tpu.pipeline_mode<synchronous>, transform_indices = @transform_10, window_bounds = array<i64: 128, 4>}, {pipeline_mode = #tpu.pipeline_mode<synchronous>, transform_indices = @transform_11, window_bounds = array<i64: 4, 128>}, {pipeline_mode = #tpu.pipeline_mode<synchronous>, transform_indices = @transform_12, window_bounds = array<i64: 128, 128>}, {pipeline_mode = #tpu.pipeline_mode<synchronous>, transform_indices = @transform_13, window_bounds = array<i64: 1, 128>}, {pipeline_mode = #tpu.pipeline_mode<synchronous>, transform_indices = @transform_14, window_bounds = array<i64: 1, 128>}, {pipeline_mode = #tpu.pipeline_mode<synchronous>, transform_indices = @transform_15, window_bounds = array<i64: 1, 128>}, {pipeline_mode = #tpu.pipeline_mode<synchronous>, transform_indices = @transform_16, window_bounds = array<i64: 128, 512>}, {pipeline_mode = #tpu.pipeline_mode<synchronous>, transform_indices = @transform_17, window_bounds = array<i64: 1, 512>}, {pipeline_mode = #tpu.pipeline_mode<synchronous>, transform_indices = @transform_18, window_bounds = array<i64: 512, 128>}, {pipeline_mode = #tpu.pipeline_mode<synchronous>, transform_indices = @transform_19, window_bounds = array<i64: 1, 128>}, {transform_indices = @transform_20, window_bounds = array<i64: 512, 128>}]} {
    %get3A = arith.constant 0 : index
    %get3A_0 = arith.constant 0 : index
    %get3A_1 = vector.load %arg4[%get3A, %get3A_0] : memref<8192x128xi32, #tpu.memory_space<vmem>>, vector<8192x128xi32>
    %shift_left3A = arith.constant 16 : i32
    %shift_left3A_2 = vector.broadcast %shift_left3A : i32 to vector<8192x128xi32>
    %shift_left3A_3 = arith.shli %get3A_1, %shift_left3A_2 : vector<8192x128xi32>
    %bitcast_convert_type3A = tpu.bitcast %shift_left3A_3 : vector<8192x128xi32> -> vector<8192x128xf32>
    %and3A = arith.constant -65536 : i32
    %and3A_4 = vector.broadcast %and3A : i32 to vector<8192x128xi32>
    %and3A_5 = arith.andi %get3A_1, %and3A_4 : vector<8192x128xi32>
    %bitcast_convert_type3A_6 = tpu.bitcast %and3A_5 : vector<8192x128xi32> -> vector<8192x128xf32>
    %get3A_7 = arith.constant 0 : index
    %get3A_8 = arith.constant 0 : index
    %get3A_9 = vector.load %arg3[%get3A_7, %get3A_8] : memref<512x8xf32, #tpu.memory_space<vmem>>, vector<512x8xf32>
    %slice3A = vector.extract_strided_slice %bitcast_convert_type3A {offsets = [0, 64], sizes = [8192, 4], strides = [1, 1]} : vector<8192x128xf32> to vector<8192x4xf32>
    %slice3A_10 = vector.extract_strided_slice %bitcast_convert_type3A_6 {offsets = [0, 64], sizes = [8192, 4], strides = [1, 1]} : vector<8192x128xf32> to vector<8192x4xf32>
    %concatenate3A = tpu.concatenate %slice3A, %slice3A_10 in 1 : vector<8192x4xf32>, vector<8192x4xf32> -> vector<8192x8xf32>
    %broadcast_in_dim3A = vector.shape_cast %get3A_9 : vector<512x8xf32> to vector<512x1x8xf32>
    %broadcast_in_dim3A_11 = vector.shape_cast %broadcast_in_dim3A : vector<512x1x8xf32> to vector<512x1x8xf32>
    %broadcast_in_dim3A_12 = vector.broadcast %broadcast_in_dim3A_11 : vector<512x1x8xf32> to vector<512x16x8xf32>
    %reshape3A = vector.shape_cast %broadcast_in_dim3A_12 : vector<512x16x8xf32> to vector<8192x8xf32>
    %sub3A = arith.subf %reshape3A, %concatenate3A : vector<8192x8xf32>
    %get3A_13 = arith.constant 0 : index
    %get3A_14 = arith.constant 0 : index
    %get3A_15 = vector.load %arg7[%get3A_13, %get3A_14] : memref<8x32xf32, #tpu.memory_space<vmem>>, vector<8x32xf32>
    %dot_general3A = arith.constant dense<0.000000e+00> : vector<8192x32xf32>
    %dot_general3A_16 = tpu.matmul %sub3A, %get3A_15, %dot_general3A {dimension_numbers = #tpu.dot_dimension_numbers<[1], [0], [0], [1], [0, 0, 1, 1], [], []>, transpose_lhs_hint = false} : vector<8192x8xf32>, vector<8x32xf32>, vector<8192x32xf32> -> vector<8192x32xf32>
    %get3A_17 = arith.constant 0 : index
    %get3A_18 = arith.constant 0 : index
    %get3A_19 = vector.load %arg8[%get3A_17, %get3A_18] : memref<1x32xf32, #tpu.memory_space<vmem>>, vector<1x32xf32>
    %add3A = vector.broadcast %get3A_19 : vector<1x32xf32> to vector<8192x32xf32>
    %add3A_20 = arith.addf %dot_general3A_16, %add3A : vector<8192x32xf32>
    %mul3A = arith.constant 5.000000e-01 : f32
    %mul3A_21 = vector.broadcast %mul3A : f32 to vector<8192x32xf32>
    %mul3A_22 = arith.mulf %mul3A_21, %add3A_20 : vector<8192x32xf32>
    %mul3A_23 = arith.constant 0.707106769 : f32
    %mul3A_24 = vector.broadcast %mul3A_23 : f32 to vector<8192x32xf32>
    %mul3A_25 = arith.mulf %add3A_20, %mul3A_24 : vector<8192x32xf32>
    %erf3A = math.erf %mul3A_25 : vector<8192x32xf32>
    %add3A_26 = arith.constant 1.000000e+00 : f32
    %add3A_27 = vector.broadcast %add3A_26 : f32 to vector<8192x32xf32>
    %add3A_28 = arith.addf %add3A_27, %erf3A : vector<8192x32xf32>
    %mul3A_29 = arith.mulf %mul3A_22, %add3A_28 : vector<8192x32xf32>
    %convert_element_type3A = arith.truncf %mul3A_29 : vector<8192x32xf32> to vector<8192x32xbf16>
    %get3A_30 = arith.constant 0 : index
    %get3A_31 = arith.constant 0 : index
    %get3A_32 = vector.load %arg9[%get3A_30, %get3A_31] : memref<32x128xbf16, #tpu.memory_space<vmem>>, vector<32x128xbf16>
    %dot_general3A_33 = arith.constant dense<0.000000e+00> : vector<8192x128xf32>
    %dot_general3A_34 = tpu.matmul %convert_element_type3A, %get3A_32, %dot_general3A_33 {dimension_numbers = #tpu.dot_dimension_numbers<[1], [0], [0], [1], [0, 0, 1, 1], [], []>, transpose_lhs_hint = false} : vector<8192x32xbf16>, vector<32x128xbf16>, vector<8192x128xf32> -> vector<8192x128xf32>
    %get3A_35 = arith.constant 0 : index
    %get3A_36 = arith.constant 0 : index
    %get3A_37 = vector.load %arg10[%get3A_35, %get3A_36] : memref<1x128xf32, #tpu.memory_space<vmem>>, vector<1x128xf32>
    %add3A_38 = vector.broadcast %get3A_37 : vector<1x128xf32> to vector<8192x128xf32>
    %add3A_39 = arith.addf %dot_general3A_34, %add3A_38 : vector<8192x128xf32>
    %slice3A_40 = vector.extract_strided_slice %bitcast_convert_type3A {offsets = [0, 0], sizes = [8192, 64], strides = [1, 1]} : vector<8192x128xf32> to vector<8192x64xf32>
    %slice3A_41 = vector.extract_strided_slice %bitcast_convert_type3A_6 {offsets = [0, 0], sizes = [8192, 64], strides = [1, 1]} : vector<8192x128xf32> to vector<8192x64xf32>
    %concatenate3A_42 = tpu.concatenate %slice3A_40, %slice3A_41 in 1 : vector<8192x64xf32>, vector<8192x64xf32> -> vector<8192x128xf32>
    %convert_element_type3A_43 = arith.truncf %concatenate3A_42 : vector<8192x128xf32> to vector<8192x128xbf16>
    %get3A_44 = arith.constant 0 : index
    %get3A_45 = arith.constant 0 : index
    %get3A_46 = vector.load %arg5[%get3A_44, %get3A_45] : memref<128x128xbf16, #tpu.memory_space<vmem>>, vector<128x128xbf16>
    %dot_general3A_47 = arith.constant dense<0.000000e+00> : vector<8192x128xf32>
    %dot_general3A_48 = tpu.matmul %convert_element_type3A_43, %get3A_46, %dot_general3A_47 {dimension_numbers = #tpu.dot_dimension_numbers<[1], [0], [0], [1], [0, 0, 1, 1], [], []>, transpose_lhs_hint = false} : vector<8192x128xbf16>, vector<128x128xbf16>, vector<8192x128xf32> -> vector<8192x128xf32>
    %get3A_49 = arith.constant 0 : index
    %get3A_50 = arith.constant 0 : index
    %get3A_51 = vector.load %arg6[%get3A_49, %get3A_50] : memref<128x128xbf16, #tpu.memory_space<vmem>>, vector<128x128xbf16>
    %dot_general3A_52 = arith.constant dense<0.000000e+00> : vector<8192x128xf32>
    %dot_general3A_53 = tpu.matmul %convert_element_type3A_43, %get3A_51, %dot_general3A_52 {dimension_numbers = #tpu.dot_dimension_numbers<[1], [0], [0], [1], [0, 0, 1, 1], [], []>, transpose_lhs_hint = false} : vector<8192x128xbf16>, vector<128x128xbf16>, vector<8192x128xf32> -> vector<8192x128xf32>
    %get3A_54 = arith.constant 0 : index
    %get3A_55 = arith.constant 0 : index
    %get3A_56 = vector.load %arg2[%get3A_54, %get3A_55] : memref<512x128xf32, #tpu.memory_space<vmem>>, vector<512x128xf32>
    %broadcast_in_dim3A_57 = vector.shape_cast %get3A_56 : vector<512x128xf32> to vector<512x1x128xf32>
    %broadcast_in_dim3A_58 = vector.shape_cast %broadcast_in_dim3A_57 : vector<512x1x128xf32> to vector<512x1x128xf32>
    %broadcast_in_dim3A_59 = vector.broadcast %broadcast_in_dim3A_58 : vector<512x1x128xf32> to vector<512x16x128xf32>
    %reshape3A_60 = vector.shape_cast %broadcast_in_dim3A_59 : vector<512x16x128xf32> to vector<8192x128xf32>
    %add3A_61 = arith.addf %dot_general3A_48, %add3A_39 : vector<8192x128xf32>
    %mul3A_62 = arith.mulf %add3A_61, %reshape3A_60 : vector<8192x128xf32>
    %get3A_63 = arith.constant 0 : index
    %get3A_64 = arith.constant 0 : index
    %get3A_65 = vector.load %arg11[%get3A_63, %get3A_64] : memref<128x4xf32, #tpu.memory_space<vmem>>, vector<128x4xf32>
    %dot_general3A_66 = arith.constant dense<0.000000e+00> : vector<8192x4xf32>
    %dot_general3A_67 = tpu.matmul %mul3A_62, %get3A_65, %dot_general3A_66 {dimension_numbers = #tpu.dot_dimension_numbers<[1], [0], [0], [1], [0, 0, 1, 1], [], []>, transpose_lhs_hint = false} : vector<8192x128xf32>, vector<128x4xf32>, vector<8192x4xf32> -> vector<8192x4xf32>
    %reshape3A_68 = vector.shape_cast %dot_general3A_67 : vector<8192x4xf32> to vector<512x16x4xf32>
    %reduce_max3A = arith.constant dense<0xFF800000> : vector<512x4xf32>
    %reduce_max3A_69 = vector.multi_reduction <maximumf>, %reshape3A_68, %reduce_max3A [1] : vector<512x16x4xf32> to vector<512x4xf32>
    %broadcast_in_dim3A_70 = vector.shape_cast %reduce_max3A_69 : vector<512x4xf32> to vector<512x1x4xf32>
    %sub3A_71 = vector.broadcast %broadcast_in_dim3A_70 : vector<512x1x4xf32> to vector<512x16x4xf32>
    %sub3A_72 = arith.subf %reshape3A_68, %sub3A_71 : vector<512x16x4xf32>
    %exp3A = math.exp %sub3A_72 : vector<512x16x4xf32>
    %reduce_sum3A = arith.constant dense<0.000000e+00> : vector<512x4xf32>
    %reduce_sum3A_73 = vector.multi_reduction <add>, %exp3A, %reduce_sum3A [1] : vector<512x16x4xf32> to vector<512x4xf32>
    %broadcast_in_dim3A_74 = vector.shape_cast %reduce_sum3A_73 : vector<512x4xf32> to vector<512x1x4xf32>
    %div3A = vector.broadcast %broadcast_in_dim3A_74 : vector<512x1x4xf32> to vector<512x16x4xf32>
    %div3A_75 = arith.divf %exp3A, %div3A : vector<512x16x4xf32>
    %reshape3A_76 = vector.shape_cast %div3A_75 : vector<512x16x4xf32> to vector<8192x4xf32>
    %get3A_77 = arith.constant 0 : index
    %get3A_78 = arith.constant 0 : index
    %get3A_79 = vector.load %arg12[%get3A_77, %get3A_78] : memref<4x128xf32, #tpu.memory_space<vmem>>, vector<4x128xf32>
    %dot_general3A_80 = arith.constant dense<0.000000e+00> : vector<8192x128xf32>
    %dot_general3A_81 = tpu.matmul %reshape3A_76, %get3A_79, %dot_general3A_80 {dimension_numbers = #tpu.dot_dimension_numbers<[1], [0], [0], [1], [0, 0, 1, 1], [], []>, transpose_lhs_hint = false} : vector<8192x4xf32>, vector<4x128xf32>, vector<8192x128xf32> -> vector<8192x128xf32>
    %add3A_82 = arith.addf %dot_general3A_53, %add3A_39 : vector<8192x128xf32>
    %mul3A_83 = arith.mulf %dot_general3A_81, %add3A_82 : vector<8192x128xf32>
    %reshape3A_84 = vector.shape_cast %mul3A_83 : vector<8192x128xf32> to vector<512x16x128xf32>
    %reduce_sum3A_85 = arith.constant dense<0.000000e+00> : vector<512x128xf32>
    %reduce_sum3A_86 = vector.multi_reduction <add>, %reshape3A_84, %reduce_sum3A_85 [1] : vector<512x16x128xf32> to vector<512x128xf32>
    %convert_element_type3A_87 = arith.truncf %reduce_sum3A_86 : vector<512x128xf32> to vector<512x128xbf16>
    %get3A_88 = arith.constant 0 : index
    %get3A_89 = arith.constant 0 : index
    %get3A_90 = vector.load %arg13[%get3A_88, %get3A_89] : memref<128x128xbf16, #tpu.memory_space<vmem>>, vector<128x128xbf16>
    %dot_general3A_91 = arith.constant dense<0.000000e+00> : vector<512x128xf32>
    %dot_general3A_92 = tpu.matmul %convert_element_type3A_87, %get3A_90, %dot_general3A_91 {dimension_numbers = #tpu.dot_dimension_numbers<[1], [0], [0], [1], [0, 0, 1, 1], [], []>, transpose_lhs_hint = false} : vector<512x128xbf16>, vector<128x128xbf16>, vector<512x128xf32> -> vector<512x128xf32>
    %get3A_93 = arith.constant 0 : index
    %get3A_94 = arith.constant 0 : index
    %get3A_95 = vector.load %arg1[%get3A_93, %get3A_94] : memref<512x128xf32, #tpu.memory_space<vmem>>, vector<512x128xf32>
    %add3A_96 = arith.addf %get3A_95, %dot_general3A_92 : vector<512x128xf32>
    %get3A_97 = arith.constant 0 : index
    %get3A_98 = arith.constant 0 : index
    %get3A_99 = vector.load %arg14[%get3A_97, %get3A_98] : memref<1x128xf32, #tpu.memory_space<vmem>>, vector<1x128xf32>
    %add3A_100 = vector.broadcast %get3A_99 : vector<1x128xf32> to vector<512x128xf32>
    %add3A_101 = arith.addf %add3A_96, %add3A_100 : vector<512x128xf32>
    %get3A_102 = arith.constant 0 : index
    %get3A_103 = arith.constant 0 : index
    %get3A_104 = vector.load %arg15[%get3A_102, %get3A_103] : memref<1x128xf32, #tpu.memory_space<vmem>>, vector<1x128xf32>
    %get3A_105 = arith.constant 0 : index
    %get3A_106 = arith.constant 0 : index
    %get3A_107 = vector.load %arg16[%get3A_105, %get3A_106] : memref<1x128xf32, #tpu.memory_space<vmem>>, vector<1x128xf32>
    %reduce_sum3A_108 = arith.constant dense<0.000000e+00> : vector<512xf32>
    %reduce_sum3A_109 = vector.multi_reduction <add>, %add3A_101, %reduce_sum3A_108 [1] : vector<512x128xf32> to vector<512xf32>
    %broadcast_in_dim3A_110 = vector.shape_cast %reduce_sum3A_109 : vector<512xf32> to vector<512x1xf32>
    %div3A_111 = arith.constant 1.280000e+02 : f32
    %div3A_112 = vector.broadcast %div3A_111 : f32 to vector<512x1xf32>
    %div3A_113 = arith.divf %broadcast_in_dim3A_110, %div3A_112 : vector<512x1xf32>
    %sub3A_114 = vector.broadcast %div3A_113 : vector<512x1xf32> to vector<512x128xf32>
    %sub3A_115 = arith.subf %add3A_101, %sub3A_114 : vector<512x128xf32>
    %integer_pow3A = arith.mulf %sub3A_115, %sub3A_115 : vector<512x128xf32>
    %reduce_sum3A_116 = arith.constant dense<0.000000e+00> : vector<512xf32>
    %reduce_sum3A_117 = vector.multi_reduction <add>, %integer_pow3A, %reduce_sum3A_116 [1] : vector<512x128xf32> to vector<512xf32>
    %broadcast_in_dim3A_118 = vector.shape_cast %reduce_sum3A_117 : vector<512xf32> to vector<512x1xf32>
    %div3A_119 = arith.constant 1.280000e+02 : f32
    %div3A_120 = vector.broadcast %div3A_119 : f32 to vector<512x1xf32>
    %div3A_121 = arith.divf %broadcast_in_dim3A_118, %div3A_120 : vector<512x1xf32>
    %sub3A_122 = vector.broadcast %div3A_113 : vector<512x1xf32> to vector<512x128xf32>
    %sub3A_123 = arith.subf %add3A_101, %sub3A_122 : vector<512x128xf32>
    %add3A_124 = arith.constant 9.99999974E-6 : f32
    %add3A_125 = vector.broadcast %add3A_124 : f32 to vector<512x1xf32>
    %add3A_126 = arith.addf %div3A_121, %add3A_125 : vector<512x1xf32>
    %sqrt3A = math.sqrt %add3A_126 : vector<512x1xf32>
    %div3A_127 = vector.broadcast %sqrt3A : vector<512x1xf32> to vector<512x128xf32>
    %div3A_128 = arith.divf %sub3A_123, %div3A_127 : vector<512x128xf32>
    %mul3A_129 = vector.broadcast %get3A_104 : vector<1x128xf32> to vector<512x128xf32>
    %mul3A_130 = arith.mulf %div3A_128, %mul3A_129 : vector<512x128xf32>
    %add3A_131 = vector.broadcast %get3A_107 : vector<1x128xf32> to vector<512x128xf32>
    %add3A_132 = arith.addf %mul3A_130, %add3A_131 : vector<512x128xf32>
    %convert_element_type3A_133 = arith.truncf %add3A_132 : vector<512x128xf32> to vector<512x128xbf16>
    %get3A_134 = arith.constant 0 : index
    %get3A_135 = arith.constant 0 : index
    %get3A_136 = vector.load %arg17[%get3A_134, %get3A_135] : memref<128x512xbf16, #tpu.memory_space<vmem>>, vector<128x512xbf16>
    %dot_general3A_137 = arith.constant dense<0.000000e+00> : vector<512x512xf32>
    %dot_general3A_138 = tpu.matmul %convert_element_type3A_133, %get3A_136, %dot_general3A_137 {dimension_numbers = #tpu.dot_dimension_numbers<[1], [0], [0], [1], [0, 0, 1, 1], [], []>, transpose_lhs_hint = false} : vector<512x128xbf16>, vector<128x512xbf16>, vector<512x512xf32> -> vector<512x512xf32>
    %get3A_139 = arith.constant 0 : index
    %get3A_140 = arith.constant 0 : index
    %get3A_141 = vector.load %arg18[%get3A_139, %get3A_140] : memref<1x512xf32, #tpu.memory_space<vmem>>, vector<1x512xf32>
    %add3A_142 = vector.broadcast %get3A_141 : vector<1x512xf32> to vector<512x512xf32>
    %add3A_143 = arith.addf %dot_general3A_138, %add3A_142 : vector<512x512xf32>
    %mul3A_144 = arith.constant 5.000000e-01 : f32
    %mul3A_145 = vector.broadcast %mul3A_144 : f32 to vector<512x512xf32>
    %mul3A_146 = arith.mulf %mul3A_145, %add3A_143 : vector<512x512xf32>
    %mul3A_147 = arith.constant 0.707106769 : f32
    %mul3A_148 = vector.broadcast %mul3A_147 : f32 to vector<512x512xf32>
    %mul3A_149 = arith.mulf %add3A_143, %mul3A_148 : vector<512x512xf32>
    %erf3A_150 = math.erf %mul3A_149 : vector<512x512xf32>
    %add3A_151 = arith.constant 1.000000e+00 : f32
    %add3A_152 = vector.broadcast %add3A_151 : f32 to vector<512x512xf32>
    %add3A_153 = arith.addf %add3A_152, %erf3A_150 : vector<512x512xf32>
    %mul3A_154 = arith.mulf %mul3A_146, %add3A_153 : vector<512x512xf32>
    %convert_element_type3A_155 = arith.truncf %mul3A_154 : vector<512x512xf32> to vector<512x512xbf16>
    %get3A_156 = arith.constant 0 : index
    %get3A_157 = arith.constant 0 : index
    %get3A_158 = vector.load %arg19[%get3A_156, %get3A_157] : memref<512x128xbf16, #tpu.memory_space<vmem>>, vector<512x128xbf16>
    %dot_general3A_159 = arith.constant dense<0.000000e+00> : vector<512x128xf32>
    %dot_general3A_160 = tpu.matmul %convert_element_type3A_155, %get3A_158, %dot_general3A_159 {dimension_numbers = #tpu.dot_dimension_numbers<[1], [0], [0], [1], [0, 0, 1, 1], [], []>, transpose_lhs_hint = false} : vector<512x512xbf16>, vector<512x128xbf16>, vector<512x128xf32> -> vector<512x128xf32>
    %add3A_161 = arith.addf %add3A_101, %dot_general3A_160 : vector<512x128xf32>
    %get3A_162 = arith.constant 0 : index
    %get3A_163 = arith.constant 0 : index
    %get3A_164 = vector.load %arg20[%get3A_162, %get3A_163] : memref<1x128xf32, #tpu.memory_space<vmem>>, vector<1x128xf32>
    %add3A_165 = vector.broadcast %get3A_164 : vector<1x128xf32> to vector<512x128xf32>
    %add3A_166 = arith.addf %add3A_161, %add3A_165 : vector<512x128xf32>
    %swap3A = arith.constant 0 : index
    %swap3A_167 = arith.constant 0 : index
    %swap3A_168 = vector.load %arg21[%swap3A, %swap3A_167] : memref<512x128xf32, #tpu.memory_space<vmem>>, vector<512x128xf32>
    tpu.vector_store %arg21[%swap3A, %swap3A_167], %add3A_166 {strides = array<i32>} : memref<512x128xf32, #tpu.memory_space<vmem>>, vector<512x128xf32>,
    return
  }
  func.func @transform_0(%arg0: i32) -> (i32, i32) {
    %add3A = arith.constant 0 : i32
    %add3A_0 = arith.addi %arg0, %add3A : i32
    %c0_i32 = arith.constant 0 : i32
    %c0_i32_1 = arith.constant 0 : i32
    return %add3A_0, %c0_i32 : i32, i32
  }
  func.func @transform_1(%arg0: i32) -> (i32, i32) {
    %add3A = arith.constant 0 : i32
    %add3A_0 = arith.addi %arg0, %add3A : i32
    %c0_i32 = arith.constant 0 : i32
    %c0_i32_1 = arith.constant 0 : i32
    return %add3A_0, %c0_i32 : i32, i32
  }
  func.func @transform_2(%arg0: i32) -> (i32, i32) {
    %add3A = arith.constant 0 : i32
    %add3A_0 = arith.addi %arg0, %add3A : i32
    %c0_i32 = arith.constant 0 : i32
    %c0_i32_1 = arith.constant 0 : i32
    return %add3A_0, %c0_i32 : i32, i32
  }
  func.func @transform_3(%arg0: i32) -> (i32, i32) {
    %c0_i32 = arith.constant 0 : i32
    %c0_i32_0 = arith.constant 0 : i32
    return %arg0, %c0_i32 : i32, i32
  }
  func.func @transform_4(%arg0: i32) -> (i32, i32) {
    %c0_i32 = arith.constant 0 : i32
    %c0_i32_0 = arith.constant 0 : i32
    %c0_i32_1 = arith.constant 0 : i32
    return %c0_i32, %c0_i32_0 : i32, i32
  }
  func.func @transform_5(%arg0: i32) -> (i32, i32) {
    %c0_i32 = arith.constant 0 : i32
    %c0_i32_0 = arith.constant 0 : i32
    %c0_i32_1 = arith.constant 0 : i32
    return %c0_i32, %c0_i32_0 : i32, i32
  }
  func.func @transform_6(%arg0: i32) -> (i32, i32) {
    %c0_i32 = arith.constant 0 : i32
    %c0_i32_0 = arith.constant 0 : i32
    %c0_i32_1 = arith.constant 0 : i32
    return %c0_i32, %c0_i32_0 : i32, i32
  }
  func.func @transform_7(%arg0: i32) -> (i32, i32) {
    %c0_i32 = arith.constant 0 : i32
    %c0_i32_0 = arith.constant 0 : i32
    %c0_i32_1 = arith.constant 0 : i32
    return %c0_i32, %c0_i32_0 : i32, i32
  }
  func.func @transform_8(%arg0: i32) -> (i32, i32) {
    %c0_i32 = arith.constant 0 : i32
    %c0_i32_0 = arith.constant 0 : i32
    %c0_i32_1 = arith.constant 0 : i32
    return %c0_i32, %c0_i32_0 : i32, i32
  }
  func.func @transform_9(%arg0: i32) -> (i32, i32) {
    %c0_i32 = arith.constant 0 : i32
    %c0_i32_0 = arith.constant 0 : i32
    %c0_i32_1 = arith.constant 0 : i32
    return %c0_i32, %c0_i32_0 : i32, i32
  }
  func.func @transform_10(%arg0: i32) -> (i32, i32) {
    %c0_i32 = arith.constant 0 : i32
    %c0_i32_0 = arith.constant 0 : i32
    %c0_i32_1 = arith.constant 0 : i32
    return %c0_i32, %c0_i32_0 : i32, i32
  }
  func.func @transform_11(%arg0: i32) -> (i32, i32) {
    %c0_i32 = arith.constant 0 : i32
    %c0_i32_0 = arith.constant 0 : i32
    %c0_i32_1 = arith.constant 0 : i32
    return %c0_i32, %c0_i32_0 : i32, i32
  }
  func.func @transform_12(%arg0: i32) -> (i32, i32) {
    %c0_i32 = arith.constant 0 : i32
    %c0_i32_0 = arith.constant 0 : i32
    %c0_i32_1 = arith.constant 0 : i32
    return %c0_i32, %c0_i32_0 : i32, i32
  }
  func.func @transform_13(%arg0: i32) -> (i32, i32) {
    %c0_i32 = arith.constant 0 : i32
    %c0_i32_0 = arith.constant 0 : i32
    %c0_i32_1 = arith.constant 0 : i32
    return %c0_i32, %c0_i32_0 : i32, i32
  }
  func.func @transform_14(%arg0: i32) -> (i32, i32) {
    %c0_i32 = arith.constant 0 : i32
    %c0_i32_0 = arith.constant 0 : i32
    %c0_i32_1 = arith.constant 0 : i32
    return %c0_i32, %c0_i32_0 : i32, i32
  }
  func.func @transform_15(%arg0: i32) -> (i32, i32) {
    %c0_i32 = arith.constant 0 : i32
    %c0_i32_0 = arith.constant 0 : i32
    %c0_i32_1 = arith.constant 0 : i32
    return %c0_i32, %c0_i32_0 : i32, i32
  }
  func.func @transform_16(%arg0: i32) -> (i32, i32) {
    %c0_i32 = arith.constant 0 : i32
    %c0_i32_0 = arith.constant 0 : i32
    %c0_i32_1 = arith.constant 0 : i32
    return %c0_i32, %c0_i32_0 : i32, i32
  }
  func.func @transform_17(%arg0: i32) -> (i32, i32) {
    %c0_i32 = arith.constant 0 : i32
    %c0_i32_0 = arith.constant 0 : i32
    %c0_i32_1 = arith.constant 0 : i32
    return %c0_i32, %c0_i32_0 : i32, i32
  }
  func.func @transform_18(%arg0: i32) -> (i32, i32) {
    %c0_i32 = arith.constant 0 : i32
    %c0_i32_0 = arith.constant 0 : i32
    %c0_i32_1 = arith.constant 0 : i32
    return %c0_i32, %c0_i32_0 : i32, i32
  }
  func.func @transform_19(%arg0: i32) -> (i32, i32) {
    %c0_i32 = arith.constant 0 : i32
    %c0_i32_0 = arith.constant 0 : i32
    %c0_i32_1 = arith.constant 0 : i32
    return %c0_i32, %c0_i32_0 : i32, i32
  }
  func.func @transform_20(%arg0: i32) -> (i32, i32) {
    %c0_i32 = arith.constant 0 : i32
    %c0_i32_0 = arith.constant 0 : i32
    return %arg0, %c0_i32 : i32, i32
  }
}

</mosaic_0001>

<sc_bundles>
// kernel: kernel.12.cloned.1.call-start
scs
__scs_entry_jumppad:
0x0: {  	(pc) =	sbr.rel $0x88, $3  }
0x1: {  	(tag) =	ssettag $0x0;
	lr =	simm.s32 $0x1  }
0x2: {  	[smem:$0x3F8E] =	sst lr;
	_ =	strace $0xD0000000  }
0x3: {  	_ = 	snop  }
0x4: {  	_ = 	snop  }
0x5: {  	_ = 	snop  }
0x6: {  	_ = 	snop  }
0x7: {  	_ = 	snop  }
__scs_overlays_trampoline_lowered:
0x8: {  	[smem:$0x3F9D] =	sst s0  }
0x9: {  	[smem:$0x3F9E] =	sst s1  }
0xa: {  	[smem:$0x3F9F] =	sst s2  }
0xb: {  	[smem:$0x3FA0] =	sst s3  }
0xc: {  	[smem:$0x3FA1] =	sst s4  }
0xd: {  	[smem:$0x3FA2] =	sst s5  }
0xe: {  	[smem:$0x3FA3] =	sst s6  }
0xf: {  	[smem:$0x3FA4] =	sst s7  }
0x10: {  	[smem:$0x3FA5] =	sst s8  }
0x11: {  	[smem:$0x3FA6] =	sst s9;
	s0 =	simm.s32 @!p0 $0x0  }
0x12: {  	s1 =	sld [smem:$0x3F8C];
	s0 =	simm.s32 @p0 $0x1  }
0x13: {  	[smem:$0x3FA7] =	sst s0;
	s0 =	simm.s32 @!p1 $0x0  }
0x14: {  	s2 =	sld [smem:$0x3F8B];
	s0 =	simm.s32 @p1 $0x1  }
0x15: {  	[smem:$0x3FA8] =	sst s0;
	s0 =	simm.s32 @!p2 $0x0  }
0x16: {  	s3 =	sld [smem:$0x3FDB];
	s0 =	simm.s32 @p2 $0x1  }
0x17: {  	s4 =	simm.s32 $0x1BF5;
	[smem:$0x3FAA] =	sst s0  }
0x18: {  	s0 =	sld [smem:$0x3F8D];
	_ =	swait.ge [sflag:s4], $0x0  }
0x19: {  	s7 =	sld [smem:$0x3F8E]  }
0x1a: {  	s8 =	sadd.s32 $0xFFFFE003, lr  }
0x1b: {  	s9 =	sadd.s32 $0xFFFFFEF7, lr;
	s5 =	simm.s32 $0xFFFFFFFF;
	p2 =	slt.u32 s8, $0xFFFFF086  }
0x1c: {  	p1 =	slt.u32 s9, $0xF7A;
	s5 =	simm.s32 @!p2 $0x0  }
0x1d: {  	s5 =	simm.s32 @p1 $0x1;
	p0 =	seq.s32 s7, s2  }
0x1e: {  	s7 =	smul.u32 @!p0 $0xF7A, s2;
	p2 =	seq.s32 @!p0 s5, $0x0  }
0x1f: {  	s9 =	smul.u32 $0xF7A, s1;
	s8 =	simm.s32 @!p0 $0x1BF5;
	p2 =	por !p2, p0  }
0x20: {  	[sflag:s8] =	ssyncset.s32 @!p0 $0xFFFFF086;
	s6 =	sadd.s32 @!p0 s3, s7;
	s7 =	simm.s32 @!p0 $0x108  }
0x21: {  	s3 =	sadd.s32 s3, s9;
	s6 =	sadd.s32 @!p0 $0x88, s6;
	s7 =	simm.s32 @p2 $0x1082  }
0x22: {  	[simem:s7], [sflag:s8] =	dma.local @!p0 [hbm:s6], $0xF7A  }
0x23: {  	s9 =	sor.u32 $0xD0000000, s2;
	s6 =	simm.s32 $0x108;
	_ =	swait.ge @!p0 [sflag:s8], $0x0  }
0x24: {  	s3 =	sadd.s32 $0x88, s3;
	s6 =	simm.s32 @!p1 $0x1082;
	[sflag:s4] =	ssyncset.s32 $0xFFFFF086  }
0x25: {  	[simem:s6], [sflag:s4] =	dma.local [hbm:s3], $0xF7A  }
0x26: {  	[smem:$0x3F8E] =	sst s1;
	(tag) =	ssettag s2;
	_ =	strace s9  }
0x27: {  	s1 =	sld [smem:$0x3F9E]  }
0x28: {  	s2 =	sld [smem:$0x3F9F]  }
0x29: {  	s4 =	sld [smem:$0x3FA1]  }
0x2a: {  	p0 =	seq.s32 s5, $0x0;
	s5 =	sld [smem:$0x3FA2]  }
0x2b: {  	s6 =	sld [smem:$0x3FA3]  }
0x2c: {  	s7 =	sld [smem:$0x3FA4]  }
0x2d: {  	s3 =	simm.s32 $0x108;
	s8 =	sld [smem:$0x3FA5]  }
0x2e: {  	s3 =	simm.s32 @!p0 $0x1082;
	s9 =	sld [smem:$0x3FA6]  }
0x2f: {  	lr =	sadd.s32 s0, s3;
	s0 =	sld [smem:$0x3F9D]  }
0x30: {  	s3 =	sld [smem:$0x3FA0]  }
0x31: {  	[smem:$0x3FA9] =	sst s10  }
0x32: {  	s10 =	sld [smem:$0x3FA7];
	_ =	sdelay $0x3  }
0x33: {  	p0 =	seq.s32 s10, $0x1;
	s10 =	sld [smem:$0x3FA9];
	_ =	sdelay $0x3  }
0x34: {  	[smem:$0x3FA9] =	sst s10  }
0x35: {  	s10 =	sld [smem:$0x3FA8];
	_ =	sdelay $0x3  }
0x36: {  	p1 =	seq.s32 s10, $0x1;
	s10 =	sld [smem:$0x3FA9];
	_ =	sdelay $0x3  }
0x37: {  	[smem:$0x3FA9] =	sst s10  }
0x38: {  	s10 =	sld [smem:$0x3FAA]  }
0x39: {  	_ = 	snop;
	(pc) =	sbr.ind lr, $3  }
0x3a: {  	_ = 	snop  }
0x3b: {  	_ = 	snop  }
0x3c: {  	p2 =	seq.s32 s10, $0x1;
	s10 =	sld [smem:$0x3FA9]  }
0x3d: {  	_ =	shalt  }
0x3e: {  	_ =	shalt  }
0x3f: {  	_ =	shalt  }
0x40: {  	_ =	shalt  }
0x41: {  	_ =	shalt  }
0x42: {  	_ =	shalt  }
0x43: {  	_ =	shalt  }
0x44: {  	_ =	shalt  }
0x45: {  	_ =	shalt  }
0x46: {  	_ =	shalt  }
0x47: {  	_ =	shalt  }
0x48: {  	_ =	shalt  }
0x49: {  	_ =	shalt  }
0x4a: {  	_ =	shalt  }
0x4b: {  	_ =	shalt  }
0x4c: {  	_ =	shalt  }
0x4d: {  	_ =	shalt  }
0x4e: {  	_ =	shalt  }
0x4f: {  	_ =	shalt  }
0x50: {  	_ =	shalt  }
0x51: {  	_ =	shalt  }
0x52: {  	_ =	shalt  }
0x53: {  	_ =	shalt  }
0x54: {  	_ =	shalt  }
0x55: {  	_ =	shalt  }
0x56: {  	_ =	shalt  }
0x57: {  	_ =	shalt  }
0x58: {  	_ =	shalt  }
0x59: {  	_ =	shalt  }
0x5a: {  	_ =	shalt  }
0x5b: {  	_ =	shalt  }
0x5c: {  	_ =	shalt  }
0x5d: {  	_ =	shalt  }
0x5e: {  	_ =	shalt  }
0x5f: {  	_ =	shalt  }
0x60: {  	_ =	shalt  }
0x61: {  	_ =	shalt  }
0x62: {  	_ =	shalt  }
0x63: {  	_ =	shalt  }
0x64: {  	_ =	shalt  }
0x65: {  	_ =	shalt  }
0x66: {  	_ =	shalt  }
0x67: {  	_ =	shalt  }
0x68: {  	_ =	shalt  }
0x69: {  	_ =	shalt  }
0x6a: {  	_ =	shalt  }
0x6b: {  	_ =	shalt  }
0x6c: {  	_ =	shalt  }
0x6d: {  	_ =	shalt  }
0x6e: {  	_ =	shalt  }
0x6f: {  	_ =	shalt  }
0x70: {  	_ =	shalt  }
0x71: {  	_ =	shalt  }
0x72: {  	_ =	shalt  }
0x73: {  	_ =	shalt  }
0x74: {  	_ =	shalt  }
0x75: {  	_ =	shalt  }
0x76: {  	_ =	shalt  }
0x77: {  	_ =	shalt  }
0x78: {  	_ =	shalt  }
0x79: {  	_ =	shalt  }
0x7a: {  	_ =	shalt  }
0x7b: {  	_ =	shalt  }
0x7c: {  	_ =	shalt  }
0x7d: {  	_ =	shalt  }
0x7e: {  	_ =	shalt  }
0x7f: {  	_ =	shalt  }
0x80: {  	_ =	shalt  }
0x81: {  	_ =	shalt  }
0x82: {  	_ =	shalt  }
0x83: {  	_ =	shalt  }
0x84: {  	_ =	shalt  }
0x85: {  	_ =	shalt  }
0x86: {  	_ =	shalt  }
0x87: {  	_ =	shalt  }
.Lfunc_end0:
.L_simem_size_0:
called_computation.1_lowered:
.L_overlay_start_0:
0x88: {  	s2 =	sld [smem:$0x3FD9]  }
0x89: {  	s3 =	sld [smem:$0x3FFE];
	_ =	sdelay $0x1  }
0x8a: {  	s1 =	srdreg.scid  }
0x8b: {  	s0 =	sand.u32 $0x1, s1  }
0x8c: {  	s16 =	sshll.u32 s0, $0xA;
	s2 =	sadd.s32 s3, s2  }
0x8d: {  	s2 =	sadd.s32 s2, s16  }
0x8e: {  	[smem:$0x3FB5] =	sst s2  }
0x8f: {  	_ = 	snop  }
0x90: {  	(tm) =	ssettm $0x1  }
0x91: {  	s17 =	sld [smem:$0x3FFB];
	_ =	sdelay $0x3  }
0x92: {  	_ =	strace s17  }
0x93: {  	s2 =	sld [smem:$0x3FFC];
	_ =	sdelay $0x3  }
0x94: {  	_ =	strace s2  }
0x95: {  	s2 =	sld [smem:$0x3FFD];
	_ =	sdelay $0x3  }
0x96: {  	_ =	strace s2  }
0x97: {  	_ =	strace $0x8FFFFFFF  }
0x98: {  	s18 =	sld [smem:$0x3FDB];
	_ =	sdelay $0x1  }
0x99: {  	s19 =	simm.s32 $_scs_section_size  }
0x9a: {  	s4 =	simm.s32 $_size__tile_overlayer_lowered;
	s5 =	simm.s32 $_tile_overlayer_lowered  }
0x9b: {  	s22 =	simm.s32 $0x1BFF;
	s21 =	sshll.u32 s5, $0x1;
	s2 =	sadd.s32 s19, s18  }
0x9c: {  	s6 =	simm.s32 $0x0;
	s20 =	sshll.u32 s4, $0x1;
	s4 =	sadd.s32 s21, s2  }
0x9d: {  	[timem:s6], [sflag:s22] =	dma.local [hbm:s4], s20  }
0x9e: {  	_ =	swait.ge [sflag:s22], s20  }
0x9f: {  	s3 =	ssub.s32 $0x0, s20;
	[sflag:s22] =	ssyncset.done $0x0  }
0xa0: {  	[sflag:s22] =	ssyncadd.s32 s3;
	_ =	sdelay $0x1  }
0xa1: {  	s23 =	simm.s32 $0x1B8B  }
0xa2: {  	_ =	swait.ge [sflag:s23], $0x1  }
0xa3: {  	[sflag:s23] =	ssyncset.done $0x0  }
0xa4: {  	s25 =	simm.s32 $0x1B8E;
	s24 =	sld [smem:$0x3FFE];
	[sflag:s23] =	ssyncadd.s32 $0xFFFFFFFF  }
0xa5: {  	s26 =	simm.s32 $execute0_lowered;
	[smem:$0x3FD2] =	sst s25  }
0xa6: {  	s4 =	sshll.u32 s26, $0x1;
	_ =	strace $0x80000046;
	[dreg:$0x1] =	wrdreg $0xFFFFFFFF  }
0xa7: {  	s28 =	simm.s32 $_size_execute0_lowered;
	s2 =	sadd.s32 s2, s4;
	[dreg:$0x0] =	wrdreg $0x0  }
0xa8: {  	s4 =	sshll.u32 s28, $0x1;
	[dreg:$0x2] =	wrdreg s2  }
0xa9: {  	[dreg:$0x3] =	wrdreg s4  }
0xaa: {  	[dreg:$0x4] =	wrdreg $0xC0  }
0xab: {  	_ =	task [dreg:s6], $0x5FFFF  }
0xac: {  	[dreg:$0x1] =	wrdreg $0xFFFFFFFF  }
0xad: {  	[dreg:$0x0] =	wrdreg $0x60  }
0xae: {  	[dreg:$0x2] =	wrdreg s24  }
0xaf: {  	[dreg:$0x3] =	wrdreg $0xA  }
0xb0: {  	_ =	task.clear_ibuf [dreg:s6], $0x4FFFF;
	_ =	strace $0x90000046  }
0xb1: {  	s29 =	simm.s32 $0xA;
	_ =	strace $0x80000048  }
0xb2: {  	_ =	swait.ge [sflag:s29], $0x1  }
0xb3: {  	[sflag:s29] =	ssyncadd.s32 $0xFFFFFFFF  }
0xb4: {  	_ =	strace $0x90000048  }
0xb5: {  	_ =	sfence  }
0xb6: {  	s30 =	sld [smem:$0x0];
	_ =	sdelay $0x2  }
0xb7: {  	s31 =	sshll.u32 s1, $0xD;
	s1 =	sshrl.u32 s1, $0x2  }
0xb8: {  	s3 =	sand.u32 $0x4000, s31;
	s1 =	sadd.s32 s1, s30  }
0xb9: {  	s0 =	sor.u32 s3, s0;
	s1 =	sshll.u32 s1, $0x11  }
0xba: {  	s0 =	sor.u32 s1, s0  }
0xbb: {  	s0 =	sadd.s32 $0x8F2B, s0  }
0xbc: {  	[sflag:s0] =	ssyncadd.remote.s32 $0x1  }
0xbd: {  	_ =	sfence.sel $0xFFFF  }
0xbe: {  	[dreg:$0x0] =	wrdreg $0xFFFFFFFF;
	(pc) =	sbr.abs _section_cstart, $3  }
0xbf: {  	[dreg:$0x1] =	wrdreg $0xFFFFFFFF  }
0xc0: {  	_ =	task.clear_ibuf [dreg:s6], $0x2FFFF;
	_ =	strace $0x9FFFFFFF  }
0xc1: {  	(tm) =	ssettm $0x7FFFFFFF  }
tec
execute0_lowered:
.L_overlay_start_1:
0x0: {  	(tag) =	ssettag $0x1  }
0x1: {  	s4 =	rddreg [dreg:$0x0]  }
0x2: {  	s0 =	rddreg [dreg:$0x1];
	s2 =	simm.s32 $0x0;
	s3 =	srdreg.scid  }
0x3: {  	s1 =	stileid.u32;
	s10 =	simm.s32 $0x0;
	[smem:$0x7FF] =	sst s2  }
0x4: {  	s5 =	sand.u32 $0x1, s3;
	s6 =	sshll.u32 s1, $0xD;
	s3 =	sadd.s32 $0x48600, s4  }
0x5: {  	s8 =	sshll.u32 s1, $0x11;
	_ =	strace $0x80000047;
	s7 =	sshll.u32 s5, $0xC  }
0x6: {  	s31 =	ssub.s32 $0x2, s5;
	s8 =	sadd.s32 s8, s4;
	s5 =	sshll.u32 s5, $0x10  }
0x7: {  	s6 =	sor.u32 s7, s6;
	s9 =	sshrl.u32 s31, $0x1;
	s5 =	sadd.s32 s5, s8  }
0x8: {  	s8 =	simm.s32 $0x200;
	s6 =	sshrl.u32 s6, $0x3;
	s7 =	ssub.s32 s31, s9  }
0x9: {  	s5 =	sadd.s32 $0x88600, s5;
	s9 =	simm.s32 $0x1;
	s6 =	sadd.s32 s6, s4  }
0xa: {  	s4 =	smax.u32 s7, $0x1;
	s7 =	simm.s32 $0x2;
	s6 =	sadd.s32 $0x4600, s6  }
.LBB2_1:
0xb: {  	s11 =	sadd.s32 $0x0, s6  }
0xc: {  	[tilespmem:s2], [sflag:$0x2] =	stream.linear.gather [hbm4b:s11+s2], $0x200, $0x38;
	[tilespmem:$0x10200] =	vst v63  }
0xd: {  	_ =	swait.ge [sflag:s7], $0x200  }
0xe: {  	[sflag:s7] =	ssyncset.done $0x0  }
0xf: {  	[sflag:s7] =	ssyncadd.s32 $0xFFFFFE00  }
0x10: {  	[tilespmem:s8], [sflag:$0x1] =	stream.indirect.gather [hbm4b:s3+s8], $0x80, s2, s8, $0xb8;
	[tilespmem:$0x10200] =	vst v63  }
0x11: {  	_ =	swait.ge [sflag:s9], $0x10000  }
0x12: {  	[sflag:s9] =	ssyncset.done $0x0  }
0x13: {  	[sflag:s9] =	ssyncadd.s32 $0xFFFF0000  }
0x14: {  	[hbm4b:s5+s2] =	stream.linear.scatter [tilespmem:s8], [sflag:$0x2], $0x10000, $0x38;
	[tilespmem:$0x10200] =	vst v63  }
0x15: {  	s12 =	simm.s32 $0x40;
	_ =	swait.ge [sflag:s7], $0x10000  }
0x16: {  	s13 =	simm.s32 $0x80;
	s11 =	sadd.s32 $0x2000, s5;
	[sflag:s7] =	ssyncset.done $0x0  }
.LBB2_2:
0x17: {  	s14 =	sadd.s32 s12, s6  }
0x18: {  	[sflag:s7] =	ssyncadd.s32 $0xFFFF0000;
	s12 =	smov.u32 s13;
	s15 =	sadd.s32 $0x40, s13  }
0x19: {  	[tilespmem:s2], [sflag:$0x2] =	stream.linear.gather [hbm4b:s14+s2], $0x200, $0x38;
	[tilespmem:$0x10200] =	vst v63  }
0x1a: {  	p0 =	sne.s32 s13, $0x1C0;
	_ =	swait.ge [sflag:s7], $0x200  }
0x1b: {  	[sflag:s7] =	ssyncset.done $0x0  }
0x1c: {  	[sflag:s7] =	ssyncadd.s32 $0xFFFFFE00  }
0x1d: {  	[tilespmem:s8], [sflag:$0x1] =	stream.indirect.gather [hbm4b:s3+s8], $0x80, s2, s8, $0xb8;
	[tilespmem:$0x10200] =	vst v63  }
0x1e: {  	_ =	swait.ge [sflag:s9], $0x10000  }
.Ltmp0:
0x1f: {  	[sflag:s9] =	ssyncset.done $0x0;
	(pc) =	sbr.rel @p0 .LBB2_2-.Ltmp0, $4  }
0x20: {  	[sflag:s9] =	ssyncadd.s32 $0xFFFF0000  }
0x21: {  	[hbm4b:s11+s2] =	stream.linear.scatter [tilespmem:s8], [sflag:$0x2], $0x10000, $0x38;
	[tilespmem:$0x10200] =	vst v63  }
0x22: {  	_ =	swait.ge [sflag:s7], $0x10000  }
0x23: {  	s13 =	smov.u32 s15;
	s11 =	sadd.s32 $0x2000, s11;
	[sflag:s7] =	ssyncset.done $0x0  }
0x24: {  	s12 =	sadd.s32 s12, s6;
	[sflag:s7] =	ssyncadd.s32 $0xFFFF0000  }
0x25: {  	[tilespmem:s2], [sflag:$0x2] =	stream.linear.gather [hbm4b:s12+s2], $0x200, $0x38;
	[tilespmem:$0x10200] =	vst v63  }
0x26: {  	_ =	swait.ge [sflag:s7], $0x200  }
0x27: {  	[sflag:s7] =	ssyncset.done $0x0  }
0x28: {  	[sflag:s7] =	ssyncadd.s32 $0xFFFFFE00  }
0x29: {  	[tilespmem:s8], [sflag:$0x1] =	stream.indirect.gather [hbm4b:s3+s8], $0x80, s2, s8, $0xb8;
	[tilespmem:$0x10200] =	vst v63  }
0x2a: {  	s10 =	sadd.s32 $0x1, s10;
	_ =	swait.ge [sflag:s9], $0x10000  }
0x2b: {  	p0 =	sne.s32 s10, s4;
	[sflag:s9] =	ssyncset.done $0x0  }
.Ltmp1:
0x2c: {  	[sflag:s9] =	ssyncadd.s32 $0xFFFF0000;
	(pc) =	sbr.rel @p0 .LBB2_1-.Ltmp1, $4  }
0x2d: {  	[hbm4b:s11+s2] =	stream.linear.scatter [tilespmem:s8], [sflag:$0x2], $0x10000, $0x38;
	[tilespmem:$0x10200] =	vst v63  }
0x2e: {  	_ =	swait.ge [sflag:s7], $0x10000  }
0x2f: {  	[sflag:s7] =	ssyncset.done $0x0  }
0x30: {  	[sflag:s7] =	ssyncadd.s32 $0xFFFF0000  }
0x31: {  	_ =	sfence.sel $0x180000  }
0x32: {  	[bflag:$0x0] =	sbarrier.arrive $0xFFFF  }
0x33: {  	p0 =	sne.s32 s1, $0x0;
	_ =	strace $0x90000047  }
0x34: {  	s0 =	sadd.s32 @!p0 $0x100000, s0;
	[bflag:$0x2] =	sbarrier.arrive $0xFFFF  }
0x35: {  	[sflag:s0] =	ssyncadd.tile.s32 @!p0 $0x1;
	_ =	shalt  }
.Lfunc_end2:
_tile_overlayer_lowered:
.L_overlay_start_2:
0x36: {  	(tag) =	ssettag $0x2  }
0x37: {  	s0 =	rddreg [dreg:$0x0];
	s2 =	stileid.u32  }
0x38: {  	s1 =	rddreg [dreg:$0x1];
	p0 =	sne.s32 s2, $0x0  }
0x39: {  	s3 =	rddreg [dreg:$0x2];
	[bflag:$0x3] =	sbarrier.arrive $0xFFFF;
	s2 =	simm.s32 @!p0 $0x1C02  }
0x3a: {  	[timem:s3], [sflag:s2] =	dma.local @!p0 [hbm:s0], s1  }
0x3b: {  	s0 =	simm.s32 @!p0 $0x2  }
0x3c: {  	_ =	swait.ge @!p0 [sflag:s0], s1  }
0x3d: {  	s1 =	ssub.s32 @!p0 $0x0, s1;
	[sflag:s0] =	ssyncset.done @!p0 $0x0  }
0x3e: {  	[sflag:s0] =	ssyncadd.s32 @!p0 s1  }
0x3f: {  	[bflag:$0x3] =	sbarrier.arrive $0xFFFF  }
0x40: {  	_ =	shalt  }

// kernel: kernel.9.cloned.1.call-start
scs
__scs_entry_jumppad:
0x0: {  	(pc) =	sbr.rel $0x88, $3  }
0x1: {  	(tag) =	ssettag $0x0;
	lr =	simm.s32 $0x1  }
0x2: {  	[smem:$0x3F8E] =	sst lr;
	_ =	strace $0xD0000000  }
0x3: {  	_ = 	snop  }
0x4: {  	_ = 	snop  }
0x5: {  	_ = 	snop  }
0x6: {  	_ = 	snop  }
0x7: {  	_ = 	snop  }
__scs_overlays_trampoline_lowered:
0x8: {  	[smem:$0x3F9D] =	sst s0  }
0x9: {  	[smem:$0x3F9E] =	sst s1  }
0xa: {  	[smem:$0x3F9F] =	sst s2  }
0xb: {  	[smem:$0x3FA0] =	sst s3  }
0xc: {  	[smem:$0x3FA1] =	sst s4  }
0xd: {  	[smem:$0x3FA2] =	sst s5  }
0xe: {  	[smem:$0x3FA3] =	sst s6  }
0xf: {  	[smem:$0x3FA4] =	sst s7  }
0x10: {  	[smem:$0x3FA5] =	sst s8  }
0x11: {  	[smem:$0x3FA6] =	sst s9;
	s0 =	simm.s32 @!p0 $0x0  }
0x12: {  	s1 =	sld [smem:$0x3F8C];
	s0 =	simm.s32 @p0 $0x1  }
0x13: {  	[smem:$0x3FA7] =	sst s0;
	s0 =	simm.s32 @!p1 $0x0  }
0x14: {  	s2 =	sld [smem:$0x3F8B];
	s0 =	simm.s32 @p1 $0x1  }
0x15: {  	[smem:$0x3FA8] =	sst s0;
	s0 =	simm.s32 @!p2 $0x0  }
0x16: {  	s3 =	sld [smem:$0x3FDB];
	s0 =	simm.s32 @p2 $0x1  }
0x17: {  	s4 =	simm.s32 $0x1BF5;
	[smem:$0x3FAA] =	sst s0  }
0x18: {  	s0 =	sld [smem:$0x3F8D];
	_ =	swait.ge [sflag:s4], $0x0  }
0x19: {  	s7 =	sld [smem:$0x3F8E]  }
0x1a: {  	s8 =	sadd.s32 $0xFFFFE003, lr  }
0x1b: {  	s9 =	sadd.s32 $0xFFFFFEF7, lr;
	s5 =	simm.s32 $0xFFFFFFFF;
	p2 =	slt.u32 s8, $0xFFFFF086  }
0x1c: {  	p1 =	slt.u32 s9, $0xF7A;
	s5 =	simm.s32 @!p2 $0x0  }
0x1d: {  	s5 =	simm.s32 @p1 $0x1;
	p0 =	seq.s32 s7, s2  }
0x1e: {  	s7 =	smul.u32 @!p0 $0xF7A, s2;
	p2 =	seq.s32 @!p0 s5, $0x0  }
0x1f: {  	s9 =	smul.u32 $0xF7A, s1;
	s8 =	simm.s32 @!p0 $0x1BF5;
	p2 =	por !p2, p0  }
0x20: {  	[sflag:s8] =	ssyncset.s32 @!p0 $0xFFFFF086;
	s6 =	sadd.s32 @!p0 s3, s7;
	s7 =	simm.s32 @!p0 $0x108  }
0x21: {  	s3 =	sadd.s32 s3, s9;
	s6 =	sadd.s32 @!p0 $0x88, s6;
	s7 =	simm.s32 @p2 $0x1082  }
0x22: {  	[simem:s7], [sflag:s8] =	dma.local @!p0 [hbm:s6], $0xF7A  }
0x23: {  	s9 =	sor.u32 $0xD0000000, s2;
	s6 =	simm.s32 $0x108;
	_ =	swait.ge @!p0 [sflag:s8], $0x0  }
0x24: {  	s3 =	sadd.s32 $0x88, s3;
	s6 =	simm.s32 @!p1 $0x1082;
	[sflag:s4] =	ssyncset.s32 $0xFFFFF086  }
0x25: {  	[simem:s6], [sflag:s4] =	dma.local [hbm:s3], $0xF7A  }
0x26: {  	[smem:$0x3F8E] =	sst s1;
	(tag) =	ssettag s2;
	_ =	strace s9  }
0x27: {  	s1 =	sld [smem:$0x3F9E]  }
0x28: {  	s2 =	sld [smem:$0x3F9F]  }
0x29: {  	s4 =	sld [smem:$0x3FA1]  }
0x2a: {  	p0 =	seq.s32 s5, $0x0;
	s5 =	sld [smem:$0x3FA2]  }
0x2b: {  	s6 =	sld [smem:$0x3FA3]  }
0x2c: {  	s7 =	sld [smem:$0x3FA4]  }
0x2d: {  	s3 =	simm.s32 $0x108;
	s8 =	sld [smem:$0x3FA5]  }
0x2e: {  	s3 =	simm.s32 @!p0 $0x1082;
	s9 =	sld [smem:$0x3FA6]  }
0x2f: {  	lr =	sadd.s32 s0, s3;
	s0 =	sld [smem:$0x3F9D]  }
0x30: {  	s3 =	sld [smem:$0x3FA0]  }
0x31: {  	[smem:$0x3FA9] =	sst s10  }
0x32: {  	s10 =	sld [smem:$0x3FA7];
	_ =	sdelay $0x3  }
0x33: {  	p0 =	seq.s32 s10, $0x1;
	s10 =	sld [smem:$0x3FA9];
	_ =	sdelay $0x3  }
0x34: {  	[smem:$0x3FA9] =	sst s10  }
0x35: {  	s10 =	sld [smem:$0x3FA8];
	_ =	sdelay $0x3  }
0x36: {  	p1 =	seq.s32 s10, $0x1;
	s10 =	sld [smem:$0x3FA9];
	_ =	sdelay $0x3  }
0x37: {  	[smem:$0x3FA9] =	sst s10  }
0x38: {  	s10 =	sld [smem:$0x3FAA]  }
0x39: {  	_ = 	snop;
	(pc) =	sbr.ind lr, $3  }
0x3a: {  	_ = 	snop  }
0x3b: {  	_ = 	snop  }
0x3c: {  	p2 =	seq.s32 s10, $0x1;
	s10 =	sld [smem:$0x3FA9]  }
0x3d: {  	_ =	shalt  }
0x3e: {  	_ =	shalt  }
0x3f: {  	_ =	shalt  }
0x40: {  	_ =	shalt  }
0x41: {  	_ =	shalt  }
0x42: {  	_ =	shalt  }
0x43: {  	_ =	shalt  }
0x44: {  	_ =	shalt  }
0x45: {  	_ =	shalt  }
0x46: {  	_ =	shalt  }
0x47: {  	_ =	shalt  }
0x48: {  	_ =	shalt  }
0x49: {  	_ =	shalt  }
0x4a: {  	_ =	shalt  }
0x4b: {  	_ =	shalt  }
0x4c: {  	_ =	shalt  }
0x4d: {  	_ =	shalt  }
0x4e: {  	_ =	shalt  }
0x4f: {  	_ =	shalt  }
0x50: {  	_ =	shalt  }
0x51: {  	_ =	shalt  }
0x52: {  	_ =	shalt  }
0x53: {  	_ =	shalt  }
0x54: {  	_ =	shalt  }
0x55: {  	_ =	shalt  }
0x56: {  	_ =	shalt  }
0x57: {  	_ =	shalt  }
0x58: {  	_ =	shalt  }
0x59: {  	_ =	shalt  }
0x5a: {  	_ =	shalt  }
0x5b: {  	_ =	shalt  }
0x5c: {  	_ =	shalt  }
0x5d: {  	_ =	shalt  }
0x5e: {  	_ =	shalt  }
0x5f: {  	_ =	shalt  }
0x60: {  	_ =	shalt  }
0x61: {  	_ =	shalt  }
0x62: {  	_ =	shalt  }
0x63: {  	_ =	shalt  }
0x64: {  	_ =	shalt  }
0x65: {  	_ =	shalt  }
0x66: {  	_ =	shalt  }
0x67: {  	_ =	shalt  }
0x68: {  	_ =	shalt  }
0x69: {  	_ =	shalt  }
0x6a: {  	_ =	shalt  }
0x6b: {  	_ =	shalt  }
0x6c: {  	_ =	shalt  }
0x6d: {  	_ =	shalt  }
0x6e: {  	_ =	shalt  }
0x6f: {  	_ =	shalt  }
0x70: {  	_ =	shalt  }
0x71: {  	_ =	shalt  }
0x72: {  	_ =	shalt  }
0x73: {  	_ =	shalt  }
0x74: {  	_ =	shalt  }
0x75: {  	_ =	shalt  }
0x76: {  	_ =	shalt  }
0x77: {  	_ =	shalt  }
0x78: {  	_ =	shalt  }
0x79: {  	_ =	shalt  }
0x7a: {  	_ =	shalt  }
0x7b: {  	_ =	shalt  }
0x7c: {  	_ =	shalt  }
0x7d: {  	_ =	shalt  }
0x7e: {  	_ =	shalt  }
0x7f: {  	_ =	shalt  }
0x80: {  	_ =	shalt  }
0x81: {  	_ =	shalt  }
0x82: {  	_ =	shalt  }
0x83: {  	_ =	shalt  }
0x84: {  	_ =	shalt  }
0x85: {  	_ =	shalt  }
0x86: {  	_ =	shalt  }
0x87: {  	_ =	shalt  }
.Lfunc_end0:
.L_simem_size_0:
called_computation_lowered:
.L_overlay_start_0:
0x88: {  	s2 =	sld [smem:$0x3FD9]  }
0x89: {  	s3 =	sld [smem:$0x3FFE];
	_ =	sdelay $0x1  }
0x8a: {  	s1 =	srdreg.scid  }
0x8b: {  	s0 =	sand.u32 $0x1, s1  }
0x8c: {  	s17 =	sshll.u32 s0, $0xA;
	s2 =	sadd.s32 s3, s2  }
0x8d: {  	s2 =	sadd.s32 s2, s17  }
0x8e: {  	[smem:$0x3FB5] =	sst s2  }
0x8f: {  	_ = 	snop  }
0x90: {  	(tm) =	ssettm $0x1  }
0x91: {  	s18 =	sld [smem:$0x3FFB];
	_ =	sdelay $0x3  }
0x92: {  	_ =	strace s18  }
0x93: {  	s2 =	sld [smem:$0x3FFC];
	_ =	sdelay $0x3  }
0x94: {  	_ =	strace s2  }
0x95: {  	s2 =	sld [smem:$0x3FFD];
	_ =	sdelay $0x3  }
0x96: {  	_ =	strace s2  }
0x97: {  	_ =	strace $0x8FFFFFFF  }
0x98: {  	s19 =	sld [smem:$0x3FDB];
	_ =	sdelay $0x1  }
0x99: {  	s20 =	simm.s32 $_scs_section_size  }
0x9a: {  	s4 =	simm.s32 $_size__tile_overlayer_lowered;
	s5 =	simm.s32 $_tile_overlayer_lowered  }
0x9b: {  	s6 =	simm.s32 $0x1BFF;
	s21 =	sshll.u32 s5, $0x1;
	s3 =	sadd.s32 s20, s19  }
0x9c: {  	s22 =	simm.s32 $0x0;
	s4 =	sshll.u32 s4, $0x1;
	s5 =	sadd.s32 s21, s3  }
0x9d: {  	[timem:s22], [sflag:s6] =	dma.local [hbm:s5], s4  }
0x9e: {  	_ =	swait.ge [sflag:s6], s4  }
0x9f: {  	s4 =	ssub.s32 $0x0, s4;
	[sflag:s6] =	ssyncset.done $0x0  }
0xa0: {  	[sflag:s6] =	ssyncadd.s32 s4;
	_ =	sdelay $0x1  }
0xa1: {  	s23 =	simm.s32 $0x1B8B  }
0xa2: {  	_ =	swait.ge [sflag:s23], $0x1  }
0xa3: {  	[sflag:s23] =	ssyncset.done $0x0  }
0xa4: {  	[sflag:s23] =	ssyncadd.s32 $0xFFFFFFFF  }
0xa5: {  	s4 =	sld [smem:$0x0]  }
0xa6: {  	s5 =	sand.u32 $0xFFFFFFFE, s1  }
0xa7: {  	p0 =	sne.s32 s1, s5  }
0xa8: {  	s5 =	sshll.u32 @p0 s5, $0xE  }
0xa9: {  	s5 =	sadd.s32 @p0 $0x11B8D, s5;
	s6 =	sshll.u32 @p0 s4, $0x11  }
0xaa: {  	s5 =	sor.u32 @p0 s6, s5  }
0xab: {  	[sflag:s5] =	ssyncadd.remote.s32 @p0 $0x1;
	_ =	sdelay $0x1  }
0xac: {  	s5 =	simm.s32 @p0 $0x1B8D  }
0xad: {  	_ =	swait.eq @p0 [sflag:s5], $0x1  }
0xae: {  	[sflag:s5] =	ssyncadd.s32 @p0 $0xFFFFFFFF  }
0xaf: {  	s6 =	sshll.u32 @!p0 s1, $0xE  }
0xb0: {  	s6 =	sor.u32 @!p0 $0x4000, s6;
	s5 =	simm.s32 @!p0 $0x1B8D  }
0xb1: {  	s4 =	sshll.u32 @!p0 s4, $0x11;
	s6 =	sadd.s32 @!p0 $0x11B8D, s6;
	_ =	swait.eq @!p0 [sflag:s5], $0x1  }
0xb2: {  	s4 =	sor.u32 @!p0 s4, s6;
	[sflag:s5] =	ssyncadd.s32 @!p0 $0xFFFFFFFF  }
0xb3: {  	s25 =	simm.s32 $0x1B8E;
	s24 =	sld [smem:$0x3FFE];
	[sflag:s4] =	ssyncadd.remote.s32 @!p0 $0x1  }
0xb4: {  	s26 =	simm.s32 $execute0_lowered;
	[smem:$0x3FD2] =	sst s25  }
0xb5: {  	s5 =	sshll.u32 s26, $0x1;
	_ =	strace $0x80000049;
	[dreg:$0x1] =	wrdreg $0xFFFFFFFF  }
0xb6: {  	s28 =	simm.s32 $_size_execute0_lowered;
	s3 =	sadd.s32 s3, s5;
	[dreg:$0x0] =	wrdreg $0x0  }
0xb7: {  	s5 =	sshll.u32 s28, $0x1;
	[dreg:$0x2] =	wrdreg s3  }
0xb8: {  	[dreg:$0x3] =	wrdreg s5  }
0xb9: {  	[dreg:$0x4] =	wrdreg $0xC0  }
0xba: {  	_ =	task [dreg:s22], $0x5FFFF  }
0xbb: {  	[dreg:$0x1] =	wrdreg $0xFFFFFFFF  }
0xbc: {  	[dreg:$0x0] =	wrdreg $0x60  }
0xbd: {  	[dreg:$0x2] =	wrdreg s24  }
0xbe: {  	[dreg:$0x3] =	wrdreg $0x9  }
0xbf: {  	_ =	task.clear_ibuf [dreg:s22], $0x4FFFF;
	_ =	strace $0x90000049  }
0xc0: {  	s29 =	simm.s32 $0x9;
	_ =	strace $0x8000004B  }
0xc1: {  	_ =	swait.ge [sflag:s29], $0x1  }
0xc2: {  	[sflag:s29] =	ssyncadd.s32 $0xFFFFFFFF  }
0xc3: {  	_ =	strace $0x9000004B  }
0xc4: {  	_ =	sfence  }
0xc5: {  	s30 =	sld [smem:$0x0];
	_ =	sdelay $0x2  }
0xc6: {  	s31 =	sshll.u32 s1, $0xD;
	s1 =	sshrl.u32 s1, $0x2  }
0xc7: {  	s4 =	sand.u32 $0x4000, s31;
	s1 =	sadd.s32 s1, s30  }
0xc8: {  	s0 =	sor.u32 s4, s0;
	s1 =	sshll.u32 s1, $0x11  }
0xc9: {  	s0 =	sor.u32 s1, s0  }
0xca: {  	s0 =	sadd.s32 $0x8F2B, s0  }
0xcb: {  	[sflag:s0] =	ssyncadd.remote.s32 $0x1  }
0xcc: {  	_ =	sfence.sel $0xFFFF  }
0xcd: {  	[dreg:$0x0] =	wrdreg $0xFFFFFFFF;
	(pc) =	sbr.abs _section_cstart, $3  }
0xce: {  	[dreg:$0x1] =	wrdreg $0xFFFFFFFF  }
0xcf: {  	_ =	task.clear_ibuf [dreg:s22], $0x2FFFF;
	_ =	strace $0x9FFFFFFF  }
0xd0: {  	(tm) =	ssettm $0x7FFFFFFF  }
0xd1: {  	_ =	shalt  }
tec
execute0_lowered:
.L_overlay_start_1:
0x0: {  	(tag) =	ssettag $0x1  }
0x1: {  	s4 =	rddreg [dreg:$0x0]  }
0x2: {  	s0 =	rddreg [dreg:$0x1];
	s2 =	simm.s32 $0x0;
	s3 =	srdreg.scid  }
0x3: {  	s1 =	stileid.u32;
	s10 =	simm.s32 $0x0;
	[smem:$0x7FF] =	sst s2  }
0x4: {  	s5 =	sand.u32 $0x1, s3;
	s6 =	sshll.u32 s1, $0xD;
	s3 =	sadd.s32 $0x48600, s4  }
0x5: {  	s8 =	sshll.u32 s1, $0x11;
	_ =	strace $0x8000004A;
	s7 =	sshll.u32 s5, $0xC  }
0x6: {  	s31 =	ssub.s32 $0x2, s5;
	s8 =	sadd.s32 s8, s4;
	s5 =	sshll.u32 s5, $0x10  }
0x7: {  	s6 =	sor.u32 s7, s6;
	s9 =	sshrl.u32 s31, $0x1;
	s5 =	sadd.s32 s5, s8  }
0x8: {  	s8 =	simm.s32 $0x200;
	s6 =	sshrl.u32 s6, $0x3;
	s7 =	ssub.s32 s31, s9  }
0x9: {  	s5 =	sadd.s32 $0x28C600, s5;
	s9 =	simm.s32 $0x1;
	s6 =	sadd.s32 s6, s4  }
0xa: {  	s4 =	smax.u32 s7, $0x1;
	s7 =	simm.s32 $0x2;
	s6 =	sadd.s32 $0x288600, s6  }
.LBB2_1:
0xb: {  	s11 =	sadd.s32 $0x0, s6  }
0xc: {  	[tilespmem:s2], [sflag:$0x2] =	stream.linear.gather [hbm4b:s11+s2], $0x200, $0x38;
	[tilespmem:$0x10200] =	vst v63  }
0xd: {  	_ =	swait.ge [sflag:s7], $0x200  }
0xe: {  	[sflag:s7] =	ssyncset.done $0x0  }
0xf: {  	[sflag:s7] =	ssyncadd.s32 $0xFFFFFE00  }
0x10: {  	[tilespmem:s8], [sflag:$0x1] =	stream.indirect.gather [hbm4b:s3+s8], $0x80, s2, s8, $0xb8;
	[tilespmem:$0x10200] =	vst v63  }
0x11: {  	_ =	swait.ge [sflag:s9], $0x10000  }
0x12: {  	[sflag:s9] =	ssyncset.done $0x0  }
0x13: {  	[sflag:s9] =	ssyncadd.s32 $0xFFFF0000  }
0x14: {  	[hbm4b:s5+s2] =	stream.linear.scatter [tilespmem:s8], [sflag:$0x2], $0x10000, $0x38;
	[tilespmem:$0x10200] =	vst v63  }
0x15: {  	s12 =	simm.s32 $0x40;
	_ =	swait.ge [sflag:s7], $0x10000  }
0x16: {  	s13 =	simm.s32 $0x80;
	s11 =	sadd.s32 $0x2000, s5;
	[sflag:s7] =	ssyncset.done $0x0  }
.LBB2_2:
0x17: {  	s14 =	sadd.s32 s12, s6  }
0x18: {  	[sflag:s7] =	ssyncadd.s32 $0xFFFF0000;
	s12 =	smov.u32 s13;
	s15 =	sadd.s32 $0x40, s13  }
0x19: {  	[tilespmem:s2], [sflag:$0x2] =	stream.linear.gather [hbm4b:s14+s2], $0x200, $0x38;
	[tilespmem:$0x10200] =	vst v63  }
0x1a: {  	p0 =	sne.s32 s13, $0x1C0;
	_ =	swait.ge [sflag:s7], $0x200  }
0x1b: {  	[sflag:s7] =	ssyncset.done $0x0  }
0x1c: {  	[sflag:s7] =	ssyncadd.s32 $0xFFFFFE00  }
0x1d: {  	[tilespmem:s8], [sflag:$0x1] =	stream.indirect.gather [hbm4b:s3+s8], $0x80, s2, s8, $0xb8;
	[tilespmem:$0x10200] =	vst v63  }
0x1e: {  	_ =	swait.ge [sflag:s9], $0x10000  }
.Ltmp0:
0x1f: {  	[sflag:s9] =	ssyncset.done $0x0;
	(pc) =	sbr.rel @p0 .LBB2_2-.Ltmp0, $4  }
0x20: {  	[sflag:s9] =	ssyncadd.s32 $0xFFFF0000  }
0x21: {  	[hbm4b:s11+s2] =	stream.linear.scatter [tilespmem:s8], [sflag:$0x2], $0x10000, $0x38;
	[tilespmem:$0x10200] =	vst v63  }
0x22: {  	_ =	swait.ge [sflag:s7], $0x10000  }
0x23: {  	s13 =	smov.u32 s15;
	s11 =	sadd.s32 $0x2000, s11;
	[sflag:s7] =	ssyncset.done $0x0  }
0x24: {  	s12 =	sadd.s32 s12, s6;
	[sflag:s7] =	ssyncadd.s32 $0xFFFF0000  }
0x25: {  	[tilespmem:s2], [sflag:$0x2] =	stream.linear.gather [hbm4b:s12+s2], $0x200, $0x38;
	[tilespmem:$0x10200] =	vst v63  }
0x26: {  	_ =	swait.ge [sflag:s7], $0x200  }
0x27: {  	[sflag:s7] =	ssyncset.done $0x0  }
0x28: {  	[sflag:s7] =	ssyncadd.s32 $0xFFFFFE00  }
0x29: {  	[tilespmem:s8], [sflag:$0x1] =	stream.indirect.gather [hbm4b:s3+s8], $0x80, s2, s8, $0xb8;
	[tilespmem:$0x10200] =	vst v63  }
0x2a: {  	s10 =	sadd.s32 $0x1, s10;
	_ =	swait.ge [sflag:s9], $0x10000  }
0x2b: {  	p0 =	sne.s32 s10, s4;
	[sflag:s9] =	ssyncset.done $0x0  }
.Ltmp1:
0x2c: {  	[sflag:s9] =	ssyncadd.s32 $0xFFFF0000;
	(pc) =	sbr.rel @p0 .LBB2_1-.Ltmp1, $4  }
0x2d: {  	[hbm4b:s11+s2] =	stream.linear.scatter [tilespmem:s8], [sflag:$0x2], $0x10000, $0x38;
	[tilespmem:$0x10200] =	vst v63  }
0x2e: {  	_ =	swait.ge [sflag:s7], $0x10000  }
0x2f: {  	[sflag:s7] =	ssyncset.done $0x0  }
0x30: {  	[sflag:s7] =	ssyncadd.s32 $0xFFFF0000  }
0x31: {  	_ =	sfence.sel $0x180000  }
0x32: {  	[bflag:$0x0] =	sbarrier.arrive $0xFFFF  }
0x33: {  	p0 =	sne.s32 s1, $0x0;
	_ =	strace $0x9000004A  }
0x34: {  	s0 =	sadd.s32 @!p0 $0x100000, s0;
	[bflag:$0x2] =	sbarrier.arrive $0xFFFF  }
0x35: {  	[sflag:s0] =	ssyncadd.tile.s32 @!p0 $0x1;
	_ =	shalt  }
.Lfunc_end2:
_tile_overlayer_lowered:
.L_overlay_start_2:
0x36: {  	(tag) =	ssettag $0x2  }
0x37: {  	s0 =	rddreg [dreg:$0x0];
	s2 =	stileid.u32  }
0x38: {  	s1 =	rddreg [dreg:$0x1];
	p0 =	sne.s32 s2, $0x0  }
0x39: {  	s3 =	rddreg [dreg:$0x2];
	[bflag:$0x3] =	sbarrier.arrive $0xFFFF;
	s2 =	simm.s32 @!p0 $0x1C02  }
0x3a: {  	[timem:s3], [sflag:s2] =	dma.local @!p0 [hbm:s0], s1  }
0x3b: {  	s0 =	simm.s32 @!p0 $0x2  }
0x3c: {  	_ =	swait.ge @!p0 [sflag:s0], s1  }
0x3d: {  	s1 =	ssub.s32 @!p0 $0x0, s1;
	[sflag:s0] =	ssyncset.done @!p0 $0x0  }
0x3e: {  	[sflag:s0] =	ssyncadd.s32 @!p0 s1  }
0x3f: {  	[bflag:$0x3] =	sbarrier.arrive $0xFFFF  }
0x40: {  	_ =	shalt  }

</sc_bundles>
